<compile_context>
chip_gen: v7x
topology: tpu7x:2x2x1
jax: 0.10.2.dev20260603
libtpu: 0.0.44.dev20260713+nightly
codegen_flags: <defaults>
</compile_context>

<pallas_src>
import functools

import jax
import jax.numpy as jnp
from jax import lax
from jax.experimental import pallas as pl
from jax.experimental.pallas import tpu as pltpu
from jax.experimental.pallas import tpu_sc as plsc

H = 1024
I = 4096
E = 64
K = 8
F = 512
N = 2048
NK = N * K
TM = 512
NTILES = NK // TM
NSTEPS = NTILES + E - 1

NC = 2
NS = 16
NW = NC * NS

NEGINF = -1e30


def _router_body(x_ref, wg_ref, logits_ref, w_ref, pos_ref, counts_ref):
    x = x_ref[...]
    wg = wg_ref[...]
    logits = jax.lax.dot_general(
        x, wg, (((1,), (1,)), ((), ())), preferred_element_type=jnp.float32
    )
    iota_e = jax.lax.broadcasted_iota(jnp.int32, (N, E), 1)
    cur = logits
    vals, sels = [], []
    mask = jnp.zeros((N, E), jnp.float32)
    for _ in range(K):
        m = jnp.max(cur, axis=1, keepdims=True)
        idx = jnp.min(jnp.where(cur == m, iota_e, E), axis=1, keepdims=True)
        vals.append(m)
        sels.append(idx)
        mask = mask + jnp.where(iota_e == idx, 1.0, 0.0)
        cur = jnp.where(iota_e == idx, NEGINF, cur)
    exps = [jnp.exp(v - vals[0]) for v in vals]
    denom = functools.reduce(jnp.add, exps)
    c = mask
    sh = 1
    while sh < N:
        c = c + jnp.concatenate(
            [jnp.zeros((sh, E), jnp.float32), c[: N - sh]], axis=0)
        sh *= 2
    rank = c - mask
    counts = c[N - 1:N, :]
    cc = counts
    sh = 1
    while sh < E:
        cc = cc + jnp.concatenate(
            [jnp.zeros((1, sh), jnp.float32), cc[:, : E - sh]], axis=1)
        sh *= 2
    offs = cc - counts
    posfull = offs + rank
    pos_cols = [
        jnp.sum(jnp.where(iota_e == sels[k], posfull, 0.0), axis=1,
                keepdims=True)
        for k in range(K)
    ]
    logits_ref[...] = logits
    w_ref[...] = jnp.concatenate([e / denom for e in exps], axis=1)
    pos_ref[...] = jnp.concatenate(pos_cols, axis=1).astype(jnp.int32)
    counts_ref[...] = counts.astype(jnp.int32)


def _shared_body(xb_ref, w1_ref, w2_ref, out_ref):
    i = pl.program_id(0)

    @pl.when(i == 0)
    def _():
        out_ref[...] = jnp.zeros_like(out_ref)

    xb = xb_ref[...]
    w1 = w1_ref[...].astype(jnp.bfloat16)
    h = jax.lax.dot_general(
        xb, w1, (((1,), (1,)), ((), ())), preferred_element_type=jnp.float32
    )
    h = h * jax.nn.sigmoid(h)
    w2 = w2_ref[...].astype(jnp.bfloat16)
    out_ref[...] += jax.lax.dot_general(
        h.astype(jnp.bfloat16), w2, (((1,), (1,)), ((), ())),
        preferred_element_type=jnp.float32,
    )


def _gmm_body(tile_ref, gid_ref, lo_ref, hi_ref, last_ref, xs_ref, w1_ref,
              w2_ref, out_ref, acc_ref):
    s = pl.program_id(0)
    lo = lo_ref[s]
    hi = hi_ref[s]
    tile = tile_ref[s]

    @pl.when(lo < hi)
    def _():
        xs32 = xs_ref[...]
        xlo = jax.lax.bitcast_convert_type(
            xs32 << 16, jnp.float32).astype(jnp.bfloat16)
        xhi = jax.lax.bitcast_convert_type(
            xs32 & jnp.int32(-65536), jnp.float32).astype(jnp.bfloat16)
        w1 = w1_ref[0].astype(jnp.bfloat16)
        h = jax.lax.dot_general(
            xlo, w1[:, : H // 2], (((1,), (1,)), ((), ())),
            preferred_element_type=jnp.float32)
        h += jax.lax.dot_general(
            xhi, w1[:, H // 2:], (((1,), (1,)), ((), ())),
            preferred_element_type=jnp.float32)
        h = h * jax.nn.sigmoid(h)
        o = jax.lax.dot_general(
            h.astype(jnp.bfloat16), w2_ref[0].astype(jnp.bfloat16),
            (((1,), (1,)), ((), ())), preferred_element_type=jnp.float32,
        )
        olo = jax.lax.bitcast_convert_type(
            o[:, : H // 2].astype(jnp.bfloat16).astype(jnp.float32),
            jnp.int32)
        ohi = jax.lax.bitcast_convert_type(
            o[:, H // 2:].astype(jnp.bfloat16).astype(jnp.float32),
            jnp.int32)
        o32 = ((olo >> 16) & 65535) | (ohi & jnp.int32(-65536))
        r = jax.lax.broadcasted_iota(jnp.int32, (TM, H // 2), 0) + tile * TM
        sel = (r >= lo) & (r < hi)
        acc_ref[...] = jnp.where(sel, o32, acc_ref[...])

    @pl.when(last_ref[s] == 1)
    def _():
        out_ref[...] = acc_ref[...]


def _combine_body(yg_ref, w_ref, shared_ref, out_ref):
    k = pl.program_id(1)

    @pl.when(k == 0)
    def _():
        out_ref[...] = shared_ref[...]

    iota_k = jax.lax.broadcasted_iota(jnp.int32, (w_ref.shape[0], K), 1)
    wk = jnp.sum(jnp.where(iota_k == k, w_ref[...], 0.0), axis=1,
                 keepdims=True)
    yg32 = yg_ref[...]
    flo = jax.lax.bitcast_convert_type(yg32 << 16, jnp.float32)
    fhi = jax.lax.bitcast_convert_type(yg32 & jnp.int32(-65536), jnp.float32)
    out_ref[...] += wk * jnp.concatenate([flo, fhi], axis=1)


def _sc_dispatch_rows(src, tok, pos, chunk=64):
    j = tok.shape[0]
    d = src.shape[1]
    per_w = j // NW
    mesh = plsc.VectorSubcoreMesh(core_axis_name="c", subcore_axis_name="s")

    @functools.partial(
        pl.kernel, mesh=mesh,
        out_type=jax.ShapeDtypeStruct((j, d), src.dtype),
        scratch_types=[
            pltpu.VMEM((chunk,), jnp.int32),
            pltpu.VMEM((chunk,), jnp.int32),
            pltpu.VMEM((chunk, d), src.dtype),
            pltpu.SemaphoreType.DMA,
        ],
    )
    def kern(src_hbm, tok_hbm, pos_hbm, out_hbm, tok_v, pos_v, rows_v, sem):
        wid = lax.axis_index("s") * NC + lax.axis_index("c")
        base = wid * per_w
        for c in range(per_w // chunk):
            off = base + c * chunk
            pltpu.sync_copy(tok_hbm.at[pl.ds(off, chunk)], tok_v)
            pltpu.sync_copy(pos_hbm.at[pl.ds(off, chunk)], pos_v)
            pltpu.async_copy(src_hbm.at[tok_v], rows_v, sem).wait()
            pltpu.async_copy(rows_v, out_hbm.at[pos_v], sem).wait()

    return kern(src, tok, pos)


def _sc_gather_rows(src, idx, chunk=64):
    j = idx.shape[0]
    d = src.shape[1]
    per_w = j // NW
    mesh = plsc.VectorSubcoreMesh(core_axis_name="c", subcore_axis_name="s")

    @functools.partial(
        pl.kernel, mesh=mesh,
        out_type=jax.ShapeDtypeStruct((j, d), src.dtype),
        scratch_types=[
            pltpu.VMEM((chunk,), jnp.int32),
            pltpu.VMEM((chunk, d), src.dtype),
            pltpu.SemaphoreType.DMA,
        ],
    )
    def kern(src_hbm, idx_hbm, out_hbm, idx_v, rows_v, sem):
        wid = lax.axis_index("s") * NC + lax.axis_index("c")
        base = wid * per_w
        for c in range(per_w // chunk):
            off = base + c * chunk
            pltpu.sync_copy(idx_hbm.at[pl.ds(off, chunk)], idx_v)
            pltpu.async_copy(src_hbm.at[idx_v], rows_v, sem).wait()
            pltpu.sync_copy(rows_v, out_hbm.at[pl.ds(off, chunk)])

    return kern(src, idx)


def _metadata(counts):
    ends = jnp.cumsum(counts)
    starts = ends - counts
    first_tile = starts // TM
    last_tile = jnp.where(counts > 0, (ends - 1) // TM, 0)
    span = jnp.where(counts > 0, last_tile - first_tile + 1, 0)
    cum = jnp.cumsum(span)
    total = cum[-1]
    sidx = jnp.arange(NSTEPS, dtype=jnp.int32)
    gid = jnp.searchsorted(cum, sidx, side="right").astype(jnp.int32)
    valid = sidx < total
    gid_last = jnp.searchsorted(cum, total - 1, side="right").astype(jnp.int32)
    gidc = jnp.where(valid, jnp.minimum(gid, E - 1), gid_last)
    local = sidx - (cum[gidc] - span[gidc])
    tile = jnp.where(valid, first_tile[gidc] + local, NTILES - 1).astype(jnp.int32)
    lo = jnp.where(valid, jnp.maximum(starts[gidc], tile * TM), 0).astype(jnp.int32)
    hi = jnp.where(valid, jnp.minimum(ends[gidc], (tile + 1) * TM), 0).astype(jnp.int32)
    tile_next = jnp.concatenate([tile[1:], tile[:1]])
    last = jnp.where(
        valid, ((sidx + 1 == total) | (tile_next != tile)).astype(jnp.int32), 0
    ).astype(jnp.int32)
    return tile, gidc, lo, hi, last


def kernel(hidden_states, Wg, W1s, W2s, W1, W2):
    b, s, h = hidden_states.shape
    x = hidden_states.reshape(-1, h)
    xb = x.astype(jnp.bfloat16)

    logits, w, pos, counts = pl.pallas_call(
        _router_body,
        out_shape=(
            jax.ShapeDtypeStruct((N, E), jnp.float32),
            jax.ShapeDtypeStruct((N, K), jnp.float32),
            jax.ShapeDtypeStruct((N, K), jnp.int32),
            jax.ShapeDtypeStruct((1, E), jnp.int32),
        ),
    )(x, Wg)

    IC = 512
    shared = pl.pallas_call(
        _shared_body,
        grid=(I // IC,),
        in_specs=[
            pl.BlockSpec((N, H), lambda i: (0, 0)),
            pl.BlockSpec((IC, H), lambda i: (i, 0)),
            pl.BlockSpec((H, IC), lambda i: (0, i)),
        ],
        out_specs=pl.BlockSpec((N, H), lambda i: (0, 0)),
        out_shape=jax.ShapeDtypeStruct((N, H), jnp.float32),
    )(xb, W1s, W2s)

    tok = jnp.arange(NK, dtype=jnp.int32) // K
    pos_flat = pos.reshape(NK)
    lo16 = jax.lax.bitcast_convert_type(
        xb[:, : H // 2], jnp.uint16).astype(jnp.uint32)
    hi16 = jax.lax.bitcast_convert_type(
        xb[:, H // 2:], jnp.uint16).astype(jnp.uint32)
    xb32 = jax.lax.bitcast_convert_type(lo16 | (hi16 << 16), jnp.int32)
    xs = _sc_dispatch_rows(xb32, tok, pos_flat)

    tile, gid, lo, hi, lastf = _metadata(counts[0])
    ys = pl.pallas_call(
        _gmm_body,
        grid_spec=pltpu.PrefetchScalarGridSpec(
            num_scalar_prefetch=5,
            grid=(NSTEPS,),
            in_specs=[
                pl.BlockSpec((TM, H // 2),
                             lambda st, t, g, l, hh, lf: (t[st], 0)),
                pl.BlockSpec((1, F, H),
                             lambda st, t, g, l, hh, lf: (g[st], 0, 0)),
                pl.BlockSpec((1, H, F),
                             lambda st, t, g, l, hh, lf: (g[st], 0, 0)),
            ],
            out_specs=pl.BlockSpec((TM, H // 2),
                                   lambda st, t, g, l, hh, lf: (t[st], 0)),
            scratch_shapes=[pltpu.VMEM((TM, H // 2), jnp.int32)],
        ),
        out_shape=jax.ShapeDtypeStruct((NK, H // 2), jnp.int32),
    )(tile, gid, lo, hi, lastf, xs, W1, W2)

    pos_kmaj = pos.T.reshape(NK)
    yg = _sc_gather_rows(ys, pos_kmaj)

    TN = 256
    out = pl.pallas_call(
        _combine_body,
        grid=(N // TN, K),
        in_specs=[
            pl.BlockSpec((TN, H // 2), lambda t, k: (k * (N // TN) + t, 0)),
            pl.BlockSpec((TN, K), lambda t, k: (t, 0)),
            pl.BlockSpec((TN, H), lambda t, k: (t, 0)),
        ],
        out_specs=pl.BlockSpec((TN, H), lambda t, k: (t, 0)),
        out_shape=jax.ShapeDtypeStruct((N, H), jnp.float32),
    )(yg, w, shared)

    return (out.reshape(b, s, h), logits.reshape(b, s, E))

# --- scband reference (transcript-rebuilt; emitter-appended) ---
"""Pipeline reference for scband-deep-seek-mo-elayer-69389491634336 (READ-ONLY COPY).

The authoritative reference and input builder live on the scoring server;
editing this copy changes nothing except your own understanding.
"""

import jax, jax.numpy as jnp
import numpy as np

H = 1024
I = 4096
E = 64
K = 8
F = 512
B = 1
S = 2048


def silu(x):
    return x * jax.nn.sigmoid(x)


def setup_inputs(seed: int = 0) -> dict:
    key = jax.random.key(seed)
    ks = jax.random.split(key, 6)
    hidden_states = jax.random.normal(ks[0], (B, S, H), dtype=jnp.float32)
    # gate: nn.Linear(H, E, bias=False) -> weight [E, H]
    Wg = jax.random.normal(ks[1], (E, H), dtype=jnp.float32) * 0.02
    # shared expert: Linear(H, I) then Linear(I, H), torch weight layout [out, in]
    W1s = jax.random.normal(ks[2], (I, H), dtype=jnp.float32) * 0.02
    W2s = jax.random.normal(ks[3], (H, I), dtype=jnp.float32) * 0.02
    # routed experts: E x (Linear(H, F), Linear(F, H))
    W1 = jax.random.normal(ks[4], (E, F, H), dtype=jnp.float32) * 0.02
    W2 = jax.random.normal(ks[5], (E, H, F), dtype=jnp.float32) * 0.02
    return {"hidden_states": hidden_states, "Wg": Wg, "W1s": W1s, "W2s": W2s, "W1": W1, "W2": W2}


def reference(hidden_states, Wg, W1s, W2s, W1, W2):
    b, s, h = hidden_states.shape
    x = hidden_states.reshape(-1, h)  # [N, H]

    # shared expert (applied to every token)
    shared = silu(x @ W1s.T) @ W2s.T  # [N, H]

    # router
    logits = x @ Wg.T  # [N, E]
    vals, sel = jax.lax.top_k(logits, K)  # [N, K]
    w = jax.nn.softmax(vals, axis=-1)  # [N, K]

    out = jnp.zeros_like(x)
    for e in range(W1.shape[0]):
        we = jnp.sum(jnp.where(sel == e, w, jnp.zeros_like(w)), axis=-1)  # [N]
        he = silu(x @ W1[e].T) @ W2[e].T  # [N, H]
        out = out + we[:, None] * he  # combine; exact zero for unrouted tokens

    output = (shared + out).reshape(b, s, h)
    router_logits = logits.reshape(b, s, E)
    return (output, router_logits)

if __name__ == "__main__":
    import jax
    _d = setup_inputs()
    print(jax.jit(kernel)(*tuple(_d.values())))

</pallas_src>

<mosaic_0001>
#map = affine_map<(d0, d1) -> (0, 0)>
#map1 = affine_map<(d0, d1) -> (0)>
module attributes {stable_mosaic.version = 14 : i64} {
  func.func @kern(%arg0: i32, %arg1: i32, %arg2: memref<2048x512xi32, #tpu.memory_space<hbm>>, %arg3: memref<16384xi32, #tpu.memory_space<hbm>>, %arg4: memref<16384xi32, #tpu.memory_space<hbm>>, %arg5: memref<16384x512xi32, #tpu.memory_space<hbm>>, %arg6: memref<64xi32, #tpu.memory_space<vmem>>, %arg7: memref<64xi32, #tpu.memory_space<vmem>>, %arg8: memref<64x512xi32, #tpu.memory_space<vmem>>, %arg9: memref<!tpu.dma_semaphore, #tpu.memory_space<semaphore_mem>>) attributes {dimension_semantics = [#tpu.dimension_semantics<core_parallel>, #tpu.dimension_semantics<subcore_parallel>], iteration_bounds = array<i64: 2, 16>, scalar_prefetch = 0 : i64, scratch_operands = 4 : i64, tpu.core_type = #tpu.core_type<sc_vector_subcore>, window_params = [{transform_indices = #map}, {transform_indices = #map1}, {transform_indices = #map1}, {transform_indices = #map}]} {
    %mul3A = arith.constant 2 : i32
    %mul3A_0 = arith.muli %arg1, %mul3A : i32
    %add3A = arith.addi %mul3A_0, %arg0 : i32
    %mul3A_1 = arith.constant 512 : i32
    %mul3A_2 = arith.muli %add3A, %mul3A_1 : i32
    %add3A_3 = arith.constant 0 : i32
    %add3A_4 = arith.addi %mul3A_2, %add3A_3 : i32
    "tpu.region"() ({
      %run_scoped3A = tpu.sem_alloc : memref<!tpu.dma_semaphore, #tpu.memory_space<semaphore_mem>>
      %dma_start3A_113 = tpu.memref_slice %arg3[%add3A_4] : memref<16384xi32, #tpu.memory_space<hbm>> -> memref<64xi32, #tpu.memory_space<hbm>>
      %dma_start3A_114 = tpu.memref_slice %arg3[%add3A_4] : memref<16384xi32, #tpu.memory_space<hbm>> -> memref<64xi32, #tpu.memory_space<hbm>>
      tpu.enqueue_dma source(%dma_start3A_114 : memref<64xi32, #tpu.memory_space<hbm>>) target(%arg6 : memref<64xi32, #tpu.memory_space<vmem>>) target_semaphore(%run_scoped3A : memref<!tpu.dma_semaphore, #tpu.memory_space<semaphore_mem>>)
      %dma_wait3A_115 = tpu.memref_slice %arg3[%add3A_4] : memref<16384xi32, #tpu.memory_space<hbm>> -> memref<64xi32, #tpu.memory_space<hbm>>
      %dma_wait3A_116 = tpu.memref_slice %arg3[%add3A_4] : memref<16384xi32, #tpu.memory_space<hbm>> -> memref<64xi32, #tpu.memory_space<hbm>>
      tpu.wait_dma2 semaphore(%run_scoped3A : memref<!tpu.dma_semaphore, #tpu.memory_space<semaphore_mem>>) src(%dma_wait3A_116 : memref<64xi32, #tpu.memory_space<hbm>>) dst(%arg6 : memref<64xi32, #tpu.memory_space<vmem>>)
      tpu.yield
    }) : () -> ()
    "tpu.region"() ({
      %run_scoped3A = tpu.sem_alloc : memref<!tpu.dma_semaphore, #tpu.memory_space<semaphore_mem>>
      %dma_start3A_113 = tpu.memref_slice %arg4[%add3A_4] : memref<16384xi32, #tpu.memory_space<hbm>> -> memref<64xi32, #tpu.memory_space<hbm>>
      %dma_start3A_114 = tpu.memref_slice %arg4[%add3A_4] : memref<16384xi32, #tpu.memory_space<hbm>> -> memref<64xi32, #tpu.memory_space<hbm>>
      tpu.enqueue_dma source(%dma_start3A_114 : memref<64xi32, #tpu.memory_space<hbm>>) target(%arg7 : memref<64xi32, #tpu.memory_space<vmem>>) target_semaphore(%run_scoped3A : memref<!tpu.dma_semaphore, #tpu.memory_space<semaphore_mem>>)
      %dma_wait3A_115 = tpu.memref_slice %arg4[%add3A_4] : memref<16384xi32, #tpu.memory_space<hbm>> -> memref<64xi32, #tpu.memory_space<hbm>>
      %dma_wait3A_116 = tpu.memref_slice %arg4[%add3A_4] : memref<16384xi32, #tpu.memory_space<hbm>> -> memref<64xi32, #tpu.memory_space<hbm>>
      tpu.wait_dma2 semaphore(%run_scoped3A : memref<!tpu.dma_semaphore, #tpu.memory_space<semaphore_mem>>) src(%dma_wait3A_116 : memref<64xi32, #tpu.memory_space<hbm>>) dst(%arg7 : memref<64xi32, #tpu.memory_space<vmem>>)
      tpu.yield
    }) : () -> ()
    %dma_start3A = arith.constant 0 : i32
    %dma_start3A_5 = arith.constant 0 : i32
    %dma_start3A_6 = tpu.memref_slice %arg2[%dma_start3A, %dma_start3A_5] : memref<2048x512xi32, #tpu.memory_space<hbm>> -> memref<2048x512xi32, #tpu.memory_space<hbm>>
    tpu.enqueue_indirect_dma source(%dma_start3A_6 : memref<2048x512xi32, #tpu.memory_space<hbm>>) target(%arg8 : memref<64x512xi32, #tpu.memory_space<vmem>>) offsets(%arg6 : memref<64xi32, #tpu.memory_space<vmem>>) semaphore(%arg9 : memref<!tpu.dma_semaphore, #tpu.memory_space<semaphore_mem>>)
    %dma_wait3A = arith.constant 0 : i32
    %dma_wait3A_7 = arith.constant 0 : i32
    %dma_wait3A_8 = tpu.memref_slice %arg2[%dma_wait3A, %dma_wait3A_7] : memref<2048x512xi32, #tpu.memory_space<hbm>> -> memref<2048x512xi32, #tpu.memory_space<hbm>>
    tpu.wait_indirect_dma semaphore(%arg9 : memref<!tpu.dma_semaphore, #tpu.memory_space<semaphore_mem>>) src(%dma_wait3A_8 : memref<2048x512xi32, #tpu.memory_space<hbm>>) dst(%arg8 : memref<64x512xi32, #tpu.memory_space<vmem>>)
    %dma_start3A_9 = arith.constant 0 : i32
    %dma_start3A_10 = arith.constant 0 : i32
    %dma_start3A_11 = tpu.memref_slice %arg5[%dma_start3A_9, %dma_start3A_10] : memref<16384x512xi32, #tpu.memory_space<hbm>> -> memref<16384x512xi32, #tpu.memory_space<hbm>>
    tpu.enqueue_indirect_dma source(%arg8 : memref<64x512xi32, #tpu.memory_space<vmem>>) target(%dma_start3A_11 : memref<16384x512xi32, #tpu.memory_space<hbm>>) offsets(%arg7 : memref<64xi32, #tpu.memory_space<vmem>>) semaphore(%arg9 : memref<!tpu.dma_semaphore, #tpu.memory_space<semaphore_mem>>)
    %dma_wait3A_12 = arith.constant 0 : i32
    %dma_wait3A_13 = arith.constant 0 : i32
    %dma_wait3A_14 = tpu.memref_slice %arg5[%dma_wait3A_12, %dma_wait3A_13] : memref<16384x512xi32, #tpu.memory_space<hbm>> -> memref<16384x512xi32, #tpu.memory_space<hbm>>
    tpu.wait_indirect_dma semaphore(%arg9 : memref<!tpu.dma_semaphore, #tpu.memory_space<semaphore_mem>>) src(%arg8 : memref<64x512xi32, #tpu.memory_space<vmem>>) dst(%dma_wait3A_14 : memref<16384x512xi32, #tpu.memory_space<hbm>>)
    %add3A_15 = arith.constant 64 : i32
    %add3A_16 = arith.addi %mul3A_2, %add3A_15 : i32
    "tpu.region"() ({
      %run_scoped3A = tpu.sem_alloc : memref<!tpu.dma_semaphore, #tpu.memory_space<semaphore_mem>>
      %dma_start3A_113 = tpu.memref_slice %arg3[%add3A_16] : memref<16384xi32, #tpu.memory_space<hbm>> -> memref<64xi32, #tpu.memory_space<hbm>>
      %dma_start3A_114 = tpu.memref_slice %arg3[%add3A_16] : memref<16384xi32, #tpu.memory_space<hbm>> -> memref<64xi32, #tpu.memory_space<hbm>>
      tpu.enqueue_dma source(%dma_start3A_114 : memref<64xi32, #tpu.memory_space<hbm>>) target(%arg6 : memref<64xi32, #tpu.memory_space<vmem>>) target_semaphore(%run_scoped3A : memref<!tpu.dma_semaphore, #tpu.memory_space<semaphore_mem>>)
      %dma_wait3A_115 = tpu.memref_slice %arg3[%add3A_16] : memref<16384xi32, #tpu.memory_space<hbm>> -> memref<64xi32, #tpu.memory_space<hbm>>
      %dma_wait3A_116 = tpu.memref_slice %arg3[%add3A_16] : memref<16384xi32, #tpu.memory_space<hbm>> -> memref<64xi32, #tpu.memory_space<hbm>>
      tpu.wait_dma2 semaphore(%run_scoped3A : memref<!tpu.dma_semaphore, #tpu.memory_space<semaphore_mem>>) src(%dma_wait3A_116 : memref<64xi32, #tpu.memory_space<hbm>>) dst(%arg6 : memref<64xi32, #tpu.memory_space<vmem>>)
      tpu.yield
    }) : () -> ()
    "tpu.region"() ({
      %run_scoped3A = tpu.sem_alloc : memref<!tpu.dma_semaphore, #tpu.memory_space<semaphore_mem>>
      %dma_start3A_113 = tpu.memref_slice %arg4[%add3A_16] : memref<16384xi32, #tpu.memory_space<hbm>> -> memref<64xi32, #tpu.memory_space<hbm>>
      %dma_start3A_114 = tpu.memref_slice %arg4[%add3A_16] : memref<16384xi32, #tpu.memory_space<hbm>> -> memref<64xi32, #tpu.memory_space<hbm>>
      tpu.enqueue_dma source(%dma_start3A_114 : memref<64xi32, #tpu.memory_space<hbm>>) target(%arg7 : memref<64xi32, #tpu.memory_space<vmem>>) target_semaphore(%run_scoped3A : memref<!tpu.dma_semaphore, #tpu.memory_space<semaphore_mem>>)
      %dma_wait3A_115 = tpu.memref_slice %arg4[%add3A_16] : memref<16384xi32, #tpu.memory_space<hbm>> -> memref<64xi32, #tpu.memory_space<hbm>>
      %dma_wait3A_116 = tpu.memref_slice %arg4[%add3A_16] : memref<16384xi32, #tpu.memory_space<hbm>> -> memref<64xi32, #tpu.memory_space<hbm>>
      tpu.wait_dma2 semaphore(%run_scoped3A : memref<!tpu.dma_semaphore, #tpu.memory_space<semaphore_mem>>) src(%dma_wait3A_116 : memref<64xi32, #tpu.memory_space<hbm>>) dst(%arg7 : memref<64xi32, #tpu.memory_space<vmem>>)
      tpu.yield
    }) : () -> ()
    %dma_start3A_17 = arith.constant 0 : i32
    %dma_start3A_18 = arith.constant 0 : i32
    %dma_start3A_19 = tpu.memref_slice %arg2[%dma_start3A_17, %dma_start3A_18] : memref<2048x512xi32, #tpu.memory_space<hbm>> -> memref<2048x512xi32, #tpu.memory_space<hbm>>
    tpu.enqueue_indirect_dma source(%dma_start3A_19 : memref<2048x512xi32, #tpu.memory_space<hbm>>) target(%arg8 : memref<64x512xi32, #tpu.memory_space<vmem>>) offsets(%arg6 : memref<64xi32, #tpu.memory_space<vmem>>) semaphore(%arg9 : memref<!tpu.dma_semaphore, #tpu.memory_space<semaphore_mem>>)
    %dma_wait3A_20 = arith.constant 0 : i32
    %dma_wait3A_21 = arith.constant 0 : i32
    %dma_wait3A_22 = tpu.memref_slice %arg2[%dma_wait3A_20, %dma_wait3A_21] : memref<2048x512xi32, #tpu.memory_space<hbm>> -> memref<2048x512xi32, #tpu.memory_space<hbm>>
    tpu.wait_indirect_dma semaphore(%arg9 : memref<!tpu.dma_semaphore, #tpu.memory_space<semaphore_mem>>) src(%dma_wait3A_22 : memref<2048x512xi32, #tpu.memory_space<hbm>>) dst(%arg8 : memref<64x512xi32, #tpu.memory_space<vmem>>)
    %dma_start3A_23 = arith.constant 0 : i32
    %dma_start3A_24 = arith.constant 0 : i32
    %dma_start3A_25 = tpu.memref_slice %arg5[%dma_start3A_23, %dma_start3A_24] : memref<16384x512xi32, #tpu.memory_space<hbm>> -> memref<16384x512xi32, #tpu.memory_space<hbm>>
    tpu.enqueue_indirect_dma source(%arg8 : memref<64x512xi32, #tpu.memory_space<vmem>>) target(%dma_start3A_25 : memref<16384x512xi32, #tpu.memory_space<hbm>>) offsets(%arg7 : memref<64xi32, #tpu.memory_space<vmem>>) semaphore(%arg9 : memref<!tpu.dma_semaphore, #tpu.memory_space<semaphore_mem>>)
    %dma_wait3A_26 = arith.constant 0 : i32
    %dma_wait3A_27 = arith.constant 0 : i32
    %dma_wait3A_28 = tpu.memref_slice %arg5[%dma_wait3A_26, %dma_wait3A_27] : memref<16384x512xi32, #tpu.memory_space<hbm>> -> memref<16384x512xi32, #tpu.memory_space<hbm>>
    tpu.wait_indirect_dma semaphore(%arg9 : memref<!tpu.dma_semaphore, #tpu.memory_space<semaphore_mem>>) src(%arg8 : memref<64x512xi32, #tpu.memory_space<vmem>>) dst(%dma_wait3A_28 : memref<16384x512xi32, #tpu.memory_space<hbm>>)
    %add3A_29 = arith.constant 128 : i32
    %add3A_30 = arith.addi %mul3A_2, %add3A_29 : i32
    "tpu.region"() ({
      %run_scoped3A = tpu.sem_alloc : memref<!tpu.dma_semaphore, #tpu.memory_space<semaphore_mem>>
      %dma_start3A_113 = tpu.memref_slice %arg3[%add3A_30] : memref<16384xi32, #tpu.memory_space<hbm>> -> memref<64xi32, #tpu.memory_space<hbm>>
      %dma_start3A_114 = tpu.memref_slice %arg3[%add3A_30] : memref<16384xi32, #tpu.memory_space<hbm>> -> memref<64xi32, #tpu.memory_space<hbm>>
      tpu.enqueue_dma source(%dma_start3A_114 : memref<64xi32, #tpu.memory_space<hbm>>) target(%arg6 : memref<64xi32, #tpu.memory_space<vmem>>) target_semaphore(%run_scoped3A : memref<!tpu.dma_semaphore, #tpu.memory_space<semaphore_mem>>)
      %dma_wait3A_115 = tpu.memref_slice %arg3[%add3A_30] : memref<16384xi32, #tpu.memory_space<hbm>> -> memref<64xi32, #tpu.memory_space<hbm>>
      %dma_wait3A_116 = tpu.memref_slice %arg3[%add3A_30] : memref<16384xi32, #tpu.memory_space<hbm>> -> memref<64xi32, #tpu.memory_space<hbm>>
      tpu.wait_dma2 semaphore(%run_scoped3A : memref<!tpu.dma_semaphore, #tpu.memory_space<semaphore_mem>>) src(%dma_wait3A_116 : memref<64xi32, #tpu.memory_space<hbm>>) dst(%arg6 : memref<64xi32, #tpu.memory_space<vmem>>)
      tpu.yield
    }) : () -> ()
    "tpu.region"() ({
      %run_scoped3A = tpu.sem_alloc : memref<!tpu.dma_semaphore, #tpu.memory_space<semaphore_mem>>
      %dma_start3A_113 = tpu.memref_slice %arg4[%add3A_30] : memref<16384xi32, #tpu.memory_space<hbm>> -> memref<64xi32, #tpu.memory_space<hbm>>
      %dma_start3A_114 = tpu.memref_slice %arg4[%add3A_30] : memref<16384xi32, #tpu.memory_space<hbm>> -> memref<64xi32, #tpu.memory_space<hbm>>
      tpu.enqueue_dma source(%dma_start3A_114 : memref<64xi32, #tpu.memory_space<hbm>>) target(%arg7 : memref<64xi32, #tpu.memory_space<vmem>>) target_semaphore(%run_scoped3A : memref<!tpu.dma_semaphore, #tpu.memory_space<semaphore_mem>>)
      %dma_wait3A_115 = tpu.memref_slice %arg4[%add3A_30] : memref<16384xi32, #tpu.memory_space<hbm>> -> memref<64xi32, #tpu.memory_space<hbm>>
      %dma_wait3A_116 = tpu.memref_slice %arg4[%add3A_30] : memref<16384xi32, #tpu.memory_space<hbm>> -> memref<64xi32, #tpu.memory_space<hbm>>
      tpu.wait_dma2 semaphore(%run_scoped3A : memref<!tpu.dma_semaphore, #tpu.memory_space<semaphore_mem>>) src(%dma_wait3A_116 : memref<64xi32, #tpu.memory_space<hbm>>) dst(%arg7 : memref<64xi32, #tpu.memory_space<vmem>>)
      tpu.yield
    }) : () -> ()
    %dma_start3A_31 = arith.constant 0 : i32
    %dma_start3A_32 = arith.constant 0 : i32
    %dma_start3A_33 = tpu.memref_slice %arg2[%dma_start3A_31, %dma_start3A_32] : memref<2048x512xi32, #tpu.memory_space<hbm>> -> memref<2048x512xi32, #tpu.memory_space<hbm>>
    tpu.enqueue_indirect_dma source(%dma_start3A_33 : memref<2048x512xi32, #tpu.memory_space<hbm>>) target(%arg8 : memref<64x512xi32, #tpu.memory_space<vmem>>) offsets(%arg6 : memref<64xi32, #tpu.memory_space<vmem>>) semaphore(%arg9 : memref<!tpu.dma_semaphore, #tpu.memory_space<semaphore_mem>>)
    %dma_wait3A_34 = arith.constant 0 : i32
    %dma_wait3A_35 = arith.constant 0 : i32
    %dma_wait3A_36 = tpu.memref_slice %arg2[%dma_wait3A_34, %dma_wait3A_35] : memref<2048x512xi32, #tpu.memory_space<hbm>> -> memref<2048x512xi32, #tpu.memory_space<hbm>>
    tpu.wait_indirect_dma semaphore(%arg9 : memref<!tpu.dma_semaphore, #tpu.memory_space<semaphore_mem>>) src(%dma_wait3A_36 : memref<2048x512xi32, #tpu.memory_space<hbm>>) dst(%arg8 : memref<64x512xi32, #tpu.memory_space<vmem>>)
    %dma_start3A_37 = arith.constant 0 : i32
    %dma_start3A_38 = arith.constant 0 : i32
    %dma_start3A_39 = tpu.memref_slice %arg5[%dma_start3A_37, %dma_start3A_38] : memref<16384x512xi32, #tpu.memory_space<hbm>> -> memref<16384x512xi32, #tpu.memory_space<hbm>>
    tpu.enqueue_indirect_dma source(%arg8 : memref<64x512xi32, #tpu.memory_space<vmem>>) target(%dma_start3A_39 : memref<16384x512xi32, #tpu.memory_space<hbm>>) offsets(%arg7 : memref<64xi32, #tpu.memory_space<vmem>>) semaphore(%arg9 : memref<!tpu.dma_semaphore, #tpu.memory_space<semaphore_mem>>)
    %dma_wait3A_40 = arith.constant 0 : i32
    %dma_wait3A_41 = arith.constant 0 : i32
    %dma_wait3A_42 = tpu.memref_slice %arg5[%dma_wait3A_40, %dma_wait3A_41] : memref<16384x512xi32, #tpu.memory_space<hbm>> -> memref<16384x512xi32, #tpu.memory_space<hbm>>
    tpu.wait_indirect_dma semaphore(%arg9 : memref<!tpu.dma_semaphore, #tpu.memory_space<semaphore_mem>>) src(%arg8 : memref<64x512xi32, #tpu.memory_space<vmem>>) dst(%dma_wait3A_42 : memref<16384x512xi32, #tpu.memory_space<hbm>>)
    %add3A_43 = arith.constant 192 : i32
    %add3A_44 = arith.addi %mul3A_2, %add3A_43 : i32
    "tpu.region"() ({
      %run_scoped3A = tpu.sem_alloc : memref<!tpu.dma_semaphore, #tpu.memory_space<semaphore_mem>>
      %dma_start3A_113 = tpu.memref_slice %arg3[%add3A_44] : memref<16384xi32, #tpu.memory_space<hbm>> -> memref<64xi32, #tpu.memory_space<hbm>>
      %dma_start3A_114 = tpu.memref_slice %arg3[%add3A_44] : memref<16384xi32, #tpu.memory_space<hbm>> -> memref<64xi32, #tpu.memory_space<hbm>>
      tpu.enqueue_dma source(%dma_start3A_114 : memref<64xi32, #tpu.memory_space<hbm>>) target(%arg6 : memref<64xi32, #tpu.memory_space<vmem>>) target_semaphore(%run_scoped3A : memref<!tpu.dma_semaphore, #tpu.memory_space<semaphore_mem>>)
      %dma_wait3A_115 = tpu.memref_slice %arg3[%add3A_44] : memref<16384xi32, #tpu.memory_space<hbm>> -> memref<64xi32, #tpu.memory_space<hbm>>
      %dma_wait3A_116 = tpu.memref_slice %arg3[%add3A_44] : memref<16384xi32, #tpu.memory_space<hbm>> -> memref<64xi32, #tpu.memory_space<hbm>>
      tpu.wait_dma2 semaphore(%run_scoped3A : memref<!tpu.dma_semaphore, #tpu.memory_space<semaphore_mem>>) src(%dma_wait3A_116 : memref<64xi32, #tpu.memory_space<hbm>>) dst(%arg6 : memref<64xi32, #tpu.memory_space<vmem>>)
      tpu.yield
    }) : () -> ()
    "tpu.region"() ({
      %run_scoped3A = tpu.sem_alloc : memref<!tpu.dma_semaphore, #tpu.memory_space<semaphore_mem>>
      %dma_start3A_113 = tpu.memref_slice %arg4[%add3A_44] : memref<16384xi32, #tpu.memory_space<hbm>> -> memref<64xi32, #tpu.memory_space<hbm>>
      %dma_start3A_114 = tpu.memref_slice %arg4[%add3A_44] : memref<16384xi32, #tpu.memory_space<hbm>> -> memref<64xi32, #tpu.memory_space<hbm>>
      tpu.enqueue_dma source(%dma_start3A_114 : memref<64xi32, #tpu.memory_space<hbm>>) target(%arg7 : memref<64xi32, #tpu.memory_space<vmem>>) target_semaphore(%run_scoped3A : memref<!tpu.dma_semaphore, #tpu.memory_space<semaphore_mem>>)
      %dma_wait3A_115 = tpu.memref_slice %arg4[%add3A_44] : memref<16384xi32, #tpu.memory_space<hbm>> -> memref<64xi32, #tpu.memory_space<hbm>>
      %dma_wait3A_116 = tpu.memref_slice %arg4[%add3A_44] : memref<16384xi32, #tpu.memory_space<hbm>> -> memref<64xi32, #tpu.memory_space<hbm>>
      tpu.wait_dma2 semaphore(%run_scoped3A : memref<!tpu.dma_semaphore, #tpu.memory_space<semaphore_mem>>) src(%dma_wait3A_116 : memref<64xi32, #tpu.memory_space<hbm>>) dst(%arg7 : memref<64xi32, #tpu.memory_space<vmem>>)
      tpu.yield
    }) : () -> ()
    %dma_start3A_45 = arith.constant 0 : i32
    %dma_start3A_46 = arith.constant 0 : i32
    %dma_start3A_47 = tpu.memref_slice %arg2[%dma_start3A_45, %dma_start3A_46] : memref<2048x512xi32, #tpu.memory_space<hbm>> -> memref<2048x512xi32, #tpu.memory_space<hbm>>
    tpu.enqueue_indirect_dma source(%dma_start3A_47 : memref<2048x512xi32, #tpu.memory_space<hbm>>) target(%arg8 : memref<64x512xi32, #tpu.memory_space<vmem>>) offsets(%arg6 : memref<64xi32, #tpu.memory_space<vmem>>) semaphore(%arg9 : memref<!tpu.dma_semaphore, #tpu.memory_space<semaphore_mem>>)
    %dma_wait3A_48 = arith.constant 0 : i32
    %dma_wait3A_49 = arith.constant 0 : i32
    %dma_wait3A_50 = tpu.memref_slice %arg2[%dma_wait3A_48, %dma_wait3A_49] : memref<2048x512xi32, #tpu.memory_space<hbm>> -> memref<2048x512xi32, #tpu.memory_space<hbm>>
    tpu.wait_indirect_dma semaphore(%arg9 : memref<!tpu.dma_semaphore, #tpu.memory_space<semaphore_mem>>) src(%dma_wait3A_50 : memref<2048x512xi32, #tpu.memory_space<hbm>>) dst(%arg8 : memref<64x512xi32, #tpu.memory_space<vmem>>)
    %dma_start3A_51 = arith.constant 0 : i32
    %dma_start3A_52 = arith.constant 0 : i32
    %dma_start3A_53 = tpu.memref_slice %arg5[%dma_start3A_51, %dma_start3A_52] : memref<16384x512xi32, #tpu.memory_space<hbm>> -> memref<16384x512xi32, #tpu.memory_space<hbm>>
    tpu.enqueue_indirect_dma source(%arg8 : memref<64x512xi32, #tpu.memory_space<vmem>>) target(%dma_start3A_53 : memref<16384x512xi32, #tpu.memory_space<hbm>>) offsets(%arg7 : memref<64xi32, #tpu.memory_space<vmem>>) semaphore(%arg9 : memref<!tpu.dma_semaphore, #tpu.memory_space<semaphore_mem>>)
    %dma_wait3A_54 = arith.constant 0 : i32
    %dma_wait3A_55 = arith.constant 0 : i32
    %dma_wait3A_56 = tpu.memref_slice %arg5[%dma_wait3A_54, %dma_wait3A_55] : memref<16384x512xi32, #tpu.memory_space<hbm>> -> memref<16384x512xi32, #tpu.memory_space<hbm>>
    tpu.wait_indirect_dma semaphore(%arg9 : memref<!tpu.dma_semaphore, #tpu.memory_space<semaphore_mem>>) src(%arg8 : memref<64x512xi32, #tpu.memory_space<vmem>>) dst(%dma_wait3A_56 : memref<16384x512xi32, #tpu.memory_space<hbm>>)
    %add3A_57 = arith.constant 256 : i32
    %add3A_58 = arith.addi %mul3A_2, %add3A_57 : i32
    "tpu.region"() ({
      %run_scoped3A = tpu.sem_alloc : memref<!tpu.dma_semaphore, #tpu.memory_space<semaphore_mem>>
      %dma_start3A_113 = tpu.memref_slice %arg3[%add3A_58] : memref<16384xi32, #tpu.memory_space<hbm>> -> memref<64xi32, #tpu.memory_space<hbm>>
      %dma_start3A_114 = tpu.memref_slice %arg3[%add3A_58] : memref<16384xi32, #tpu.memory_space<hbm>> -> memref<64xi32, #tpu.memory_space<hbm>>
      tpu.enqueue_dma source(%dma_start3A_114 : memref<64xi32, #tpu.memory_space<hbm>>) target(%arg6 : memref<64xi32, #tpu.memory_space<vmem>>) target_semaphore(%run_scoped3A : memref<!tpu.dma_semaphore, #tpu.memory_space<semaphore_mem>>)
      %dma_wait3A_115 = tpu.memref_slice %arg3[%add3A_58] : memref<16384xi32, #tpu.memory_space<hbm>> -> memref<64xi32, #tpu.memory_space<hbm>>
      %dma_wait3A_116 = tpu.memref_slice %arg3[%add3A_58] : memref<16384xi32, #tpu.memory_space<hbm>> -> memref<64xi32, #tpu.memory_space<hbm>>
      tpu.wait_dma2 semaphore(%run_scoped3A : memref<!tpu.dma_semaphore, #tpu.memory_space<semaphore_mem>>) src(%dma_wait3A_116 : memref<64xi32, #tpu.memory_space<hbm>>) dst(%arg6 : memref<64xi32, #tpu.memory_space<vmem>>)
      tpu.yield
    }) : () -> ()
    "tpu.region"() ({
      %run_scoped3A = tpu.sem_alloc : memref<!tpu.dma_semaphore, #tpu.memory_space<semaphore_mem>>
      %dma_start3A_113 = tpu.memref_slice %arg4[%add3A_58] : memref<16384xi32, #tpu.memory_space<hbm>> -> memref<64xi32, #tpu.memory_space<hbm>>
      %dma_start3A_114 = tpu.memref_slice %arg4[%add3A_58] : memref<16384xi32, #tpu.memory_space<hbm>> -> memref<64xi32, #tpu.memory_space<hbm>>
      tpu.enqueue_dma source(%dma_start3A_114 : memref<64xi32, #tpu.memory_space<hbm>>) target(%arg7 : memref<64xi32, #tpu.memory_space<vmem>>) target_semaphore(%run_scoped3A : memref<!tpu.dma_semaphore, #tpu.memory_space<semaphore_mem>>)
      %dma_wait3A_115 = tpu.memref_slice %arg4[%add3A_58] : memref<16384xi32, #tpu.memory_space<hbm>> -> memref<64xi32, #tpu.memory_space<hbm>>
      %dma_wait3A_116 = tpu.memref_slice %arg4[%add3A_58] : memref<16384xi32, #tpu.memory_space<hbm>> -> memref<64xi32, #tpu.memory_space<hbm>>
      tpu.wait_dma2 semaphore(%run_scoped3A : memref<!tpu.dma_semaphore, #tpu.memory_space<semaphore_mem>>) src(%dma_wait3A_116 : memref<64xi32, #tpu.memory_space<hbm>>) dst(%arg7 : memref<64xi32, #tpu.memory_space<vmem>>)
      tpu.yield
    }) : () -> ()
    %dma_start3A_59 = arith.constant 0 : i32
    %dma_start3A_60 = arith.constant 0 : i32
    %dma_start3A_61 = tpu.memref_slice %arg2[%dma_start3A_59, %dma_start3A_60] : memref<2048x512xi32, #tpu.memory_space<hbm>> -> memref<2048x512xi32, #tpu.memory_space<hbm>>
    tpu.enqueue_indirect_dma source(%dma_start3A_61 : memref<2048x512xi32, #tpu.memory_space<hbm>>) target(%arg8 : memref<64x512xi32, #tpu.memory_space<vmem>>) offsets(%arg6 : memref<64xi32, #tpu.memory_space<vmem>>) semaphore(%arg9 : memref<!tpu.dma_semaphore, #tpu.memory_space<semaphore_mem>>)
    %dma_wait3A_62 = arith.constant 0 : i32
    %dma_wait3A_63 = arith.constant 0 : i32
    %dma_wait3A_64 = tpu.memref_slice %arg2[%dma_wait3A_62, %dma_wait3A_63] : memref<2048x512xi32, #tpu.memory_space<hbm>> -> memref<2048x512xi32, #tpu.memory_space<hbm>>
    tpu.wait_indirect_dma semaphore(%arg9 : memref<!tpu.dma_semaphore, #tpu.memory_space<semaphore_mem>>) src(%dma_wait3A_64 : memref<2048x512xi32, #tpu.memory_space<hbm>>) dst(%arg8 : memref<64x512xi32, #tpu.memory_space<vmem>>)
    %dma_start3A_65 = arith.constant 0 : i32
    %dma_start3A_66 = arith.constant 0 : i32
    %dma_start3A_67 = tpu.memref_slice %arg5[%dma_start3A_65, %dma_start3A_66] : memref<16384x512xi32, #tpu.memory_space<hbm>> -> memref<16384x512xi32, #tpu.memory_space<hbm>>
    tpu.enqueue_indirect_dma source(%arg8 : memref<64x512xi32, #tpu.memory_space<vmem>>) target(%dma_start3A_67 : memref<16384x512xi32, #tpu.memory_space<hbm>>) offsets(%arg7 : memref<64xi32, #tpu.memory_space<vmem>>) semaphore(%arg9 : memref<!tpu.dma_semaphore, #tpu.memory_space<semaphore_mem>>)
    %dma_wait3A_68 = arith.constant 0 : i32
    %dma_wait3A_69 = arith.constant 0 : i32
    %dma_wait3A_70 = tpu.memref_slice %arg5[%dma_wait3A_68, %dma_wait3A_69] : memref<16384x512xi32, #tpu.memory_space<hbm>> -> memref<16384x512xi32, #tpu.memory_space<hbm>>
    tpu.wait_indirect_dma semaphore(%arg9 : memref<!tpu.dma_semaphore, #tpu.memory_space<semaphore_mem>>) src(%arg8 : memref<64x512xi32, #tpu.memory_space<vmem>>) dst(%dma_wait3A_70 : memref<16384x512xi32, #tpu.memory_space<hbm>>)
    %add3A_71 = arith.constant 320 : i32
    %add3A_72 = arith.addi %mul3A_2, %add3A_71 : i32
    "tpu.region"() ({
      %run_scoped3A = tpu.sem_alloc : memref<!tpu.dma_semaphore, #tpu.memory_space<semaphore_mem>>
      %dma_start3A_113 = tpu.memref_slice %arg3[%add3A_72] : memref<16384xi32, #tpu.memory_space<hbm>> -> memref<64xi32, #tpu.memory_space<hbm>>
      %dma_start3A_114 = tpu.memref_slice %arg3[%add3A_72] : memref<16384xi32, #tpu.memory_space<hbm>> -> memref<64xi32, #tpu.memory_space<hbm>>
      tpu.enqueue_dma source(%dma_start3A_114 : memref<64xi32, #tpu.memory_space<hbm>>) target(%arg6 : memref<64xi32, #tpu.memory_space<vmem>>) target_semaphore(%run_scoped3A : memref<!tpu.dma_semaphore, #tpu.memory_space<semaphore_mem>>)
      %dma_wait3A_115 = tpu.memref_slice %arg3[%add3A_72] : memref<16384xi32, #tpu.memory_space<hbm>> -> memref<64xi32, #tpu.memory_space<hbm>>
      %dma_wait3A_116 = tpu.memref_slice %arg3[%add3A_72] : memref<16384xi32, #tpu.memory_space<hbm>> -> memref<64xi32, #tpu.memory_space<hbm>>
      tpu.wait_dma2 semaphore(%run_scoped3A : memref<!tpu.dma_semaphore, #tpu.memory_space<semaphore_mem>>) src(%dma_wait3A_116 : memref<64xi32, #tpu.memory_space<hbm>>) dst(%arg6 : memref<64xi32, #tpu.memory_space<vmem>>)
      tpu.yield
    }) : () -> ()
    "tpu.region"() ({
      %run_scoped3A = tpu.sem_alloc : memref<!tpu.dma_semaphore, #tpu.memory_space<semaphore_mem>>
      %dma_start3A_113 = tpu.memref_slice %arg4[%add3A_72] : memref<16384xi32, #tpu.memory_space<hbm>> -> memref<64xi32, #tpu.memory_space<hbm>>
      %dma_start3A_114 = tpu.memref_slice %arg4[%add3A_72] : memref<16384xi32, #tpu.memory_space<hbm>> -> memref<64xi32, #tpu.memory_space<hbm>>
      tpu.enqueue_dma source(%dma_start3A_114 : memref<64xi32, #tpu.memory_space<hbm>>) target(%arg7 : memref<64xi32, #tpu.memory_space<vmem>>) target_semaphore(%run_scoped3A : memref<!tpu.dma_semaphore, #tpu.memory_space<semaphore_mem>>)
      %dma_wait3A_115 = tpu.memref_slice %arg4[%add3A_72] : memref<16384xi32, #tpu.memory_space<hbm>> -> memref<64xi32, #tpu.memory_space<hbm>>
      %dma_wait3A_116 = tpu.memref_slice %arg4[%add3A_72] : memref<16384xi32, #tpu.memory_space<hbm>> -> memref<64xi32, #tpu.memory_space<hbm>>
      tpu.wait_dma2 semaphore(%run_scoped3A : memref<!tpu.dma_semaphore, #tpu.memory_space<semaphore_mem>>) src(%dma_wait3A_116 : memref<64xi32, #tpu.memory_space<hbm>>) dst(%arg7 : memref<64xi32, #tpu.memory_space<vmem>>)
      tpu.yield
    }) : () -> ()
    %dma_start3A_73 = arith.constant 0 : i32
    %dma_start3A_74 = arith.constant 0 : i32
    %dma_start3A_75 = tpu.memref_slice %arg2[%dma_start3A_73, %dma_start3A_74] : memref<2048x512xi32, #tpu.memory_space<hbm>> -> memref<2048x512xi32, #tpu.memory_space<hbm>>
    tpu.enqueue_indirect_dma source(%dma_start3A_75 : memref<2048x512xi32, #tpu.memory_space<hbm>>) target(%arg8 : memref<64x512xi32, #tpu.memory_space<vmem>>) offsets(%arg6 : memref<64xi32, #tpu.memory_space<vmem>>) semaphore(%arg9 : memref<!tpu.dma_semaphore, #tpu.memory_space<semaphore_mem>>)
    %dma_wait3A_76 = arith.constant 0 : i32
    %dma_wait3A_77 = arith.constant 0 : i32
    %dma_wait3A_78 = tpu.memref_slice %arg2[%dma_wait3A_76, %dma_wait3A_77] : memref<2048x512xi32, #tpu.memory_space<hbm>> -> memref<2048x512xi32, #tpu.memory_space<hbm>>
    tpu.wait_indirect_dma semaphore(%arg9 : memref<!tpu.dma_semaphore, #tpu.memory_space<semaphore_mem>>) src(%dma_wait3A_78 : memref<2048x512xi32, #tpu.memory_space<hbm>>) dst(%arg8 : memref<64x512xi32, #tpu.memory_space<vmem>>)
    %dma_start3A_79 = arith.constant 0 : i32
    %dma_start3A_80 = arith.constant 0 : i32
    %dma_start3A_81 = tpu.memref_slice %arg5[%dma_start3A_79, %dma_start3A_80] : memref<16384x512xi32, #tpu.memory_space<hbm>> -> memref<16384x512xi32, #tpu.memory_space<hbm>>
    tpu.enqueue_indirect_dma source(%arg8 : memref<64x512xi32, #tpu.memory_space<vmem>>) target(%dma_start3A_81 : memref<16384x512xi32, #tpu.memory_space<hbm>>) offsets(%arg7 : memref<64xi32, #tpu.memory_space<vmem>>) semaphore(%arg9 : memref<!tpu.dma_semaphore, #tpu.memory_space<semaphore_mem>>)
    %dma_wait3A_82 = arith.constant 0 : i32
    %dma_wait3A_83 = arith.constant 0 : i32
    %dma_wait3A_84 = tpu.memref_slice %arg5[%dma_wait3A_82, %dma_wait3A_83] : memref<16384x512xi32, #tpu.memory_space<hbm>> -> memref<16384x512xi32, #tpu.memory_space<hbm>>
    tpu.wait_indirect_dma semaphore(%arg9 : memref<!tpu.dma_semaphore, #tpu.memory_space<semaphore_mem>>) src(%arg8 : memref<64x512xi32, #tpu.memory_space<vmem>>) dst(%dma_wait3A_84 : memref<16384x512xi32, #tpu.memory_space<hbm>>)
    %add3A_85 = arith.constant 384 : i32
    %add3A_86 = arith.addi %mul3A_2, %add3A_85 : i32
    "tpu.region"() ({
      %run_scoped3A = tpu.sem_alloc : memref<!tpu.dma_semaphore, #tpu.memory_space<semaphore_mem>>
      %dma_start3A_113 = tpu.memref_slice %arg3[%add3A_86] : memref<16384xi32, #tpu.memory_space<hbm>> -> memref<64xi32, #tpu.memory_space<hbm>>
      %dma_start3A_114 = tpu.memref_slice %arg3[%add3A_86] : memref<16384xi32, #tpu.memory_space<hbm>> -> memref<64xi32, #tpu.memory_space<hbm>>
      tpu.enqueue_dma source(%dma_start3A_114 : memref<64xi32, #tpu.memory_space<hbm>>) target(%arg6 : memref<64xi32, #tpu.memory_space<vmem>>) target_semaphore(%run_scoped3A : memref<!tpu.dma_semaphore, #tpu.memory_space<semaphore_mem>>)
      %dma_wait3A_115 = tpu.memref_slice %arg3[%add3A_86] : memref<16384xi32, #tpu.memory_space<hbm>> -> memref<64xi32, #tpu.memory_space<hbm>>
      %dma_wait3A_116 = tpu.memref_slice %arg3[%add3A_86] : memref<16384xi32, #tpu.memory_space<hbm>> -> memref<64xi32, #tpu.memory_space<hbm>>
      tpu.wait_dma2 semaphore(%run_scoped3A : memref<!tpu.dma_semaphore, #tpu.memory_space<semaphore_mem>>) src(%dma_wait3A_116 : memref<64xi32, #tpu.memory_space<hbm>>) dst(%arg6 : memref<64xi32, #tpu.memory_space<vmem>>)
      tpu.yield
    }) : () -> ()
    "tpu.region"() ({
      %run_scoped3A = tpu.sem_alloc : memref<!tpu.dma_semaphore, #tpu.memory_space<semaphore_mem>>
      %dma_start3A_113 = tpu.memref_slice %arg4[%add3A_86] : memref<16384xi32, #tpu.memory_space<hbm>> -> memref<64xi32, #tpu.memory_space<hbm>>
      %dma_start3A_114 = tpu.memref_slice %arg4[%add3A_86] : memref<16384xi32, #tpu.memory_space<hbm>> -> memref<64xi32, #tpu.memory_space<hbm>>
      tpu.enqueue_dma source(%dma_start3A_114 : memref<64xi32, #tpu.memory_space<hbm>>) target(%arg7 : memref<64xi32, #tpu.memory_space<vmem>>) target_semaphore(%run_scoped3A : memref<!tpu.dma_semaphore, #tpu.memory_space<semaphore_mem>>)
      %dma_wait3A_115 = tpu.memref_slice %arg4[%add3A_86] : memref<16384xi32, #tpu.memory_space<hbm>> -> memref<64xi32, #tpu.memory_space<hbm>>
      %dma_wait3A_116 = tpu.memref_slice %arg4[%add3A_86] : memref<16384xi32, #tpu.memory_space<hbm>> -> memref<64xi32, #tpu.memory_space<hbm>>
      tpu.wait_dma2 semaphore(%run_scoped3A : memref<!tpu.dma_semaphore, #tpu.memory_space<semaphore_mem>>) src(%dma_wait3A_116 : memref<64xi32, #tpu.memory_space<hbm>>) dst(%arg7 : memref<64xi32, #tpu.memory_space<vmem>>)
      tpu.yield
    }) : () -> ()
    %dma_start3A_87 = arith.constant 0 : i32
    %dma_start3A_88 = arith.constant 0 : i32
    %dma_start3A_89 = tpu.memref_slice %arg2[%dma_start3A_87, %dma_start3A_88] : memref<2048x512xi32, #tpu.memory_space<hbm>> -> memref<2048x512xi32, #tpu.memory_space<hbm>>
    tpu.enqueue_indirect_dma source(%dma_start3A_89 : memref<2048x512xi32, #tpu.memory_space<hbm>>) target(%arg8 : memref<64x512xi32, #tpu.memory_space<vmem>>) offsets(%arg6 : memref<64xi32, #tpu.memory_space<vmem>>) semaphore(%arg9 : memref<!tpu.dma_semaphore, #tpu.memory_space<semaphore_mem>>)
    %dma_wait3A_90 = arith.constant 0 : i32
    %dma_wait3A_91 = arith.constant 0 : i32
    %dma_wait3A_92 = tpu.memref_slice %arg2[%dma_wait3A_90, %dma_wait3A_91] : memref<2048x512xi32, #tpu.memory_space<hbm>> -> memref<2048x512xi32, #tpu.memory_space<hbm>>
    tpu.wait_indirect_dma semaphore(%arg9 : memref<!tpu.dma_semaphore, #tpu.memory_space<semaphore_mem>>) src(%dma_wait3A_92 : memref<2048x512xi32, #tpu.memory_space<hbm>>) dst(%arg8 : memref<64x512xi32, #tpu.memory_space<vmem>>)
    %dma_start3A_93 = arith.constant 0 : i32
    %dma_start3A_94 = arith.constant 0 : i32
    %dma_start3A_95 = tpu.memref_slice %arg5[%dma_start3A_93, %dma_start3A_94] : memref<16384x512xi32, #tpu.memory_space<hbm>> -> memref<16384x512xi32, #tpu.memory_space<hbm>>
    tpu.enqueue_indirect_dma source(%arg8 : memref<64x512xi32, #tpu.memory_space<vmem>>) target(%dma_start3A_95 : memref<16384x512xi32, #tpu.memory_space<hbm>>) offsets(%arg7 : memref<64xi32, #tpu.memory_space<vmem>>) semaphore(%arg9 : memref<!tpu.dma_semaphore, #tpu.memory_space<semaphore_mem>>)
    %dma_wait3A_96 = arith.constant 0 : i32
    %dma_wait3A_97 = arith.constant 0 : i32
    %dma_wait3A_98 = tpu.memref_slice %arg5[%dma_wait3A_96, %dma_wait3A_97] : memref<16384x512xi32, #tpu.memory_space<hbm>> -> memref<16384x512xi32, #tpu.memory_space<hbm>>
    tpu.wait_indirect_dma semaphore(%arg9 : memref<!tpu.dma_semaphore, #tpu.memory_space<semaphore_mem>>) src(%arg8 : memref<64x512xi32, #tpu.memory_space<vmem>>) dst(%dma_wait3A_98 : memref<16384x512xi32, #tpu.memory_space<hbm>>)
    %add3A_99 = arith.constant 448 : i32
    %add3A_100 = arith.addi %mul3A_2, %add3A_99 : i32
    "tpu.region"() ({
      %run_scoped3A = tpu.sem_alloc : memref<!tpu.dma_semaphore, #tpu.memory_space<semaphore_mem>>
      %dma_start3A_113 = tpu.memref_slice %arg3[%add3A_100] : memref<16384xi32, #tpu.memory_space<hbm>> -> memref<64xi32, #tpu.memory_space<hbm>>
      %dma_start3A_114 = tpu.memref_slice %arg3[%add3A_100] : memref<16384xi32, #tpu.memory_space<hbm>> -> memref<64xi32, #tpu.memory_space<hbm>>
      tpu.enqueue_dma source(%dma_start3A_114 : memref<64xi32, #tpu.memory_space<hbm>>) target(%arg6 : memref<64xi32, #tpu.memory_space<vmem>>) target_semaphore(%run_scoped3A : memref<!tpu.dma_semaphore, #tpu.memory_space<semaphore_mem>>)
      %dma_wait3A_115 = tpu.memref_slice %arg3[%add3A_100] : memref<16384xi32, #tpu.memory_space<hbm>> -> memref<64xi32, #tpu.memory_space<hbm>>
      %dma_wait3A_116 = tpu.memref_slice %arg3[%add3A_100] : memref<16384xi32, #tpu.memory_space<hbm>> -> memref<64xi32, #tpu.memory_space<hbm>>
      tpu.wait_dma2 semaphore(%run_scoped3A : memref<!tpu.dma_semaphore, #tpu.memory_space<semaphore_mem>>) src(%dma_wait3A_116 : memref<64xi32, #tpu.memory_space<hbm>>) dst(%arg6 : memref<64xi32, #tpu.memory_space<vmem>>)
      tpu.yield
    }) : () -> ()
    "tpu.region"() ({
      %run_scoped3A = tpu.sem_alloc : memref<!tpu.dma_semaphore, #tpu.memory_space<semaphore_mem>>
      %dma_start3A_113 = tpu.memref_slice %arg4[%add3A_100] : memref<16384xi32, #tpu.memory_space<hbm>> -> memref<64xi32, #tpu.memory_space<hbm>>
      %dma_start3A_114 = tpu.memref_slice %arg4[%add3A_100] : memref<16384xi32, #tpu.memory_space<hbm>> -> memref<64xi32, #tpu.memory_space<hbm>>
      tpu.enqueue_dma source(%dma_start3A_114 : memref<64xi32, #tpu.memory_space<hbm>>) target(%arg7 : memref<64xi32, #tpu.memory_space<vmem>>) target_semaphore(%run_scoped3A : memref<!tpu.dma_semaphore, #tpu.memory_space<semaphore_mem>>)
      %dma_wait3A_115 = tpu.memref_slice %arg4[%add3A_100] : memref<16384xi32, #tpu.memory_space<hbm>> -> memref<64xi32, #tpu.memory_space<hbm>>
      %dma_wait3A_116 = tpu.memref_slice %arg4[%add3A_100] : memref<16384xi32, #tpu.memory_space<hbm>> -> memref<64xi32, #tpu.memory_space<hbm>>
      tpu.wait_dma2 semaphore(%run_scoped3A : memref<!tpu.dma_semaphore, #tpu.memory_space<semaphore_mem>>) src(%dma_wait3A_116 : memref<64xi32, #tpu.memory_space<hbm>>) dst(%arg7 : memref<64xi32, #tpu.memory_space<vmem>>)
      tpu.yield
    }) : () -> ()
    %dma_start3A_101 = arith.constant 0 : i32
    %dma_start3A_102 = arith.constant 0 : i32
    %dma_start3A_103 = tpu.memref_slice %arg2[%dma_start3A_101, %dma_start3A_102] : memref<2048x512xi32, #tpu.memory_space<hbm>> -> memref<2048x512xi32, #tpu.memory_space<hbm>>
    tpu.enqueue_indirect_dma source(%dma_start3A_103 : memref<2048x512xi32, #tpu.memory_space<hbm>>) target(%arg8 : memref<64x512xi32, #tpu.memory_space<vmem>>) offsets(%arg6 : memref<64xi32, #tpu.memory_space<vmem>>) semaphore(%arg9 : memref<!tpu.dma_semaphore, #tpu.memory_space<semaphore_mem>>)
    %dma_wait3A_104 = arith.constant 0 : i32
    %dma_wait3A_105 = arith.constant 0 : i32
    %dma_wait3A_106 = tpu.memref_slice %arg2[%dma_wait3A_104, %dma_wait3A_105] : memref<2048x512xi32, #tpu.memory_space<hbm>> -> memref<2048x512xi32, #tpu.memory_space<hbm>>
    tpu.wait_indirect_dma semaphore(%arg9 : memref<!tpu.dma_semaphore, #tpu.memory_space<semaphore_mem>>) src(%dma_wait3A_106 : memref<2048x512xi32, #tpu.memory_space<hbm>>) dst(%arg8 : memref<64x512xi32, #tpu.memory_space<vmem>>)
    %dma_start3A_107 = arith.constant 0 : i32
    %dma_start3A_108 = arith.constant 0 : i32
    %dma_start3A_109 = tpu.memref_slice %arg5[%dma_start3A_107, %dma_start3A_108] : memref<16384x512xi32, #tpu.memory_space<hbm>> -> memref<16384x512xi32, #tpu.memory_space<hbm>>
    tpu.enqueue_indirect_dma source(%arg8 : memref<64x512xi32, #tpu.memory_space<vmem>>) target(%dma_start3A_109 : memref<16384x512xi32, #tpu.memory_space<hbm>>) offsets(%arg7 : memref<64xi32, #tpu.memory_space<vmem>>) semaphore(%arg9 : memref<!tpu.dma_semaphore, #tpu.memory_space<semaphore_mem>>)
    %dma_wait3A_110 = arith.constant 0 : i32
    %dma_wait3A_111 = arith.constant 0 : i32
    %dma_wait3A_112 = tpu.memref_slice %arg5[%dma_wait3A_110, %dma_wait3A_111] : memref<16384x512xi32, #tpu.memory_space<hbm>> -> memref<16384x512xi32, #tpu.memory_space<hbm>>
    tpu.wait_indirect_dma semaphore(%arg9 : memref<!tpu.dma_semaphore, #tpu.memory_space<semaphore_mem>>) src(%arg8 : memref<64x512xi32, #tpu.memory_space<vmem>>) dst(%dma_wait3A_112 : memref<16384x512xi32, #tpu.memory_space<hbm>>)
    return
  }
}

#map = affine_map<(d0, d1) -> (0, 0)>
#map1 = affine_map<(d0, d1) -> (0)>
module attributes {stable_mosaic.version = 14 : i64} {
  func.func @kern(%arg0: i32, %arg1: i32, %arg2: memref<16384x512xi32, #tpu.memory_space<hbm>>, %arg3: memref<16384xi32, #tpu.memory_space<hbm>>, %arg4: memref<16384x512xi32, #tpu.memory_space<hbm>>, %arg5: memref<64xi32, #tpu.memory_space<vmem>>, %arg6: memref<64x512xi32, #tpu.memory_space<vmem>>, %arg7: memref<!tpu.dma_semaphore, #tpu.memory_space<semaphore_mem>>) attributes {dimension_semantics = [#tpu.dimension_semantics<core_parallel>, #tpu.dimension_semantics<subcore_parallel>], iteration_bounds = array<i64: 2, 16>, scalar_prefetch = 0 : i64, scratch_operands = 3 : i64, tpu.core_type = #tpu.core_type<sc_vector_subcore>, window_params = [{transform_indices = #map}, {transform_indices = #map1}, {transform_indices = #map}]} {
    %mul3A = arith.constant 2 : i32
    %mul3A_0 = arith.muli %arg1, %mul3A : i32
    %add3A = arith.addi %mul3A_0, %arg0 : i32
    %mul3A_1 = arith.constant 512 : i32
    %mul3A_2 = arith.muli %add3A, %mul3A_1 : i32
    %add3A_3 = arith.constant 0 : i32
    %add3A_4 = arith.addi %mul3A_2, %add3A_3 : i32
    "tpu.region"() ({
      %run_scoped3A = tpu.sem_alloc : memref<!tpu.dma_semaphore, #tpu.memory_space<semaphore_mem>>
      %dma_start3A_65 = tpu.memref_slice %arg3[%add3A_4] : memref<16384xi32, #tpu.memory_space<hbm>> -> memref<64xi32, #tpu.memory_space<hbm>>
      %dma_start3A_66 = tpu.memref_slice %arg3[%add3A_4] : memref<16384xi32, #tpu.memory_space<hbm>> -> memref<64xi32, #tpu.memory_space<hbm>>
      tpu.enqueue_dma source(%dma_start3A_66 : memref<64xi32, #tpu.memory_space<hbm>>) target(%arg5 : memref<64xi32, #tpu.memory_space<vmem>>) target_semaphore(%run_scoped3A : memref<!tpu.dma_semaphore, #tpu.memory_space<semaphore_mem>>)
      %dma_wait3A_67 = tpu.memref_slice %arg3[%add3A_4] : memref<16384xi32, #tpu.memory_space<hbm>> -> memref<64xi32, #tpu.memory_space<hbm>>
      %dma_wait3A_68 = tpu.memref_slice %arg3[%add3A_4] : memref<16384xi32, #tpu.memory_space<hbm>> -> memref<64xi32, #tpu.memory_space<hbm>>
      tpu.wait_dma2 semaphore(%run_scoped3A : memref<!tpu.dma_semaphore, #tpu.memory_space<semaphore_mem>>) src(%dma_wait3A_68 : memref<64xi32, #tpu.memory_space<hbm>>) dst(%arg5 : memref<64xi32, #tpu.memory_space<vmem>>)
      tpu.yield
    }) : () -> ()
    %dma_start3A = arith.constant 0 : i32
    %dma_start3A_5 = arith.constant 0 : i32
    %dma_start3A_6 = tpu.memref_slice %arg2[%dma_start3A, %dma_start3A_5] : memref<16384x512xi32, #tpu.memory_space<hbm>> -> memref<16384x512xi32, #tpu.memory_space<hbm>>
    tpu.enqueue_indirect_dma source(%dma_start3A_6 : memref<16384x512xi32, #tpu.memory_space<hbm>>) target(%arg6 : memref<64x512xi32, #tpu.memory_space<vmem>>) offsets(%arg5 : memref<64xi32, #tpu.memory_space<vmem>>) semaphore(%arg7 : memref<!tpu.dma_semaphore, #tpu.memory_space<semaphore_mem>>)
    %dma_wait3A = arith.constant 0 : i32
    %dma_wait3A_7 = arith.constant 0 : i32
    %dma_wait3A_8 = tpu.memref_slice %arg2[%dma_wait3A, %dma_wait3A_7] : memref<16384x512xi32, #tpu.memory_space<hbm>> -> memref<16384x512xi32, #tpu.memory_space<hbm>>
    tpu.wait_indirect_dma semaphore(%arg7 : memref<!tpu.dma_semaphore, #tpu.memory_space<semaphore_mem>>) src(%dma_wait3A_8 : memref<16384x512xi32, #tpu.memory_space<hbm>>) dst(%arg6 : memref<64x512xi32, #tpu.memory_space<vmem>>)
    "tpu.region"() ({
      %run_scoped3A = tpu.sem_alloc : memref<!tpu.dma_semaphore, #tpu.memory_space<semaphore_mem>>
      %dma_start3A_65 = arith.constant 0 : i32
      %dma_start3A_66 = tpu.memref_slice %arg4[%add3A_4, %dma_start3A_65] : memref<16384x512xi32, #tpu.memory_space<hbm>> -> memref<64x512xi32, #tpu.memory_space<hbm>>
      %dma_start3A_67 = arith.constant 0 : i32
      %dma_start3A_68 = tpu.memref_slice %arg4[%add3A_4, %dma_start3A_67] : memref<16384x512xi32, #tpu.memory_space<hbm>> -> memref<64x512xi32, #tpu.memory_space<hbm>>
      tpu.enqueue_dma source(%arg6 : memref<64x512xi32, #tpu.memory_space<vmem>>) target(%dma_start3A_68 : memref<64x512xi32, #tpu.memory_space<hbm>>) target_semaphore(%run_scoped3A : memref<!tpu.dma_semaphore, #tpu.memory_space<semaphore_mem>>)
      %dma_wait3A_69 = arith.constant 0 : i32
      %dma_wait3A_70 = tpu.memref_slice %arg4[%add3A_4, %dma_wait3A_69] : memref<16384x512xi32, #tpu.memory_space<hbm>> -> memref<64x512xi32, #tpu.memory_space<hbm>>
      %dma_wait3A_71 = arith.constant 0 : i32
      %dma_wait3A_72 = tpu.memref_slice %arg4[%add3A_4, %dma_wait3A_71] : memref<16384x512xi32, #tpu.memory_space<hbm>> -> memref<64x512xi32, #tpu.memory_space<hbm>>
      tpu.wait_dma2 semaphore(%run_scoped3A : memref<!tpu.dma_semaphore, #tpu.memory_space<semaphore_mem>>) src(%arg6 : memref<64x512xi32, #tpu.memory_space<vmem>>) dst(%dma_wait3A_72 : memref<64x512xi32, #tpu.memory_space<hbm>>)
      tpu.yield
    }) : () -> ()
    %add3A_9 = arith.constant 64 : i32
    %add3A_10 = arith.addi %mul3A_2, %add3A_9 : i32
    "tpu.region"() ({
      %run_scoped3A = tpu.sem_alloc : memref<!tpu.dma_semaphore, #tpu.memory_space<semaphore_mem>>
      %dma_start3A_65 = tpu.memref_slice %arg3[%add3A_10] : memref<16384xi32, #tpu.memory_space<hbm>> -> memref<64xi32, #tpu.memory_space<hbm>>
      %dma_start3A_66 = tpu.memref_slice %arg3[%add3A_10] : memref<16384xi32, #tpu.memory_space<hbm>> -> memref<64xi32, #tpu.memory_space<hbm>>
      tpu.enqueue_dma source(%dma_start3A_66 : memref<64xi32, #tpu.memory_space<hbm>>) target(%arg5 : memref<64xi32, #tpu.memory_space<vmem>>) target_semaphore(%run_scoped3A : memref<!tpu.dma_semaphore, #tpu.memory_space<semaphore_mem>>)
      %dma_wait3A_67 = tpu.memref_slice %arg3[%add3A_10] : memref<16384xi32, #tpu.memory_space<hbm>> -> memref<64xi32, #tpu.memory_space<hbm>>
      %dma_wait3A_68 = tpu.memref_slice %arg3[%add3A_10] : memref<16384xi32, #tpu.memory_space<hbm>> -> memref<64xi32, #tpu.memory_space<hbm>>
      tpu.wait_dma2 semaphore(%run_scoped3A : memref<!tpu.dma_semaphore, #tpu.memory_space<semaphore_mem>>) src(%dma_wait3A_68 : memref<64xi32, #tpu.memory_space<hbm>>) dst(%arg5 : memref<64xi32, #tpu.memory_space<vmem>>)
      tpu.yield
    }) : () -> ()
    %dma_start3A_11 = arith.constant 0 : i32
    %dma_start3A_12 = arith.constant 0 : i32
    %dma_start3A_13 = tpu.memref_slice %arg2[%dma_start3A_11, %dma_start3A_12] : memref<16384x512xi32, #tpu.memory_space<hbm>> -> memref<16384x512xi32, #tpu.memory_space<hbm>>
    tpu.enqueue_indirect_dma source(%dma_start3A_13 : memref<16384x512xi32, #tpu.memory_space<hbm>>) target(%arg6 : memref<64x512xi32, #tpu.memory_space<vmem>>) offsets(%arg5 : memref<64xi32, #tpu.memory_space<vmem>>) semaphore(%arg7 : memref<!tpu.dma_semaphore, #tpu.memory_space<semaphore_mem>>)
    %dma_wait3A_14 = arith.constant 0 : i32
    %dma_wait3A_15 = arith.constant 0 : i32
    %dma_wait3A_16 = tpu.memref_slice %arg2[%dma_wait3A_14, %dma_wait3A_15] : memref<16384x512xi32, #tpu.memory_space<hbm>> -> memref<16384x512xi32, #tpu.memory_space<hbm>>
    tpu.wait_indirect_dma semaphore(%arg7 : memref<!tpu.dma_semaphore, #tpu.memory_space<semaphore_mem>>) src(%dma_wait3A_16 : memref<16384x512xi32, #tpu.memory_space<hbm>>) dst(%arg6 : memref<64x512xi32, #tpu.memory_space<vmem>>)
    "tpu.region"() ({
      %run_scoped3A = tpu.sem_alloc : memref<!tpu.dma_semaphore, #tpu.memory_space<semaphore_mem>>
      %dma_start3A_65 = arith.constant 0 : i32
      %dma_start3A_66 = tpu.memref_slice %arg4[%add3A_10, %dma_start3A_65] : memref<16384x512xi32, #tpu.memory_space<hbm>> -> memref<64x512xi32, #tpu.memory_space<hbm>>
      %dma_start3A_67 = arith.constant 0 : i32
      %dma_start3A_68 = tpu.memref_slice %arg4[%add3A_10, %dma_start3A_67] : memref<16384x512xi32, #tpu.memory_space<hbm>> -> memref<64x512xi32, #tpu.memory_space<hbm>>
      tpu.enqueue_dma source(%arg6 : memref<64x512xi32, #tpu.memory_space<vmem>>) target(%dma_start3A_68 : memref<64x512xi32, #tpu.memory_space<hbm>>) target_semaphore(%run_scoped3A : memref<!tpu.dma_semaphore, #tpu.memory_space<semaphore_mem>>)
      %dma_wait3A_69 = arith.constant 0 : i32
      %dma_wait3A_70 = tpu.memref_slice %arg4[%add3A_10, %dma_wait3A_69] : memref<16384x512xi32, #tpu.memory_space<hbm>> -> memref<64x512xi32, #tpu.memory_space<hbm>>
      %dma_wait3A_71 = arith.constant 0 : i32
      %dma_wait3A_72 = tpu.memref_slice %arg4[%add3A_10, %dma_wait3A_71] : memref<16384x512xi32, #tpu.memory_space<hbm>> -> memref<64x512xi32, #tpu.memory_space<hbm>>
      tpu.wait_dma2 semaphore(%run_scoped3A : memref<!tpu.dma_semaphore, #tpu.memory_space<semaphore_mem>>) src(%arg6 : memref<64x512xi32, #tpu.memory_space<vmem>>) dst(%dma_wait3A_72 : memref<64x512xi32, #tpu.memory_space<hbm>>)
      tpu.yield
    }) : () -> ()
    %add3A_17 = arith.constant 128 : i32
    %add3A_18 = arith.addi %mul3A_2, %add3A_17 : i32
    "tpu.region"() ({
      %run_scoped3A = tpu.sem_alloc : memref<!tpu.dma_semaphore, #tpu.memory_space<semaphore_mem>>
      %dma_start3A_65 = tpu.memref_slice %arg3[%add3A_18] : memref<16384xi32, #tpu.memory_space<hbm>> -> memref<64xi32, #tpu.memory_space<hbm>>
      %dma_start3A_66 = tpu.memref_slice %arg3[%add3A_18] : memref<16384xi32, #tpu.memory_space<hbm>> -> memref<64xi32, #tpu.memory_space<hbm>>
      tpu.enqueue_dma source(%dma_start3A_66 : memref<64xi32, #tpu.memory_space<hbm>>) target(%arg5 : memref<64xi32, #tpu.memory_space<vmem>>) target_semaphore(%run_scoped3A : memref<!tpu.dma_semaphore, #tpu.memory_space<semaphore_mem>>)
      %dma_wait3A_67 = tpu.memref_slice %arg3[%add3A_18] : memref<16384xi32, #tpu.memory_space<hbm>> -> memref<64xi32, #tpu.memory_space<hbm>>
      %dma_wait3A_68 = tpu.memref_slice %arg3[%add3A_18] : memref<16384xi32, #tpu.memory_space<hbm>> -> memref<64xi32, #tpu.memory_space<hbm>>
      tpu.wait_dma2 semaphore(%run_scoped3A : memref<!tpu.dma_semaphore, #tpu.memory_space<semaphore_mem>>) src(%dma_wait3A_68 : memref<64xi32, #tpu.memory_space<hbm>>) dst(%arg5 : memref<64xi32, #tpu.memory_space<vmem>>)
      tpu.yield
    }) : () -> ()
    %dma_start3A_19 = arith.constant 0 : i32
    %dma_start3A_20 = arith.constant 0 : i32
    %dma_start3A_21 = tpu.memref_slice %arg2[%dma_start3A_19, %dma_start3A_20] : memref<16384x512xi32, #tpu.memory_space<hbm>> -> memref<16384x512xi32, #tpu.memory_space<hbm>>
    tpu.enqueue_indirect_dma source(%dma_start3A_21 : memref<16384x512xi32, #tpu.memory_space<hbm>>) target(%arg6 : memref<64x512xi32, #tpu.memory_space<vmem>>) offsets(%arg5 : memref<64xi32, #tpu.memory_space<vmem>>) semaphore(%arg7 : memref<!tpu.dma_semaphore, #tpu.memory_space<semaphore_mem>>)
    %dma_wait3A_22 = arith.constant 0 : i32
    %dma_wait3A_23 = arith.constant 0 : i32
    %dma_wait3A_24 = tpu.memref_slice %arg2[%dma_wait3A_22, %dma_wait3A_23] : memref<16384x512xi32, #tpu.memory_space<hbm>> -> memref<16384x512xi32, #tpu.memory_space<hbm>>
    tpu.wait_indirect_dma semaphore(%arg7 : memref<!tpu.dma_semaphore, #tpu.memory_space<semaphore_mem>>) src(%dma_wait3A_24 : memref<16384x512xi32, #tpu.memory_space<hbm>>) dst(%arg6 : memref<64x512xi32, #tpu.memory_space<vmem>>)
    "tpu.region"() ({
      %run_scoped3A = tpu.sem_alloc : memref<!tpu.dma_semaphore, #tpu.memory_space<semaphore_mem>>
      %dma_start3A_65 = arith.constant 0 : i32
      %dma_start3A_66 = tpu.memref_slice %arg4[%add3A_18, %dma_start3A_65] : memref<16384x512xi32, #tpu.memory_space<hbm>> -> memref<64x512xi32, #tpu.memory_space<hbm>>
      %dma_start3A_67 = arith.constant 0 : i32
      %dma_start3A_68 = tpu.memref_slice %arg4[%add3A_18, %dma_start3A_67] : memref<16384x512xi32, #tpu.memory_space<hbm>> -> memref<64x512xi32, #tpu.memory_space<hbm>>
      tpu.enqueue_dma source(%arg6 : memref<64x512xi32, #tpu.memory_space<vmem>>) target(%dma_start3A_68 : memref<64x512xi32, #tpu.memory_space<hbm>>) target_semaphore(%run_scoped3A : memref<!tpu.dma_semaphore, #tpu.memory_space<semaphore_mem>>)
      %dma_wait3A_69 = arith.constant 0 : i32
      %dma_wait3A_70 = tpu.memref_slice %arg4[%add3A_18, %dma_wait3A_69] : memref<16384x512xi32, #tpu.memory_space<hbm>> -> memref<64x512xi32, #tpu.memory_space<hbm>>
      %dma_wait3A_71 = arith.constant 0 : i32
      %dma_wait3A_72 = tpu.memref_slice %arg4[%add3A_18, %dma_wait3A_71] : memref<16384x512xi32, #tpu.memory_space<hbm>> -> memref<64x512xi32, #tpu.memory_space<hbm>>
      tpu.wait_dma2 semaphore(%run_scoped3A : memref<!tpu.dma_semaphore, #tpu.memory_space<semaphore_mem>>) src(%arg6 : memref<64x512xi32, #tpu.memory_space<vmem>>) dst(%dma_wait3A_72 : memref<64x512xi32, #tpu.memory_space<hbm>>)
      tpu.yield
    }) : () -> ()
    %add3A_25 = arith.constant 192 : i32
    %add3A_26 = arith.addi %mul3A_2, %add3A_25 : i32
    "tpu.region"() ({
      %run_scoped3A = tpu.sem_alloc : memref<!tpu.dma_semaphore, #tpu.memory_space<semaphore_mem>>
      %dma_start3A_65 = tpu.memref_slice %arg3[%add3A_26] : memref<16384xi32, #tpu.memory_space<hbm>> -> memref<64xi32, #tpu.memory_space<hbm>>
      %dma_start3A_66 = tpu.memref_slice %arg3[%add3A_26] : memref<16384xi32, #tpu.memory_space<hbm>> -> memref<64xi32, #tpu.memory_space<hbm>>
      tpu.enqueue_dma source(%dma_start3A_66 : memref<64xi32, #tpu.memory_space<hbm>>) target(%arg5 : memref<64xi32, #tpu.memory_space<vmem>>) target_semaphore(%run_scoped3A : memref<!tpu.dma_semaphore, #tpu.memory_space<semaphore_mem>>)
      %dma_wait3A_67 = tpu.memref_slice %arg3[%add3A_26] : memref<16384xi32, #tpu.memory_space<hbm>> -> memref<64xi32, #tpu.memory_space<hbm>>
      %dma_wait3A_68 = tpu.memref_slice %arg3[%add3A_26] : memref<16384xi32, #tpu.memory_space<hbm>> -> memref<64xi32, #tpu.memory_space<hbm>>
      tpu.wait_dma2 semaphore(%run_scoped3A : memref<!tpu.dma_semaphore, #tpu.memory_space<semaphore_mem>>) src(%dma_wait3A_68 : memref<64xi32, #tpu.memory_space<hbm>>) dst(%arg5 : memref<64xi32, #tpu.memory_space<vmem>>)
      tpu.yield
    }) : () -> ()
    %dma_start3A_27 = arith.constant 0 : i32
    %dma_start3A_28 = arith.constant 0 : i32
    %dma_start3A_29 = tpu.memref_slice %arg2[%dma_start3A_27, %dma_start3A_28] : memref<16384x512xi32, #tpu.memory_space<hbm>> -> memref<16384x512xi32, #tpu.memory_space<hbm>>
    tpu.enqueue_indirect_dma source(%dma_start3A_29 : memref<16384x512xi32, #tpu.memory_space<hbm>>) target(%arg6 : memref<64x512xi32, #tpu.memory_space<vmem>>) offsets(%arg5 : memref<64xi32, #tpu.memory_space<vmem>>) semaphore(%arg7 : memref<!tpu.dma_semaphore, #tpu.memory_space<semaphore_mem>>)
    %dma_wait3A_30 = arith.constant 0 : i32
    %dma_wait3A_31 = arith.constant 0 : i32
    %dma_wait3A_32 = tpu.memref_slice %arg2[%dma_wait3A_30, %dma_wait3A_31] : memref<16384x512xi32, #tpu.memory_space<hbm>> -> memref<16384x512xi32, #tpu.memory_space<hbm>>
    tpu.wait_indirect_dma semaphore(%arg7 : memref<!tpu.dma_semaphore, #tpu.memory_space<semaphore_mem>>) src(%dma_wait3A_32 : memref<16384x512xi32, #tpu.memory_space<hbm>>) dst(%arg6 : memref<64x512xi32, #tpu.memory_space<vmem>>)
    "tpu.region"() ({
      %run_scoped3A = tpu.sem_alloc : memref<!tpu.dma_semaphore, #tpu.memory_space<semaphore_mem>>
      %dma_start3A_65 = arith.constant 0 : i32
      %dma_start3A_66 = tpu.memref_slice %arg4[%add3A_26, %dma_start3A_65] : memref<16384x512xi32, #tpu.memory_space<hbm>> -> memref<64x512xi32, #tpu.memory_space<hbm>>
      %dma_start3A_67 = arith.constant 0 : i32
      %dma_start3A_68 = tpu.memref_slice %arg4[%add3A_26, %dma_start3A_67] : memref<16384x512xi32, #tpu.memory_space<hbm>> -> memref<64x512xi32, #tpu.memory_space<hbm>>
      tpu.enqueue_dma source(%arg6 : memref<64x512xi32, #tpu.memory_space<vmem>>) target(%dma_start3A_68 : memref<64x512xi32, #tpu.memory_space<hbm>>) target_semaphore(%run_scoped3A : memref<!tpu.dma_semaphore, #tpu.memory_space<semaphore_mem>>)
      %dma_wait3A_69 = arith.constant 0 : i32
      %dma_wait3A_70 = tpu.memref_slice %arg4[%add3A_26, %dma_wait3A_69] : memref<16384x512xi32, #tpu.memory_space<hbm>> -> memref<64x512xi32, #tpu.memory_space<hbm>>
      %dma_wait3A_71 = arith.constant 0 : i32
      %dma_wait3A_72 = tpu.memref_slice %arg4[%add3A_26, %dma_wait3A_71] : memref<16384x512xi32, #tpu.memory_space<hbm>> -> memref<64x512xi32, #tpu.memory_space<hbm>>
      tpu.wait_dma2 semaphore(%run_scoped3A : memref<!tpu.dma_semaphore, #tpu.memory_space<semaphore_mem>>) src(%arg6 : memref<64x512xi32, #tpu.memory_space<vmem>>) dst(%dma_wait3A_72 : memref<64x512xi32, #tpu.memory_space<hbm>>)
      tpu.yield
    }) : () -> ()
    %add3A_33 = arith.constant 256 : i32
    %add3A_34 = arith.addi %mul3A_2, %add3A_33 : i32
    "tpu.region"() ({
      %run_scoped3A = tpu.sem_alloc : memref<!tpu.dma_semaphore, #tpu.memory_space<semaphore_mem>>
      %dma_start3A_65 = tpu.memref_slice %arg3[%add3A_34] : memref<16384xi32, #tpu.memory_space<hbm>> -> memref<64xi32, #tpu.memory_space<hbm>>
      %dma_start3A_66 = tpu.memref_slice %arg3[%add3A_34] : memref<16384xi32, #tpu.memory_space<hbm>> -> memref<64xi32, #tpu.memory_space<hbm>>
      tpu.enqueue_dma source(%dma_start3A_66 : memref<64xi32, #tpu.memory_space<hbm>>) target(%arg5 : memref<64xi32, #tpu.memory_space<vmem>>) target_semaphore(%run_scoped3A : memref<!tpu.dma_semaphore, #tpu.memory_space<semaphore_mem>>)
      %dma_wait3A_67 = tpu.memref_slice %arg3[%add3A_34] : memref<16384xi32, #tpu.memory_space<hbm>> -> memref<64xi32, #tpu.memory_space<hbm>>
      %dma_wait3A_68 = tpu.memref_slice %arg3[%add3A_34] : memref<16384xi32, #tpu.memory_space<hbm>> -> memref<64xi32, #tpu.memory_space<hbm>>
      tpu.wait_dma2 semaphore(%run_scoped3A : memref<!tpu.dma_semaphore, #tpu.memory_space<semaphore_mem>>) src(%dma_wait3A_68 : memref<64xi32, #tpu.memory_space<hbm>>) dst(%arg5 : memref<64xi32, #tpu.memory_space<vmem>>)
      tpu.yield
    }) : () -> ()
    %dma_start3A_35 = arith.constant 0 : i32
    %dma_start3A_36 = arith.constant 0 : i32
    %dma_start3A_37 = tpu.memref_slice %arg2[%dma_start3A_35, %dma_start3A_36] : memref<16384x512xi32, #tpu.memory_space<hbm>> -> memref<16384x512xi32, #tpu.memory_space<hbm>>
    tpu.enqueue_indirect_dma source(%dma_start3A_37 : memref<16384x512xi32, #tpu.memory_space<hbm>>) target(%arg6 : memref<64x512xi32, #tpu.memory_space<vmem>>) offsets(%arg5 : memref<64xi32, #tpu.memory_space<vmem>>) semaphore(%arg7 : memref<!tpu.dma_semaphore, #tpu.memory_space<semaphore_mem>>)
    %dma_wait3A_38 = arith.constant 0 : i32
    %dma_wait3A_39 = arith.constant 0 : i32
    %dma_wait3A_40 = tpu.memref_slice %arg2[%dma_wait3A_38, %dma_wait3A_39] : memref<16384x512xi32, #tpu.memory_space<hbm>> -> memref<16384x512xi32, #tpu.memory_space<hbm>>
    tpu.wait_indirect_dma semaphore(%arg7 : memref<!tpu.dma_semaphore, #tpu.memory_space<semaphore_mem>>) src(%dma_wait3A_40 : memref<16384x512xi32, #tpu.memory_space<hbm>>) dst(%arg6 : memref<64x512xi32, #tpu.memory_space<vmem>>)
    "tpu.region"() ({
      %run_scoped3A = tpu.sem_alloc : memref<!tpu.dma_semaphore, #tpu.memory_space<semaphore_mem>>
      %dma_start3A_65 = arith.constant 0 : i32
      %dma_start3A_66 = tpu.memref_slice %arg4[%add3A_34, %dma_start3A_65] : memref<16384x512xi32, #tpu.memory_space<hbm>> -> memref<64x512xi32, #tpu.memory_space<hbm>>
      %dma_start3A_67 = arith.constant 0 : i32
      %dma_start3A_68 = tpu.memref_slice %arg4[%add3A_34, %dma_start3A_67] : memref<16384x512xi32, #tpu.memory_space<hbm>> -> memref<64x512xi32, #tpu.memory_space<hbm>>
      tpu.enqueue_dma source(%arg6 : memref<64x512xi32, #tpu.memory_space<vmem>>) target(%dma_start3A_68 : memref<64x512xi32, #tpu.memory_space<hbm>>) target_semaphore(%run_scoped3A : memref<!tpu.dma_semaphore, #tpu.memory_space<semaphore_mem>>)
      %dma_wait3A_69 = arith.constant 0 : i32
      %dma_wait3A_70 = tpu.memref_slice %arg4[%add3A_34, %dma_wait3A_69] : memref<16384x512xi32, #tpu.memory_space<hbm>> -> memref<64x512xi32, #tpu.memory_space<hbm>>
      %dma_wait3A_71 = arith.constant 0 : i32
      %dma_wait3A_72 = tpu.memref_slice %arg4[%add3A_34, %dma_wait3A_71] : memref<16384x512xi32, #tpu.memory_space<hbm>> -> memref<64x512xi32, #tpu.memory_space<hbm>>
      tpu.wait_dma2 semaphore(%run_scoped3A : memref<!tpu.dma_semaphore, #tpu.memory_space<semaphore_mem>>) src(%arg6 : memref<64x512xi32, #tpu.memory_space<vmem>>) dst(%dma_wait3A_72 : memref<64x512xi32, #tpu.memory_space<hbm>>)
      tpu.yield
    }) : () -> ()
    %add3A_41 = arith.constant 320 : i32
    %add3A_42 = arith.addi %mul3A_2, %add3A_41 : i32
    "tpu.region"() ({
      %run_scoped3A = tpu.sem_alloc : memref<!tpu.dma_semaphore, #tpu.memory_space<semaphore_mem>>
      %dma_start3A_65 = tpu.memref_slice %arg3[%add3A_42] : memref<16384xi32, #tpu.memory_space<hbm>> -> memref<64xi32, #tpu.memory_space<hbm>>
      %dma_start3A_66 = tpu.memref_slice %arg3[%add3A_42] : memref<16384xi32, #tpu.memory_space<hbm>> -> memref<64xi32, #tpu.memory_space<hbm>>
      tpu.enqueue_dma source(%dma_start3A_66 : memref<64xi32, #tpu.memory_space<hbm>>) target(%arg5 : memref<64xi32, #tpu.memory_space<vmem>>) target_semaphore(%run_scoped3A : memref<!tpu.dma_semaphore, #tpu.memory_space<semaphore_mem>>)
      %dma_wait3A_67 = tpu.memref_slice %arg3[%add3A_42] : memref<16384xi32, #tpu.memory_space<hbm>> -> memref<64xi32, #tpu.memory_space<hbm>>
      %dma_wait3A_68 = tpu.memref_slice %arg3[%add3A_42] : memref<16384xi32, #tpu.memory_space<hbm>> -> memref<64xi32, #tpu.memory_space<hbm>>
      tpu.wait_dma2 semaphore(%run_scoped3A : memref<!tpu.dma_semaphore, #tpu.memory_space<semaphore_mem>>) src(%dma_wait3A_68 : memref<64xi32, #tpu.memory_space<hbm>>) dst(%arg5 : memref<64xi32, #tpu.memory_space<vmem>>)
      tpu.yield
    }) : () -> ()
    %dma_start3A_43 = arith.constant 0 : i32
    %dma_start3A_44 = arith.constant 0 : i32
    %dma_start3A_45 = tpu.memref_slice %arg2[%dma_start3A_43, %dma_start3A_44] : memref<16384x512xi32, #tpu.memory_space<hbm>> -> memref<16384x512xi32, #tpu.memory_space<hbm>>
    tpu.enqueue_indirect_dma source(%dma_start3A_45 : memref<16384x512xi32, #tpu.memory_space<hbm>>) target(%arg6 : memref<64x512xi32, #tpu.memory_space<vmem>>) offsets(%arg5 : memref<64xi32, #tpu.memory_space<vmem>>) semaphore(%arg7 : memref<!tpu.dma_semaphore, #tpu.memory_space<semaphore_mem>>)
    %dma_wait3A_46 = arith.constant 0 : i32
    %dma_wait3A_47 = arith.constant 0 : i32
    %dma_wait3A_48 = tpu.memref_slice %arg2[%dma_wait3A_46, %dma_wait3A_47] : memref<16384x512xi32, #tpu.memory_space<hbm>> -> memref<16384x512xi32, #tpu.memory_space<hbm>>
    tpu.wait_indirect_dma semaphore(%arg7 : memref<!tpu.dma_semaphore, #tpu.memory_space<semaphore_mem>>) src(%dma_wait3A_48 : memref<16384x512xi32, #tpu.memory_space<hbm>>) dst(%arg6 : memref<64x512xi32, #tpu.memory_space<vmem>>)
    "tpu.region"() ({
      %run_scoped3A = tpu.sem_alloc : memref<!tpu.dma_semaphore, #tpu.memory_space<semaphore_mem>>
      %dma_start3A_65 = arith.constant 0 : i32
      %dma_start3A_66 = tpu.memref_slice %arg4[%add3A_42, %dma_start3A_65] : memref<16384x512xi32, #tpu.memory_space<hbm>> -> memref<64x512xi32, #tpu.memory_space<hbm>>
      %dma_start3A_67 = arith.constant 0 : i32
      %dma_start3A_68 = tpu.memref_slice %arg4[%add3A_42, %dma_start3A_67] : memref<16384x512xi32, #tpu.memory_space<hbm>> -> memref<64x512xi32, #tpu.memory_space<hbm>>
      tpu.enqueue_dma source(%arg6 : memref<64x512xi32, #tpu.memory_space<vmem>>) target(%dma_start3A_68 : memref<64x512xi32, #tpu.memory_space<hbm>>) target_semaphore(%run_scoped3A : memref<!tpu.dma_semaphore, #tpu.memory_space<semaphore_mem>>)
      %dma_wait3A_69 = arith.constant 0 : i32
      %dma_wait3A_70 = tpu.memref_slice %arg4[%add3A_42, %dma_wait3A_69] : memref<16384x512xi32, #tpu.memory_space<hbm>> -> memref<64x512xi32, #tpu.memory_space<hbm>>
      %dma_wait3A_71 = arith.constant 0 : i32
      %dma_wait3A_72 = tpu.memref_slice %arg4[%add3A_42, %dma_wait3A_71] : memref<16384x512xi32, #tpu.memory_space<hbm>> -> memref<64x512xi32, #tpu.memory_space<hbm>>
      tpu.wait_dma2 semaphore(%run_scoped3A : memref<!tpu.dma_semaphore, #tpu.memory_space<semaphore_mem>>) src(%arg6 : memref<64x512xi32, #tpu.memory_space<vmem>>) dst(%dma_wait3A_72 : memref<64x512xi32, #tpu.memory_space<hbm>>)
      tpu.yield
    }) : () -> ()
    %add3A_49 = arith.constant 384 : i32
    %add3A_50 = arith.addi %mul3A_2, %add3A_49 : i32
    "tpu.region"() ({
      %run_scoped3A = tpu.sem_alloc : memref<!tpu.dma_semaphore, #tpu.memory_space<semaphore_mem>>
      %dma_start3A_65 = tpu.memref_slice %arg3[%add3A_50] : memref<16384xi32, #tpu.memory_space<hbm>> -> memref<64xi32, #tpu.memory_space<hbm>>
      %dma_start3A_66 = tpu.memref_slice %arg3[%add3A_50] : memref<16384xi32, #tpu.memory_space<hbm>> -> memref<64xi32, #tpu.memory_space<hbm>>
      tpu.enqueue_dma source(%dma_start3A_66 : memref<64xi32, #tpu.memory_space<hbm>>) target(%arg5 : memref<64xi32, #tpu.memory_space<vmem>>) target_semaphore(%run_scoped3A : memref<!tpu.dma_semaphore, #tpu.memory_space<semaphore_mem>>)
      %dma_wait3A_67 = tpu.memref_slice %arg3[%add3A_50] : memref<16384xi32, #tpu.memory_space<hbm>> -> memref<64xi32, #tpu.memory_space<hbm>>
      %dma_wait3A_68 = tpu.memref_slice %arg3[%add3A_50] : memref<16384xi32, #tpu.memory_space<hbm>> -> memref<64xi32, #tpu.memory_space<hbm>>
      tpu.wait_dma2 semaphore(%run_scoped3A : memref<!tpu.dma_semaphore, #tpu.memory_space<semaphore_mem>>) src(%dma_wait3A_68 : memref<64xi32, #tpu.memory_space<hbm>>) dst(%arg5 : memref<64xi32, #tpu.memory_space<vmem>>)
      tpu.yield
    }) : () -> ()
    %dma_start3A_51 = arith.constant 0 : i32
    %dma_start3A_52 = arith.constant 0 : i32
    %dma_start3A_53 = tpu.memref_slice %arg2[%dma_start3A_51, %dma_start3A_52] : memref<16384x512xi32, #tpu.memory_space<hbm>> -> memref<16384x512xi32, #tpu.memory_space<hbm>>
    tpu.enqueue_indirect_dma source(%dma_start3A_53 : memref<16384x512xi32, #tpu.memory_space<hbm>>) target(%arg6 : memref<64x512xi32, #tpu.memory_space<vmem>>) offsets(%arg5 : memref<64xi32, #tpu.memory_space<vmem>>) semaphore(%arg7 : memref<!tpu.dma_semaphore, #tpu.memory_space<semaphore_mem>>)
    %dma_wait3A_54 = arith.constant 0 : i32
    %dma_wait3A_55 = arith.constant 0 : i32
    %dma_wait3A_56 = tpu.memref_slice %arg2[%dma_wait3A_54, %dma_wait3A_55] : memref<16384x512xi32, #tpu.memory_space<hbm>> -> memref<16384x512xi32, #tpu.memory_space<hbm>>
    tpu.wait_indirect_dma semaphore(%arg7 : memref<!tpu.dma_semaphore, #tpu.memory_space<semaphore_mem>>) src(%dma_wait3A_56 : memref<16384x512xi32, #tpu.memory_space<hbm>>) dst(%arg6 : memref<64x512xi32, #tpu.memory_space<vmem>>)
    "tpu.region"() ({
      %run_scoped3A = tpu.sem_alloc : memref<!tpu.dma_semaphore, #tpu.memory_space<semaphore_mem>>
      %dma_start3A_65 = arith.constant 0 : i32
      %dma_start3A_66 = tpu.memref_slice %arg4[%add3A_50, %dma_start3A_65] : memref<16384x512xi32, #tpu.memory_space<hbm>> -> memref<64x512xi32, #tpu.memory_space<hbm>>
      %dma_start3A_67 = arith.constant 0 : i32
      %dma_start3A_68 = tpu.memref_slice %arg4[%add3A_50, %dma_start3A_67] : memref<16384x512xi32, #tpu.memory_space<hbm>> -> memref<64x512xi32, #tpu.memory_space<hbm>>
      tpu.enqueue_dma source(%arg6 : memref<64x512xi32, #tpu.memory_space<vmem>>) target(%dma_start3A_68 : memref<64x512xi32, #tpu.memory_space<hbm>>) target_semaphore(%run_scoped3A : memref<!tpu.dma_semaphore, #tpu.memory_space<semaphore_mem>>)
      %dma_wait3A_69 = arith.constant 0 : i32
      %dma_wait3A_70 = tpu.memref_slice %arg4[%add3A_50, %dma_wait3A_69] : memref<16384x512xi32, #tpu.memory_space<hbm>> -> memref<64x512xi32, #tpu.memory_space<hbm>>
      %dma_wait3A_71 = arith.constant 0 : i32
      %dma_wait3A_72 = tpu.memref_slice %arg4[%add3A_50, %dma_wait3A_71] : memref<16384x512xi32, #tpu.memory_space<hbm>> -> memref<64x512xi32, #tpu.memory_space<hbm>>
      tpu.wait_dma2 semaphore(%run_scoped3A : memref<!tpu.dma_semaphore, #tpu.memory_space<semaphore_mem>>) src(%arg6 : memref<64x512xi32, #tpu.memory_space<vmem>>) dst(%dma_wait3A_72 : memref<64x512xi32, #tpu.memory_space<hbm>>)
      tpu.yield
    }) : () -> ()
    %add3A_57 = arith.constant 448 : i32
    %add3A_58 = arith.addi %mul3A_2, %add3A_57 : i32
    "tpu.region"() ({
      %run_scoped3A = tpu.sem_alloc : memref<!tpu.dma_semaphore, #tpu.memory_space<semaphore_mem>>
      %dma_start3A_65 = tpu.memref_slice %arg3[%add3A_58] : memref<16384xi32, #tpu.memory_space<hbm>> -> memref<64xi32, #tpu.memory_space<hbm>>
      %dma_start3A_66 = tpu.memref_slice %arg3[%add3A_58] : memref<16384xi32, #tpu.memory_space<hbm>> -> memref<64xi32, #tpu.memory_space<hbm>>
      tpu.enqueue_dma source(%dma_start3A_66 : memref<64xi32, #tpu.memory_space<hbm>>) target(%arg5 : memref<64xi32, #tpu.memory_space<vmem>>) target_semaphore(%run_scoped3A : memref<!tpu.dma_semaphore, #tpu.memory_space<semaphore_mem>>)
      %dma_wait3A_67 = tpu.memref_slice %arg3[%add3A_58] : memref<16384xi32, #tpu.memory_space<hbm>> -> memref<64xi32, #tpu.memory_space<hbm>>
      %dma_wait3A_68 = tpu.memref_slice %arg3[%add3A_58] : memref<16384xi32, #tpu.memory_space<hbm>> -> memref<64xi32, #tpu.memory_space<hbm>>
      tpu.wait_dma2 semaphore(%run_scoped3A : memref<!tpu.dma_semaphore, #tpu.memory_space<semaphore_mem>>) src(%dma_wait3A_68 : memref<64xi32, #tpu.memory_space<hbm>>) dst(%arg5 : memref<64xi32, #tpu.memory_space<vmem>>)
      tpu.yield
    }) : () -> ()
    %dma_start3A_59 = arith.constant 0 : i32
    %dma_start3A_60 = arith.constant 0 : i32
    %dma_start3A_61 = tpu.memref_slice %arg2[%dma_start3A_59, %dma_start3A_60] : memref<16384x512xi32, #tpu.memory_space<hbm>> -> memref<16384x512xi32, #tpu.memory_space<hbm>>
    tpu.enqueue_indirect_dma source(%dma_start3A_61 : memref<16384x512xi32, #tpu.memory_space<hbm>>) target(%arg6 : memref<64x512xi32, #tpu.memory_space<vmem>>) offsets(%arg5 : memref<64xi32, #tpu.memory_space<vmem>>) semaphore(%arg7 : memref<!tpu.dma_semaphore, #tpu.memory_space<semaphore_mem>>)
    %dma_wait3A_62 = arith.constant 0 : i32
    %dma_wait3A_63 = arith.constant 0 : i32
    %dma_wait3A_64 = tpu.memref_slice %arg2[%dma_wait3A_62, %dma_wait3A_63] : memref<16384x512xi32, #tpu.memory_space<hbm>> -> memref<16384x512xi32, #tpu.memory_space<hbm>>
    tpu.wait_indirect_dma semaphore(%arg7 : memref<!tpu.dma_semaphore, #tpu.memory_space<semaphore_mem>>) src(%dma_wait3A_64 : memref<16384x512xi32, #tpu.memory_space<hbm>>) dst(%arg6 : memref<64x512xi32, #tpu.memory_space<vmem>>)
    "tpu.region"() ({
      %run_scoped3A = tpu.sem_alloc : memref<!tpu.dma_semaphore, #tpu.memory_space<semaphore_mem>>
      %dma_start3A_65 = arith.constant 0 : i32
      %dma_start3A_66 = tpu.memref_slice %arg4[%add3A_58, %dma_start3A_65] : memref<16384x512xi32, #tpu.memory_space<hbm>> -> memref<64x512xi32, #tpu.memory_space<hbm>>
      %dma_start3A_67 = arith.constant 0 : i32
      %dma_start3A_68 = tpu.memref_slice %arg4[%add3A_58, %dma_start3A_67] : memref<16384x512xi32, #tpu.memory_space<hbm>> -> memref<64x512xi32, #tpu.memory_space<hbm>>
      tpu.enqueue_dma source(%arg6 : memref<64x512xi32, #tpu.memory_space<vmem>>) target(%dma_start3A_68 : memref<64x512xi32, #tpu.memory_space<hbm>>) target_semaphore(%run_scoped3A : memref<!tpu.dma_semaphore, #tpu.memory_space<semaphore_mem>>)
      %dma_wait3A_69 = arith.constant 0 : i32
      %dma_wait3A_70 = tpu.memref_slice %arg4[%add3A_58, %dma_wait3A_69] : memref<16384x512xi32, #tpu.memory_space<hbm>> -> memref<64x512xi32, #tpu.memory_space<hbm>>
      %dma_wait3A_71 = arith.constant 0 : i32
      %dma_wait3A_72 = tpu.memref_slice %arg4[%add3A_58, %dma_wait3A_71] : memref<16384x512xi32, #tpu.memory_space<hbm>> -> memref<64x512xi32, #tpu.memory_space<hbm>>
      tpu.wait_dma2 semaphore(%run_scoped3A : memref<!tpu.dma_semaphore, #tpu.memory_space<semaphore_mem>>) src(%arg6 : memref<64x512xi32, #tpu.memory_space<vmem>>) dst(%dma_wait3A_72 : memref<64x512xi32, #tpu.memory_space<hbm>>)
      tpu.yield
    }) : () -> ()
    return
  }
}

module attributes {stable_mosaic.version = 14 : i64} {
  func.func @_router_body(%arg0: memref<2048x1024xf32, #tpu.memory_space<vmem>>, %arg1: memref<64x1024xf32, #tpu.memory_space<vmem>>, %arg2: memref<2048x64xf32, #tpu.memory_space<vmem>>, %arg3: memref<2048x8xf32, #tpu.memory_space<vmem>>, %arg4: memref<2048x8xi32, #tpu.memory_space<vmem>>, %arg5: memref<1x64xi32, #tpu.memory_space<vmem>>) attributes {dimension_semantics = [], scalar_prefetch = 0 : i64, scratch_operands = 0 : i64, tpu.core_type = #tpu.core_type<tc>} {
    %get3A = arith.constant 0 : index
    %get3A_0 = arith.constant 0 : index
    %get3A_1 = vector.load %arg0[%get3A, %get3A_0] : memref<2048x1024xf32, #tpu.memory_space<vmem>>, vector<2048x1024xf32>
    %get3A_2 = arith.constant 0 : index
    %get3A_3 = arith.constant 0 : index
    %get3A_4 = vector.load %arg1[%get3A_2, %get3A_3] : memref<64x1024xf32, #tpu.memory_space<vmem>>, vector<64x1024xf32>
    %dot_general3A = arith.constant dense<0.000000e+00> : vector<2048x64xf32>
    %dot_general3A_5 = tpu.matmul %get3A_1, %get3A_4, %dot_general3A {dimension_numbers = #tpu.dot_dimension_numbers<[1], [1], [0], [0], [0, 0, 1, 0], [], []>, transpose_lhs_hint = false} : vector<2048x1024xf32>, vector<64x1024xf32>, vector<2048x64xf32> -> vector<2048x64xf32>
    %iota3A = tpu.iota {dimensions = array<i32: 1>} : vector<2048x64xi32>
    %broadcast_in_dim3A = arith.constant 0.000000e+00 : f32
    %broadcast_in_dim3A_6 = vector.broadcast %broadcast_in_dim3A : f32 to vector<2048x64xf32>
    %reduce_max3A = arith.constant dense<0xFF800000> : vector<2048xf32>
    %reduce_max3A_7 = vector.multi_reduction <maximumf>, %dot_general3A_5, %reduce_max3A [1] : vector<2048x64xf32> to vector<2048xf32>
    %broadcast_in_dim3A_8 = vector.shape_cast %reduce_max3A_7 : vector<2048xf32> to vector<2048x1xf32>
    %eq3A = vector.broadcast %broadcast_in_dim3A_8 : vector<2048x1xf32> to vector<2048x64xf32>
    %eq3A_9 = arith.cmpf oeq, %dot_general3A_5, %eq3A : vector<2048x64xf32>
    %jit3A = arith.constant 64 : i32
    %broadcast_in_dim3A_10 = vector.broadcast %jit3A : i32 to vector<2048x64xi32>
    %select_n3A = arith.select %eq3A_9, %iota3A, %broadcast_in_dim3A_10 : vector<2048x64xi1>, vector<2048x64xi32>
    %reduce_min3A = arith.constant dense<2147483647> : vector<2048xi32>
    %reduce_min3A_11 = vector.multi_reduction <minsi>, %select_n3A, %reduce_min3A [1] : vector<2048x64xi32> to vector<2048xi32>
    %broadcast_in_dim3A_12 = vector.shape_cast %reduce_min3A_11 : vector<2048xi32> to vector<2048x1xi32>
    %eq3A_13 = vector.broadcast %broadcast_in_dim3A_12 : vector<2048x1xi32> to vector<2048x64xi32>
    %eq3A_14 = arith.cmpi eq, %iota3A, %eq3A_13 : vector<2048x64xi32>
    %jit3A_15 = arith.constant 1.000000e+00 : f32
    %jit3A_16 = arith.constant 0.000000e+00 : f32
    %broadcast_in_dim3A_17 = vector.broadcast %jit3A_15 : f32 to vector<2048x64xf32>
    %broadcast_in_dim3A_18 = vector.broadcast %jit3A_16 : f32 to vector<2048x64xf32>
    %select_n3A_19 = arith.select %eq3A_14, %broadcast_in_dim3A_17, %broadcast_in_dim3A_18 : vector<2048x64xi1>, vector<2048x64xf32>
    %add3A = arith.addf %broadcast_in_dim3A_6, %select_n3A_19 : vector<2048x64xf32>
    %eq3A_20 = vector.broadcast %broadcast_in_dim3A_12 : vector<2048x1xi32> to vector<2048x64xi32>
    %eq3A_21 = arith.cmpi eq, %iota3A, %eq3A_20 : vector<2048x64xi32>
    %jit3A_22 = arith.constant -1.000000e+30 : f32
    %broadcast_in_dim3A_23 = vector.broadcast %jit3A_22 : f32 to vector<2048x64xf32>
    %select_n3A_24 = arith.select %eq3A_21, %broadcast_in_dim3A_23, %dot_general3A_5 : vector<2048x64xi1>, vector<2048x64xf32>
    %reduce_max3A_25 = arith.constant dense<0xFF800000> : vector<2048xf32>
    %reduce_max3A_26 = vector.multi_reduction <maximumf>, %select_n3A_24, %reduce_max3A_25 [1] : vector<2048x64xf32> to vector<2048xf32>
    %broadcast_in_dim3A_27 = vector.shape_cast %reduce_max3A_26 : vector<2048xf32> to vector<2048x1xf32>
    %eq3A_28 = vector.broadcast %broadcast_in_dim3A_27 : vector<2048x1xf32> to vector<2048x64xf32>
    %eq3A_29 = arith.cmpf oeq, %select_n3A_24, %eq3A_28 : vector<2048x64xf32>
    %jit3A_30 = arith.constant 64 : i32
    %broadcast_in_dim3A_31 = vector.broadcast %jit3A_30 : i32 to vector<2048x64xi32>
    %select_n3A_32 = arith.select %eq3A_29, %iota3A, %broadcast_in_dim3A_31 : vector<2048x64xi1>, vector<2048x64xi32>
    %reduce_min3A_33 = arith.constant dense<2147483647> : vector<2048xi32>
    %reduce_min3A_34 = vector.multi_reduction <minsi>, %select_n3A_32, %reduce_min3A_33 [1] : vector<2048x64xi32> to vector<2048xi32>
    %broadcast_in_dim3A_35 = vector.shape_cast %reduce_min3A_34 : vector<2048xi32> to vector<2048x1xi32>
    %eq3A_36 = vector.broadcast %broadcast_in_dim3A_35 : vector<2048x1xi32> to vector<2048x64xi32>
    %eq3A_37 = arith.cmpi eq, %iota3A, %eq3A_36 : vector<2048x64xi32>
    %jit3A_38 = arith.constant 1.000000e+00 : f32
    %jit3A_39 = arith.constant 0.000000e+00 : f32
    %broadcast_in_dim3A_40 = vector.broadcast %jit3A_38 : f32 to vector<2048x64xf32>
    %broadcast_in_dim3A_41 = vector.broadcast %jit3A_39 : f32 to vector<2048x64xf32>
    %select_n3A_42 = arith.select %eq3A_37, %broadcast_in_dim3A_40, %broadcast_in_dim3A_41 : vector<2048x64xi1>, vector<2048x64xf32>
    %add3A_43 = arith.addf %add3A, %select_n3A_42 : vector<2048x64xf32>
    %eq3A_44 = vector.broadcast %broadcast_in_dim3A_35 : vector<2048x1xi32> to vector<2048x64xi32>
    %eq3A_45 = arith.cmpi eq, %iota3A, %eq3A_44 : vector<2048x64xi32>
    %jit3A_46 = arith.constant -1.000000e+30 : f32
    %broadcast_in_dim3A_47 = vector.broadcast %jit3A_46 : f32 to vector<2048x64xf32>
    %select_n3A_48 = arith.select %eq3A_45, %broadcast_in_dim3A_47, %select_n3A_24 : vector<2048x64xi1>, vector<2048x64xf32>
    %reduce_max3A_49 = arith.constant dense<0xFF800000> : vector<2048xf32>
    %reduce_max3A_50 = vector.multi_reduction <maximumf>, %select_n3A_48, %reduce_max3A_49 [1] : vector<2048x64xf32> to vector<2048xf32>
    %broadcast_in_dim3A_51 = vector.shape_cast %reduce_max3A_50 : vector<2048xf32> to vector<2048x1xf32>
    %eq3A_52 = vector.broadcast %broadcast_in_dim3A_51 : vector<2048x1xf32> to vector<2048x64xf32>
    %eq3A_53 = arith.cmpf oeq, %select_n3A_48, %eq3A_52 : vector<2048x64xf32>
    %jit3A_54 = arith.constant 64 : i32
    %broadcast_in_dim3A_55 = vector.broadcast %jit3A_54 : i32 to vector<2048x64xi32>
    %select_n3A_56 = arith.select %eq3A_53, %iota3A, %broadcast_in_dim3A_55 : vector<2048x64xi1>, vector<2048x64xi32>
    %reduce_min3A_57 = arith.constant dense<2147483647> : vector<2048xi32>
    %reduce_min3A_58 = vector.multi_reduction <minsi>, %select_n3A_56, %reduce_min3A_57 [1] : vector<2048x64xi32> to vector<2048xi32>
    %broadcast_in_dim3A_59 = vector.shape_cast %reduce_min3A_58 : vector<2048xi32> to vector<2048x1xi32>
    %eq3A_60 = vector.broadcast %broadcast_in_dim3A_59 : vector<2048x1xi32> to vector<2048x64xi32>
    %eq3A_61 = arith.cmpi eq, %iota3A, %eq3A_60 : vector<2048x64xi32>
    %jit3A_62 = arith.constant 1.000000e+00 : f32
    %jit3A_63 = arith.constant 0.000000e+00 : f32
    %broadcast_in_dim3A_64 = vector.broadcast %jit3A_62 : f32 to vector<2048x64xf32>
    %broadcast_in_dim3A_65 = vector.broadcast %jit3A_63 : f32 to vector<2048x64xf32>
    %select_n3A_66 = arith.select %eq3A_61, %broadcast_in_dim3A_64, %broadcast_in_dim3A_65 : vector<2048x64xi1>, vector<2048x64xf32>
    %add3A_67 = arith.addf %add3A_43, %select_n3A_66 : vector<2048x64xf32>
    %eq3A_68 = vector.broadcast %broadcast_in_dim3A_59 : vector<2048x1xi32> to vector<2048x64xi32>
    %eq3A_69 = arith.cmpi eq, %iota3A, %eq3A_68 : vector<2048x64xi32>
    %jit3A_70 = arith.constant -1.000000e+30 : f32
    %broadcast_in_dim3A_71 = vector.broadcast %jit3A_70 : f32 to vector<2048x64xf32>
    %select_n3A_72 = arith.select %eq3A_69, %broadcast_in_dim3A_71, %select_n3A_48 : vector<2048x64xi1>, vector<2048x64xf32>
    %reduce_max3A_73 = arith.constant dense<0xFF800000> : vector<2048xf32>
    %reduce_max3A_74 = vector.multi_reduction <maximumf>, %select_n3A_72, %reduce_max3A_73 [1] : vector<2048x64xf32> to vector<2048xf32>
    %broadcast_in_dim3A_75 = vector.shape_cast %reduce_max3A_74 : vector<2048xf32> to vector<2048x1xf32>
    %eq3A_76 = vector.broadcast %broadcast_in_dim3A_75 : vector<2048x1xf32> to vector<2048x64xf32>
    %eq3A_77 = arith.cmpf oeq, %select_n3A_72, %eq3A_76 : vector<2048x64xf32>
    %jit3A_78 = arith.constant 64 : i32
    %broadcast_in_dim3A_79 = vector.broadcast %jit3A_78 : i32 to vector<2048x64xi32>
    %select_n3A_80 = arith.select %eq3A_77, %iota3A, %broadcast_in_dim3A_79 : vector<2048x64xi1>, vector<2048x64xi32>
    %reduce_min3A_81 = arith.constant dense<2147483647> : vector<2048xi32>
    %reduce_min3A_82 = vector.multi_reduction <minsi>, %select_n3A_80, %reduce_min3A_81 [1] : vector<2048x64xi32> to vector<2048xi32>
    %broadcast_in_dim3A_83 = vector.shape_cast %reduce_min3A_82 : vector<2048xi32> to vector<2048x1xi32>
    %eq3A_84 = vector.broadcast %broadcast_in_dim3A_83 : vector<2048x1xi32> to vector<2048x64xi32>
    %eq3A_85 = arith.cmpi eq, %iota3A, %eq3A_84 : vector<2048x64xi32>
    %jit3A_86 = arith.constant 1.000000e+00 : f32
    %jit3A_87 = arith.constant 0.000000e+00 : f32
    %broadcast_in_dim3A_88 = vector.broadcast %jit3A_86 : f32 to vector<2048x64xf32>
    %broadcast_in_dim3A_89 = vector.broadcast %jit3A_87 : f32 to vector<2048x64xf32>
    %select_n3A_90 = arith.select %eq3A_85, %broadcast_in_dim3A_88, %broadcast_in_dim3A_89 : vector<2048x64xi1>, vector<2048x64xf32>
    %add3A_91 = arith.addf %add3A_67, %select_n3A_90 : vector<2048x64xf32>
    %eq3A_92 = vector.broadcast %broadcast_in_dim3A_83 : vector<2048x1xi32> to vector<2048x64xi32>
    %eq3A_93 = arith.cmpi eq, %iota3A, %eq3A_92 : vector<2048x64xi32>
    %jit3A_94 = arith.constant -1.000000e+30 : f32
    %broadcast_in_dim3A_95 = vector.broadcast %jit3A_94 : f32 to vector<2048x64xf32>
    %select_n3A_96 = arith.select %eq3A_93, %broadcast_in_dim3A_95, %select_n3A_72 : vector<2048x64xi1>, vector<2048x64xf32>
    %reduce_max3A_97 = arith.constant dense<0xFF800000> : vector<2048xf32>
    %reduce_max3A_98 = vector.multi_reduction <maximumf>, %select_n3A_96, %reduce_max3A_97 [1] : vector<2048x64xf32> to vector<2048xf32>
    %broadcast_in_dim3A_99 = vector.shape_cast %reduce_max3A_98 : vector<2048xf32> to vector<2048x1xf32>
    %eq3A_100 = vector.broadcast %broadcast_in_dim3A_99 : vector<2048x1xf32> to vector<2048x64xf32>
    %eq3A_101 = arith.cmpf oeq, %select_n3A_96, %eq3A_100 : vector<2048x64xf32>
    %jit3A_102 = arith.constant 64 : i32
    %broadcast_in_dim3A_103 = vector.broadcast %jit3A_102 : i32 to vector<2048x64xi32>
    %select_n3A_104 = arith.select %eq3A_101, %iota3A, %broadcast_in_dim3A_103 : vector<2048x64xi1>, vector<2048x64xi32>
    %reduce_min3A_105 = arith.constant dense<2147483647> : vector<2048xi32>
    %reduce_min3A_106 = vector.multi_reduction <minsi>, %select_n3A_104, %reduce_min3A_105 [1] : vector<2048x64xi32> to vector<2048xi32>
    %broadcast_in_dim3A_107 = vector.shape_cast %reduce_min3A_106 : vector<2048xi32> to vector<2048x1xi32>
    %eq3A_108 = vector.broadcast %broadcast_in_dim3A_107 : vector<2048x1xi32> to vector<2048x64xi32>
    %eq3A_109 = arith.cmpi eq, %iota3A, %eq3A_108 : vector<2048x64xi32>
    %jit3A_110 = arith.constant 1.000000e+00 : f32
    %jit3A_111 = arith.constant 0.000000e+00 : f32
    %broadcast_in_dim3A_112 = vector.broadcast %jit3A_110 : f32 to vector<2048x64xf32>
    %broadcast_in_dim3A_113 = vector.broadcast %jit3A_111 : f32 to vector<2048x64xf32>
    %select_n3A_114 = arith.select %eq3A_109, %broadcast_in_dim3A_112, %broadcast_in_dim3A_113 : vector<2048x64xi1>, vector<2048x64xf32>
    %add3A_115 = arith.addf %add3A_91, %select_n3A_114 : vector<2048x64xf32>
    %eq3A_116 = vector.broadcast %broadcast_in_dim3A_107 : vector<2048x1xi32> to vector<2048x64xi32>
    %eq3A_117 = arith.cmpi eq, %iota3A, %eq3A_116 : vector<2048x64xi32>
    %jit3A_118 = arith.constant -1.000000e+30 : f32
    %broadcast_in_dim3A_119 = vector.broadcast %jit3A_118 : f32 to vector<2048x64xf32>
    %select_n3A_120 = arith.select %eq3A_117, %broadcast_in_dim3A_119, %select_n3A_96 : vector<2048x64xi1>, vector<2048x64xf32>
    %reduce_max3A_121 = arith.constant dense<0xFF800000> : vector<2048xf32>
    %reduce_max3A_122 = vector.multi_reduction <maximumf>, %select_n3A_120, %reduce_max3A_121 [1] : vector<2048x64xf32> to vector<2048xf32>
    %broadcast_in_dim3A_123 = vector.shape_cast %reduce_max3A_122 : vector<2048xf32> to vector<2048x1xf32>
    %eq3A_124 = vector.broadcast %broadcast_in_dim3A_123 : vector<2048x1xf32> to vector<2048x64xf32>
    %eq3A_125 = arith.cmpf oeq, %select_n3A_120, %eq3A_124 : vector<2048x64xf32>
    %jit3A_126 = arith.constant 64 : i32
    %broadcast_in_dim3A_127 = vector.broadcast %jit3A_126 : i32 to vector<2048x64xi32>
    %select_n3A_128 = arith.select %eq3A_125, %iota3A, %broadcast_in_dim3A_127 : vector<2048x64xi1>, vector<2048x64xi32>
    %reduce_min3A_129 = arith.constant dense<2147483647> : vector<2048xi32>
    %reduce_min3A_130 = vector.multi_reduction <minsi>, %select_n3A_128, %reduce_min3A_129 [1] : vector<2048x64xi32> to vector<2048xi32>
    %broadcast_in_dim3A_131 = vector.shape_cast %reduce_min3A_130 : vector<2048xi32> to vector<2048x1xi32>
    %eq3A_132 = vector.broadcast %broadcast_in_dim3A_131 : vector<2048x1xi32> to vector<2048x64xi32>
    %eq3A_133 = arith.cmpi eq, %iota3A, %eq3A_132 : vector<2048x64xi32>
    %jit3A_134 = arith.constant 1.000000e+00 : f32
    %jit3A_135 = arith.constant 0.000000e+00 : f32
    %broadcast_in_dim3A_136 = vector.broadcast %jit3A_134 : f32 to vector<2048x64xf32>
    %broadcast_in_dim3A_137 = vector.broadcast %jit3A_135 : f32 to vector<2048x64xf32>
    %select_n3A_138 = arith.select %eq3A_133, %broadcast_in_dim3A_136, %broadcast_in_dim3A_137 : vector<2048x64xi1>, vector<2048x64xf32>
    %add3A_139 = arith.addf %add3A_115, %select_n3A_138 : vector<2048x64xf32>
    %eq3A_140 = vector.broadcast %broadcast_in_dim3A_131 : vector<2048x1xi32> to vector<2048x64xi32>
    %eq3A_141 = arith.cmpi eq, %iota3A, %eq3A_140 : vector<2048x64xi32>
    %jit3A_142 = arith.constant -1.000000e+30 : f32
    %broadcast_in_dim3A_143 = vector.broadcast %jit3A_142 : f32 to vector<2048x64xf32>
    %select_n3A_144 = arith.select %eq3A_141, %broadcast_in_dim3A_143, %select_n3A_120 : vector<2048x64xi1>, vector<2048x64xf32>
    %reduce_max3A_145 = arith.constant dense<0xFF800000> : vector<2048xf32>
    %reduce_max3A_146 = vector.multi_reduction <maximumf>, %select_n3A_144, %reduce_max3A_145 [1] : vector<2048x64xf32> to vector<2048xf32>
    %broadcast_in_dim3A_147 = vector.shape_cast %reduce_max3A_146 : vector<2048xf32> to vector<2048x1xf32>
    %eq3A_148 = vector.broadcast %broadcast_in_dim3A_147 : vector<2048x1xf32> to vector<2048x64xf32>
    %eq3A_149 = arith.cmpf oeq, %select_n3A_144, %eq3A_148 : vector<2048x64xf32>
    %jit3A_150 = arith.constant 64 : i32
    %broadcast_in_dim3A_151 = vector.broadcast %jit3A_150 : i32 to vector<2048x64xi32>
    %select_n3A_152 = arith.select %eq3A_149, %iota3A, %broadcast_in_dim3A_151 : vector<2048x64xi1>, vector<2048x64xi32>
    %reduce_min3A_153 = arith.constant dense<2147483647> : vector<2048xi32>
    %reduce_min3A_154 = vector.multi_reduction <minsi>, %select_n3A_152, %reduce_min3A_153 [1] : vector<2048x64xi32> to vector<2048xi32>
    %broadcast_in_dim3A_155 = vector.shape_cast %reduce_min3A_154 : vector<2048xi32> to vector<2048x1xi32>
    %eq3A_156 = vector.broadcast %broadcast_in_dim3A_155 : vector<2048x1xi32> to vector<2048x64xi32>
    %eq3A_157 = arith.cmpi eq, %iota3A, %eq3A_156 : vector<2048x64xi32>
    %jit3A_158 = arith.constant 1.000000e+00 : f32
    %jit3A_159 = arith.constant 0.000000e+00 : f32
    %broadcast_in_dim3A_160 = vector.broadcast %jit3A_158 : f32 to vector<2048x64xf32>
    %broadcast_in_dim3A_161 = vector.broadcast %jit3A_159 : f32 to vector<2048x64xf32>
    %select_n3A_162 = arith.select %eq3A_157, %broadcast_in_dim3A_160, %broadcast_in_dim3A_161 : vector<2048x64xi1>, vector<2048x64xf32>
    %add3A_163 = arith.addf %add3A_139, %select_n3A_162 : vector<2048x64xf32>
    %eq3A_164 = vector.broadcast %broadcast_in_dim3A_155 : vector<2048x1xi32> to vector<2048x64xi32>
    %eq3A_165 = arith.cmpi eq, %iota3A, %eq3A_164 : vector<2048x64xi32>
    %jit3A_166 = arith.constant -1.000000e+30 : f32
    %broadcast_in_dim3A_167 = vector.broadcast %jit3A_166 : f32 to vector<2048x64xf32>
    %select_n3A_168 = arith.select %eq3A_165, %broadcast_in_dim3A_167, %select_n3A_144 : vector<2048x64xi1>, vector<2048x64xf32>
    %reduce_max3A_169 = arith.constant dense<0xFF800000> : vector<2048xf32>
    %reduce_max3A_170 = vector.multi_reduction <maximumf>, %select_n3A_168, %reduce_max3A_169 [1] : vector<2048x64xf32> to vector<2048xf32>
    %broadcast_in_dim3A_171 = vector.shape_cast %reduce_max3A_170 : vector<2048xf32> to vector<2048x1xf32>
    %eq3A_172 = vector.broadcast %broadcast_in_dim3A_171 : vector<2048x1xf32> to vector<2048x64xf32>
    %eq3A_173 = arith.cmpf oeq, %select_n3A_168, %eq3A_172 : vector<2048x64xf32>
    %jit3A_174 = arith.constant 64 : i32
    %broadcast_in_dim3A_175 = vector.broadcast %jit3A_174 : i32 to vector<2048x64xi32>
    %select_n3A_176 = arith.select %eq3A_173, %iota3A, %broadcast_in_dim3A_175 : vector<2048x64xi1>, vector<2048x64xi32>
    %reduce_min3A_177 = arith.constant dense<2147483647> : vector<2048xi32>
    %reduce_min3A_178 = vector.multi_reduction <minsi>, %select_n3A_176, %reduce_min3A_177 [1] : vector<2048x64xi32> to vector<2048xi32>
    %broadcast_in_dim3A_179 = vector.shape_cast %reduce_min3A_178 : vector<2048xi32> to vector<2048x1xi32>
    %eq3A_180 = vector.broadcast %broadcast_in_dim3A_179 : vector<2048x1xi32> to vector<2048x64xi32>
    %eq3A_181 = arith.cmpi eq, %iota3A, %eq3A_180 : vector<2048x64xi32>
    %jit3A_182 = arith.constant 1.000000e+00 : f32
    %jit3A_183 = arith.constant 0.000000e+00 : f32
    %broadcast_in_dim3A_184 = vector.broadcast %jit3A_182 : f32 to vector<2048x64xf32>
    %broadcast_in_dim3A_185 = vector.broadcast %jit3A_183 : f32 to vector<2048x64xf32>
    %select_n3A_186 = arith.select %eq3A_181, %broadcast_in_dim3A_184, %broadcast_in_dim3A_185 : vector<2048x64xi1>, vector<2048x64xf32>
    %add3A_187 = arith.addf %add3A_163, %select_n3A_186 : vector<2048x64xf32>
    %sub3A = arith.subf %broadcast_in_dim3A_8, %broadcast_in_dim3A_8 : vector<2048x1xf32>
    %exp3A = math.exp %sub3A : vector<2048x1xf32>
    %sub3A_188 = arith.subf %broadcast_in_dim3A_27, %broadcast_in_dim3A_8 : vector<2048x1xf32>
    %exp3A_189 = math.exp %sub3A_188 : vector<2048x1xf32>
    %sub3A_190 = arith.subf %broadcast_in_dim3A_51, %broadcast_in_dim3A_8 : vector<2048x1xf32>
    %exp3A_191 = math.exp %sub3A_190 : vector<2048x1xf32>
    %sub3A_192 = arith.subf %broadcast_in_dim3A_75, %broadcast_in_dim3A_8 : vector<2048x1xf32>
    %exp3A_193 = math.exp %sub3A_192 : vector<2048x1xf32>
    %sub3A_194 = arith.subf %broadcast_in_dim3A_99, %broadcast_in_dim3A_8 : vector<2048x1xf32>
    %exp3A_195 = math.exp %sub3A_194 : vector<2048x1xf32>
    %sub3A_196 = arith.subf %broadcast_in_dim3A_123, %broadcast_in_dim3A_8 : vector<2048x1xf32>
    %exp3A_197 = math.exp %sub3A_196 : vector<2048x1xf32>
    %sub3A_198 = arith.subf %broadcast_in_dim3A_147, %broadcast_in_dim3A_8 : vector<2048x1xf32>
    %exp3A_199 = math.exp %sub3A_198 : vector<2048x1xf32>
    %sub3A_200 = arith.subf %broadcast_in_dim3A_171, %broadcast_in_dim3A_8 : vector<2048x1xf32>
    %exp3A_201 = math.exp %sub3A_200 : vector<2048x1xf32>
    %add3A_202 = arith.addf %exp3A, %exp3A_189 : vector<2048x1xf32>
    %add3A_203 = arith.addf %add3A_202, %exp3A_191 : vector<2048x1xf32>
    %add3A_204 = arith.addf %add3A_203, %exp3A_193 : vector<2048x1xf32>
    %add3A_205 = arith.addf %add3A_204, %exp3A_195 : vector<2048x1xf32>
    %add3A_206 = arith.addf %add3A_205, %exp3A_197 : vector<2048x1xf32>
    %add3A_207 = arith.addf %add3A_206, %exp3A_199 : vector<2048x1xf32>
    %add3A_208 = arith.addf %add3A_207, %exp3A_201 : vector<2048x1xf32>
    %broadcast_in_dim3A_209 = arith.constant 0.000000e+00 : f32
    %broadcast_in_dim3A_210 = vector.broadcast %broadcast_in_dim3A_209 : f32 to vector<1x64xf32>
    %slice3A = vector.extract_strided_slice %add3A_187 {offsets = [0, 0], sizes = [2047, 64], strides = [1, 1]} : vector<2048x64xf32> to vector<2047x64xf32>
    %concatenate3A = tpu.concatenate %broadcast_in_dim3A_210, %slice3A in 0 : vector<1x64xf32>, vector<2047x64xf32> -> vector<2048x64xf32>
    %add3A_211 = arith.addf %add3A_187, %concatenate3A : vector<2048x64xf32>
    %broadcast_in_dim3A_212 = arith.constant 0.000000e+00 : f32
    %broadcast_in_dim3A_213 = vector.broadcast %broadcast_in_dim3A_212 : f32 to vector<2x64xf32>
    %slice3A_214 = vector.extract_strided_slice %add3A_211 {offsets = [0, 0], sizes = [2046, 64], strides = [1, 1]} : vector<2048x64xf32> to vector<2046x64xf32>
    %concatenate3A_215 = tpu.concatenate %broadcast_in_dim3A_213, %slice3A_214 in 0 : vector<2x64xf32>, vector<2046x64xf32> -> vector<2048x64xf32>
    %add3A_216 = arith.addf %add3A_211, %concatenate3A_215 : vector<2048x64xf32>
    %broadcast_in_dim3A_217 = arith.constant 0.000000e+00 : f32
    %broadcast_in_dim3A_218 = vector.broadcast %broadcast_in_dim3A_217 : f32 to vector<4x64xf32>
    %slice3A_219 = vector.extract_strided_slice %add3A_216 {offsets = [0, 0], sizes = [2044, 64], strides = [1, 1]} : vector<2048x64xf32> to vector<2044x64xf32>
    %concatenate3A_220 = tpu.concatenate %broadcast_in_dim3A_218, %slice3A_219 in 0 : vector<4x64xf32>, vector<2044x64xf32> -> vector<2048x64xf32>
    %add3A_221 = arith.addf %add3A_216, %concatenate3A_220 : vector<2048x64xf32>
    %broadcast_in_dim3A_222 = arith.constant 0.000000e+00 : f32
    %broadcast_in_dim3A_223 = vector.broadcast %broadcast_in_dim3A_222 : f32 to vector<8x64xf32>
    %slice3A_224 = vector.extract_strided_slice %add3A_221 {offsets = [0, 0], sizes = [2040, 64], strides = [1, 1]} : vector<2048x64xf32> to vector<2040x64xf32>
    %concatenate3A_225 = tpu.concatenate %broadcast_in_dim3A_223, %slice3A_224 in 0 : vector<8x64xf32>, vector<2040x64xf32> -> vector<2048x64xf32>
    %add3A_226 = arith.addf %add3A_221, %concatenate3A_225 : vector<2048x64xf32>
    %broadcast_in_dim3A_227 = arith.constant 0.000000e+00 : f32
    %broadcast_in_dim3A_228 = vector.broadcast %broadcast_in_dim3A_227 : f32 to vector<16x64xf32>
    %slice3A_229 = vector.extract_strided_slice %add3A_226 {offsets = [0, 0], sizes = [2032, 64], strides = [1, 1]} : vector<2048x64xf32> to vector<2032x64xf32>
    %concatenate3A_230 = tpu.concatenate %broadcast_in_dim3A_228, %slice3A_229 in 0 : vector<16x64xf32>, vector<2032x64xf32> -> vector<2048x64xf32>
    %add3A_231 = arith.addf %add3A_226, %concatenate3A_230 : vector<2048x64xf32>
    %broadcast_in_dim3A_232 = arith.constant 0.000000e+00 : f32
    %broadcast_in_dim3A_233 = vector.broadcast %broadcast_in_dim3A_232 : f32 to vector<32x64xf32>
    %slice3A_234 = vector.extract_strided_slice %add3A_231 {offsets = [0, 0], sizes = [2016, 64], strides = [1, 1]} : vector<2048x64xf32> to vector<2016x64xf32>
    %concatenate3A_235 = tpu.concatenate %broadcast_in_dim3A_233, %slice3A_234 in 0 : vector<32x64xf32>, vector<2016x64xf32> -> vector<2048x64xf32>
    %add3A_236 = arith.addf %add3A_231, %concatenate3A_235 : vector<2048x64xf32>
    %broadcast_in_dim3A_237 = arith.constant 0.000000e+00 : f32
    %broadcast_in_dim3A_238 = vector.broadcast %broadcast_in_dim3A_237 : f32 to vector<64x64xf32>
    %slice3A_239 = vector.extract_strided_slice %add3A_236 {offsets = [0, 0], sizes = [1984, 64], strides = [1, 1]} : vector<2048x64xf32> to vector<1984x64xf32>
    %concatenate3A_240 = tpu.concatenate %broadcast_in_dim3A_238, %slice3A_239 in 0 : vector<64x64xf32>, vector<1984x64xf32> -> vector<2048x64xf32>
    %add3A_241 = arith.addf %add3A_236, %concatenate3A_240 : vector<2048x64xf32>
    %broadcast_in_dim3A_242 = arith.constant 0.000000e+00 : f32
    %broadcast_in_dim3A_243 = vector.broadcast %broadcast_in_dim3A_242 : f32 to vector<128x64xf32>
    %slice3A_244 = vector.extract_strided_slice %add3A_241 {offsets = [0, 0], sizes = [1920, 64], strides = [1, 1]} : vector<2048x64xf32> to vector<1920x64xf32>
    %concatenate3A_245 = tpu.concatenate %broadcast_in_dim3A_243, %slice3A_244 in 0 : vector<128x64xf32>, vector<1920x64xf32> -> vector<2048x64xf32>
    %add3A_246 = arith.addf %add3A_241, %concatenate3A_245 : vector<2048x64xf32>
    %broadcast_in_dim3A_247 = arith.constant 0.000000e+00 : f32
    %broadcast_in_dim3A_248 = vector.broadcast %broadcast_in_dim3A_247 : f32 to vector<256x64xf32>
    %slice3A_249 = vector.extract_strided_slice %add3A_246 {offsets = [0, 0], sizes = [1792, 64], strides = [1, 1]} : vector<2048x64xf32> to vector<1792x64xf32>
    %concatenate3A_250 = tpu.concatenate %broadcast_in_dim3A_248, %slice3A_249 in 0 : vector<256x64xf32>, vector<1792x64xf32> -> vector<2048x64xf32>
    %add3A_251 = arith.addf %add3A_246, %concatenate3A_250 : vector<2048x64xf32>
    %broadcast_in_dim3A_252 = arith.constant 0.000000e+00 : f32
    %broadcast_in_dim3A_253 = vector.broadcast %broadcast_in_dim3A_252 : f32 to vector<512x64xf32>
    %slice3A_254 = vector.extract_strided_slice %add3A_251 {offsets = [0, 0], sizes = [1536, 64], strides = [1, 1]} : vector<2048x64xf32> to vector<1536x64xf32>
    %concatenate3A_255 = tpu.concatenate %broadcast_in_dim3A_253, %slice3A_254 in 0 : vector<512x64xf32>, vector<1536x64xf32> -> vector<2048x64xf32>
    %add3A_256 = arith.addf %add3A_251, %concatenate3A_255 : vector<2048x64xf32>
    %broadcast_in_dim3A_257 = arith.constant 0.000000e+00 : f32
    %broadcast_in_dim3A_258 = vector.broadcast %broadcast_in_dim3A_257 : f32 to vector<1024x64xf32>
    %slice3A_259 = vector.extract_strided_slice %add3A_256 {offsets = [0, 0], sizes = [1024, 64], strides = [1, 1]} : vector<2048x64xf32> to vector<1024x64xf32>
    %concatenate3A_260 = tpu.concatenate %broadcast_in_dim3A_258, %slice3A_259 in 0 : vector<1024x64xf32>, vector<1024x64xf32> -> vector<2048x64xf32>
    %add3A_261 = arith.addf %add3A_256, %concatenate3A_260 : vector<2048x64xf32>
    %sub3A_262 = arith.subf %add3A_261, %add3A_187 : vector<2048x64xf32>
    %slice3A_263 = vector.extract_strided_slice %add3A_261 {offsets = [2047, 0], sizes = [1, 64], strides = [1, 1]} : vector<2048x64xf32> to vector<1x64xf32>
    %broadcast_in_dim3A_264 = arith.constant 0.000000e+00 : f32
    %broadcast_in_dim3A_265 = vector.broadcast %broadcast_in_dim3A_264 : f32 to vector<1x1xf32>
    %slice3A_266 = vector.extract_strided_slice %slice3A_263 {offsets = [0, 0], sizes = [1, 63], strides = [1, 1]} : vector<1x64xf32> to vector<1x63xf32>
    %concatenate3A_267 = tpu.concatenate %broadcast_in_dim3A_265, %slice3A_266 in 1 : vector<1x1xf32>, vector<1x63xf32> -> vector<1x64xf32>
    %add3A_268 = arith.addf %slice3A_263, %concatenate3A_267 : vector<1x64xf32>
    %broadcast_in_dim3A_269 = arith.constant 0.000000e+00 : f32
    %broadcast_in_dim3A_270 = vector.broadcast %broadcast_in_dim3A_269 : f32 to vector<1x2xf32>
    %slice3A_271 = vector.extract_strided_slice %add3A_268 {offsets = [0, 0], sizes = [1, 62], strides = [1, 1]} : vector<1x64xf32> to vector<1x62xf32>
    %concatenate3A_272 = tpu.concatenate %broadcast_in_dim3A_270, %slice3A_271 in 1 : vector<1x2xf32>, vector<1x62xf32> -> vector<1x64xf32>
    %add3A_273 = arith.addf %add3A_268, %concatenate3A_272 : vector<1x64xf32>
    %broadcast_in_dim3A_274 = arith.constant 0.000000e+00 : f32
    %broadcast_in_dim3A_275 = vector.broadcast %broadcast_in_dim3A_274 : f32 to vector<1x4xf32>
    %slice3A_276 = vector.extract_strided_slice %add3A_273 {offsets = [0, 0], sizes = [1, 60], strides = [1, 1]} : vector<1x64xf32> to vector<1x60xf32>
    %concatenate3A_277 = tpu.concatenate %broadcast_in_dim3A_275, %slice3A_276 in 1 : vector<1x4xf32>, vector<1x60xf32> -> vector<1x64xf32>
    %add3A_278 = arith.addf %add3A_273, %concatenate3A_277 : vector<1x64xf32>
    %broadcast_in_dim3A_279 = arith.constant 0.000000e+00 : f32
    %broadcast_in_dim3A_280 = vector.broadcast %broadcast_in_dim3A_279 : f32 to vector<1x8xf32>
    %slice3A_281 = vector.extract_strided_slice %add3A_278 {offsets = [0, 0], sizes = [1, 56], strides = [1, 1]} : vector<1x64xf32> to vector<1x56xf32>
    %concatenate3A_282 = tpu.concatenate %broadcast_in_dim3A_280, %slice3A_281 in 1 : vector<1x8xf32>, vector<1x56xf32> -> vector<1x64xf32>
    %add3A_283 = arith.addf %add3A_278, %concatenate3A_282 : vector<1x64xf32>
    %broadcast_in_dim3A_284 = arith.constant 0.000000e+00 : f32
    %broadcast_in_dim3A_285 = vector.broadcast %broadcast_in_dim3A_284 : f32 to vector<1x16xf32>
    %slice3A_286 = vector.extract_strided_slice %add3A_283 {offsets = [0, 0], sizes = [1, 48], strides = [1, 1]} : vector<1x64xf32> to vector<1x48xf32>
    %concatenate3A_287 = tpu.concatenate %broadcast_in_dim3A_285, %slice3A_286 in 1 : vector<1x16xf32>, vector<1x48xf32> -> vector<1x64xf32>
    %add3A_288 = arith.addf %add3A_283, %concatenate3A_287 : vector<1x64xf32>
    %broadcast_in_dim3A_289 = arith.constant 0.000000e+00 : f32
    %broadcast_in_dim3A_290 = vector.broadcast %broadcast_in_dim3A_289 : f32 to vector<1x32xf32>
    %slice3A_291 = vector.extract_strided_slice %add3A_288 {offsets = [0, 0], sizes = [1, 32], strides = [1, 1]} : vector<1x64xf32> to vector<1x32xf32>
    %concatenate3A_292 = tpu.concatenate %broadcast_in_dim3A_290, %slice3A_291 in 1 : vector<1x32xf32>, vector<1x32xf32> -> vector<1x64xf32>
    %add3A_293 = arith.addf %add3A_288, %concatenate3A_292 : vector<1x64xf32>
    %sub3A_294 = arith.subf %add3A_293, %slice3A_263 : vector<1x64xf32>
    %add3A_295 = vector.broadcast %sub3A_294 : vector<1x64xf32> to vector<2048x64xf32>
    %add3A_296 = arith.addf %add3A_295, %sub3A_262 : vector<2048x64xf32>
    %eq3A_297 = vector.broadcast %broadcast_in_dim3A_12 : vector<2048x1xi32> to vector<2048x64xi32>
    %eq3A_298 = arith.cmpi eq, %iota3A, %eq3A_297 : vector<2048x64xi32>
    %jit3A_299 = arith.constant 0.000000e+00 : f32
    %broadcast_in_dim3A_300 = vector.broadcast %jit3A_299 : f32 to vector<2048x64xf32>
    %select_n3A_301 = arith.select %eq3A_298, %add3A_296, %broadcast_in_dim3A_300 : vector<2048x64xi1>, vector<2048x64xf32>
    %reduce_sum3A = arith.constant dense<0.000000e+00> : vector<2048xf32>
    %reduce_sum3A_302 = vector.multi_reduction <add>, %select_n3A_301, %reduce_sum3A [1] : vector<2048x64xf32> to vector<2048xf32>
    %broadcast_in_dim3A_303 = vector.shape_cast %reduce_sum3A_302 : vector<2048xf32> to vector<2048x1xf32>
    %eq3A_304 = vector.broadcast %broadcast_in_dim3A_35 : vector<2048x1xi32> to vector<2048x64xi32>
    %eq3A_305 = arith.cmpi eq, %iota3A, %eq3A_304 : vector<2048x64xi32>
    %jit3A_306 = arith.constant 0.000000e+00 : f32
    %broadcast_in_dim3A_307 = vector.broadcast %jit3A_306 : f32 to vector<2048x64xf32>
    %select_n3A_308 = arith.select %eq3A_305, %add3A_296, %broadcast_in_dim3A_307 : vector<2048x64xi1>, vector<2048x64xf32>
    %reduce_sum3A_309 = arith.constant dense<0.000000e+00> : vector<2048xf32>
    %reduce_sum3A_310 = vector.multi_reduction <add>, %select_n3A_308, %reduce_sum3A_309 [1] : vector<2048x64xf32> to vector<2048xf32>
    %broadcast_in_dim3A_311 = vector.shape_cast %reduce_sum3A_310 : vector<2048xf32> to vector<2048x1xf32>
    %eq3A_312 = vector.broadcast %broadcast_in_dim3A_59 : vector<2048x1xi32> to vector<2048x64xi32>
    %eq3A_313 = arith.cmpi eq, %iota3A, %eq3A_312 : vector<2048x64xi32>
    %jit3A_314 = arith.constant 0.000000e+00 : f32
    %broadcast_in_dim3A_315 = vector.broadcast %jit3A_314 : f32 to vector<2048x64xf32>
    %select_n3A_316 = arith.select %eq3A_313, %add3A_296, %broadcast_in_dim3A_315 : vector<2048x64xi1>, vector<2048x64xf32>
    %reduce_sum3A_317 = arith.constant dense<0.000000e+00> : vector<2048xf32>
    %reduce_sum3A_318 = vector.multi_reduction <add>, %select_n3A_316, %reduce_sum3A_317 [1] : vector<2048x64xf32> to vector<2048xf32>
    %broadcast_in_dim3A_319 = vector.shape_cast %reduce_sum3A_318 : vector<2048xf32> to vector<2048x1xf32>
    %eq3A_320 = vector.broadcast %broadcast_in_dim3A_83 : vector<2048x1xi32> to vector<2048x64xi32>
    %eq3A_321 = arith.cmpi eq, %iota3A, %eq3A_320 : vector<2048x64xi32>
    %jit3A_322 = arith.constant 0.000000e+00 : f32
    %broadcast_in_dim3A_323 = vector.broadcast %jit3A_322 : f32 to vector<2048x64xf32>
    %select_n3A_324 = arith.select %eq3A_321, %add3A_296, %broadcast_in_dim3A_323 : vector<2048x64xi1>, vector<2048x64xf32>
    %reduce_sum3A_325 = arith.constant dense<0.000000e+00> : vector<2048xf32>
    %reduce_sum3A_326 = vector.multi_reduction <add>, %select_n3A_324, %reduce_sum3A_325 [1] : vector<2048x64xf32> to vector<2048xf32>
    %broadcast_in_dim3A_327 = vector.shape_cast %reduce_sum3A_326 : vector<2048xf32> to vector<2048x1xf32>
    %eq3A_328 = vector.broadcast %broadcast_in_dim3A_107 : vector<2048x1xi32> to vector<2048x64xi32>
    %eq3A_329 = arith.cmpi eq, %iota3A, %eq3A_328 : vector<2048x64xi32>
    %jit3A_330 = arith.constant 0.000000e+00 : f32
    %broadcast_in_dim3A_331 = vector.broadcast %jit3A_330 : f32 to vector<2048x64xf32>
    %select_n3A_332 = arith.select %eq3A_329, %add3A_296, %broadcast_in_dim3A_331 : vector<2048x64xi1>, vector<2048x64xf32>
    %reduce_sum3A_333 = arith.constant dense<0.000000e+00> : vector<2048xf32>
    %reduce_sum3A_334 = vector.multi_reduction <add>, %select_n3A_332, %reduce_sum3A_333 [1] : vector<2048x64xf32> to vector<2048xf32>
    %broadcast_in_dim3A_335 = vector.shape_cast %reduce_sum3A_334 : vector<2048xf32> to vector<2048x1xf32>
    %eq3A_336 = vector.broadcast %broadcast_in_dim3A_131 : vector<2048x1xi32> to vector<2048x64xi32>
    %eq3A_337 = arith.cmpi eq, %iota3A, %eq3A_336 : vector<2048x64xi32>
    %jit3A_338 = arith.constant 0.000000e+00 : f32
    %broadcast_in_dim3A_339 = vector.broadcast %jit3A_338 : f32 to vector<2048x64xf32>
    %select_n3A_340 = arith.select %eq3A_337, %add3A_296, %broadcast_in_dim3A_339 : vector<2048x64xi1>, vector<2048x64xf32>
    %reduce_sum3A_341 = arith.constant dense<0.000000e+00> : vector<2048xf32>
    %reduce_sum3A_342 = vector.multi_reduction <add>, %select_n3A_340, %reduce_sum3A_341 [1] : vector<2048x64xf32> to vector<2048xf32>
    %broadcast_in_dim3A_343 = vector.shape_cast %reduce_sum3A_342 : vector<2048xf32> to vector<2048x1xf32>
    %eq3A_344 = vector.broadcast %broadcast_in_dim3A_155 : vector<2048x1xi32> to vector<2048x64xi32>
    %eq3A_345 = arith.cmpi eq, %iota3A, %eq3A_344 : vector<2048x64xi32>
    %jit3A_346 = arith.constant 0.000000e+00 : f32
    %broadcast_in_dim3A_347 = vector.broadcast %jit3A_346 : f32 to vector<2048x64xf32>
    %select_n3A_348 = arith.select %eq3A_345, %add3A_296, %broadcast_in_dim3A_347 : vector<2048x64xi1>, vector<2048x64xf32>
    %reduce_sum3A_349 = arith.constant dense<0.000000e+00> : vector<2048xf32>
    %reduce_sum3A_350 = vector.multi_reduction <add>, %select_n3A_348, %reduce_sum3A_349 [1] : vector<2048x64xf32> to vector<2048xf32>
    %broadcast_in_dim3A_351 = vector.shape_cast %reduce_sum3A_350 : vector<2048xf32> to vector<2048x1xf32>
    %eq3A_352 = vector.broadcast %broadcast_in_dim3A_179 : vector<2048x1xi32> to vector<2048x64xi32>
    %eq3A_353 = arith.cmpi eq, %iota3A, %eq3A_352 : vector<2048x64xi32>
    %jit3A_354 = arith.constant 0.000000e+00 : f32
    %broadcast_in_dim3A_355 = vector.broadcast %jit3A_354 : f32 to vector<2048x64xf32>
    %select_n3A_356 = arith.select %eq3A_353, %add3A_296, %broadcast_in_dim3A_355 : vector<2048x64xi1>, vector<2048x64xf32>
    %reduce_sum3A_357 = arith.constant dense<0.000000e+00> : vector<2048xf32>
    %reduce_sum3A_358 = vector.multi_reduction <add>, %select_n3A_356, %reduce_sum3A_357 [1] : vector<2048x64xf32> to vector<2048xf32>
    %broadcast_in_dim3A_359 = vector.shape_cast %reduce_sum3A_358 : vector<2048xf32> to vector<2048x1xf32>
    %swap3A = arith.constant 0 : index
    %swap3A_360 = arith.constant 0 : index
    %swap3A_361 = vector.load %arg2[%swap3A, %swap3A_360] : memref<2048x64xf32, #tpu.memory_space<vmem>>, vector<2048x64xf32>
    tpu.vector_store %arg2[%swap3A, %swap3A_360], %dot_general3A_5 {strides = array<i32>} : memref<2048x64xf32, #tpu.memory_space<vmem>>, vector<2048x64xf32>,
    %div3A = arith.divf %exp3A, %add3A_208 : vector<2048x1xf32>
    %div3A_362 = arith.divf %exp3A_189, %add3A_208 : vector<2048x1xf32>
    %div3A_363 = arith.divf %exp3A_191, %add3A_208 : vector<2048x1xf32>
    %div3A_364 = arith.divf %exp3A_193, %add3A_208 : vector<2048x1xf32>
    %div3A_365 = arith.divf %exp3A_195, %add3A_208 : vector<2048x1xf32>
    %div3A_366 = arith.divf %exp3A_197, %add3A_208 : vector<2048x1xf32>
    %div3A_367 = arith.divf %exp3A_199, %add3A_208 : vector<2048x1xf32>
    %div3A_368 = arith.divf %exp3A_201, %add3A_208 : vector<2048x1xf32>
    %concatenate3A_369 = tpu.concatenate %div3A, %div3A_362, %div3A_363, %div3A_364, %div3A_365, %div3A_366, %div3A_367, %div3A_368 in 1 : vector<2048x1xf32>, vector<2048x1xf32>, vector<2048x1xf32>, vector<2048x1xf32>, vector<2048x1xf32>, vector<2048x1xf32>, vector<2048x1xf32>, vector<2048x1xf32> -> vector<2048x8xf32>
    %swap3A_370 = arith.constant 0 : index
    %swap3A_371 = arith.constant 0 : index
    %swap3A_372 = vector.load %arg3[%swap3A_370, %swap3A_371] : memref<2048x8xf32, #tpu.memory_space<vmem>>, vector<2048x8xf32>
    tpu.vector_store %arg3[%swap3A_370, %swap3A_371], %concatenate3A_369 {strides = array<i32>} : memref<2048x8xf32, #tpu.memory_space<vmem>>, vector<2048x8xf32>,
    %concatenate3A_373 = tpu.concatenate %broadcast_in_dim3A_303, %broadcast_in_dim3A_311, %broadcast_in_dim3A_319, %broadcast_in_dim3A_327, %broadcast_in_dim3A_335, %broadcast_in_dim3A_343, %broadcast_in_dim3A_351, %broadcast_in_dim3A_359 in 1 : vector<2048x1xf32>, vector<2048x1xf32>, vector<2048x1xf32>, vector<2048x1xf32>, vector<2048x1xf32>, vector<2048x1xf32>, vector<2048x1xf32>, vector<2048x1xf32> -> vector<2048x8xf32>
    %convert_element_type3A = arith.fptosi %concatenate3A_373 : vector<2048x8xf32> to vector<2048x8xi32>
    %swap3A_374 = arith.constant 0 : index
    %swap3A_375 = arith.constant 0 : index
    %swap3A_376 = vector.load %arg4[%swap3A_374, %swap3A_375] : memref<2048x8xi32, #tpu.memory_space<vmem>>, vector<2048x8xi32>
    tpu.vector_store %arg4[%swap3A_374, %swap3A_375], %convert_element_type3A {strides = array<i32>} : memref<2048x8xi32, #tpu.memory_space<vmem>>, vector<2048x8xi32>,
    %convert_element_type3A_377 = arith.fptosi %slice3A_263 : vector<1x64xf32> to vector<1x64xi32>
    %swap3A_378 = arith.constant 0 : index
    %swap3A_379 = arith.constant 0 : index
    %swap3A_380 = vector.load %arg5[%swap3A_378, %swap3A_379] : memref<1x64xi32, #tpu.memory_space<vmem>>, vector<1x64xi32>
    tpu.vector_store %arg5[%swap3A_378, %swap3A_379], %convert_element_type3A_377 {strides = array<i32>} : memref<1x64xi32, #tpu.memory_space<vmem>>, vector<1x64xi32>,
    return
  }
}

module attributes {stable_mosaic.version = 14 : i64} {
  func.func @_gmm_body(%arg0: i32, %arg1: memref<95xi32, #tpu.memory_space<smem>>, %arg2: memref<95xi32, #tpu.memory_space<smem>>, %arg3: memref<95xi32, #tpu.memory_space<smem>>, %arg4: memref<95xi32, #tpu.memory_space<smem>>, %arg5: memref<95xi32, #tpu.memory_space<smem>>, %arg6: memref<512x512xi32, #tpu.memory_space<vmem>>, %arg7: memref<1x512x1024xf32, #tpu.memory_space<vmem>>, %arg8: memref<1x1024x512xf32, #tpu.memory_space<vmem>>, %arg9: memref<512x512xi32, #tpu.memory_space<vmem>>, %arg10: memref<512x512xi32, #tpu.memory_space<vmem>>) attributes {dimension_semantics = [#tpu.dimension_semantics<arbitrary>], iteration_bounds = array<i64: 95>, scalar_prefetch = 5 : i64, scratch_operands = 1 : i64, tpu.core_type = #tpu.core_type<tc>, window_params = [{transform_indices = @transform_0, window_bounds = array<i64: 512, 512>}, {transform_indices = @transform_1, window_bounds = array<i64: 1, 512, 1024>}, {transform_indices = @transform_2, window_bounds = array<i64: 1, 1024, 512>}, {transform_indices = @transform_3, window_bounds = array<i64: 512, 512>}]} {
    %get3A = arith.index_cast %arg0 : i32 to index
    %get3A_0 = memref.load %arg3[%get3A] : memref<95xi32, #tpu.memory_space<smem>>
    %get3A_1 = arith.index_cast %arg0 : i32 to index
    %get3A_2 = memref.load %arg4[%get3A_1] : memref<95xi32, #tpu.memory_space<smem>>
    %get3A_3 = arith.index_cast %arg0 : i32 to index
    %get3A_4 = memref.load %arg1[%get3A_3] : memref<95xi32, #tpu.memory_space<smem>>
    %lt3A = arith.cmpi slt, %get3A_0, %get3A_2 : i32
    %convert_element_type3A = arith.extui %lt3A : i1 to i32
    %cond3A = arith.constant 0 : i32
    %cond3A_5 = arith.cmpi ne, %convert_element_type3A, %cond3A : i32
    scf.if %cond3A_5 {
      %get3A_12 = arith.constant 0 : index
      %get3A_13 = arith.constant 0 : index
      %get3A_14 = vector.load %arg6[%get3A_12, %get3A_13] : memref<512x512xi32, #tpu.memory_space<vmem>>, vector<512x512xi32>
      %shift_left3A = arith.constant 16 : i32
      %shift_left3A_15 = vector.broadcast %shift_left3A : i32 to vector<512x512xi32>
      %shift_left3A_16 = arith.shli %get3A_14, %shift_left3A_15 : vector<512x512xi32>
      %bitcast_convert_type3A = tpu.bitcast %shift_left3A_16 : vector<512x512xi32> -> vector<512x512xf32>
      %convert_element_type3A_17 = arith.truncf %bitcast_convert_type3A : vector<512x512xf32> to vector<512x512xbf16>
      %and3A = arith.constant -65536 : i32
      %and3A_18 = vector.broadcast %and3A : i32 to vector<512x512xi32>
      %and3A_19 = arith.andi %get3A_14, %and3A_18 : vector<512x512xi32>
      %bitcast_convert_type3A_20 = tpu.bitcast %and3A_19 : vector<512x512xi32> -> vector<512x512xf32>
      %convert_element_type3A_21 = arith.truncf %bitcast_convert_type3A_20 : vector<512x512xf32> to vector<512x512xbf16>
      %get3A_22 = arith.constant 0 : index
      %get3A_23 = arith.constant 0 : index
      %get3A_24 = arith.constant 0 : index
      %get3A_25 = vector.load %arg7[%get3A_22, %get3A_23, %get3A_24] : memref<1x512x1024xf32, #tpu.memory_space<vmem>>, vector<1x512x1024xf32>
      %get3A_26 = vector.shape_cast %get3A_25 : vector<1x512x1024xf32> to vector<512x1024xf32>
      %convert_element_type3A_27 = arith.truncf %get3A_26 : vector<512x1024xf32> to vector<512x1024xbf16>
      %slice3A = vector.extract_strided_slice %convert_element_type3A_27 {offsets = [0, 0], sizes = [512, 512], strides = [1, 1]} : vector<512x1024xbf16> to vector<512x512xbf16>
      %dot_general3A = arith.constant dense<0.000000e+00> : vector<512x512xf32>
      %dot_general3A_28 = tpu.matmul %convert_element_type3A_17, %slice3A, %dot_general3A {dimension_numbers = #tpu.dot_dimension_numbers<[1], [1], [0], [0], [0, 0, 1, 0], [], []>, transpose_lhs_hint = false} : vector<512x512xbf16>, vector<512x512xbf16>, vector<512x512xf32> -> vector<512x512xf32>
      %slice3A_29 = vector.extract_strided_slice %convert_element_type3A_27 {offsets = [0, 512], sizes = [512, 512], strides = [1, 1]} : vector<512x1024xbf16> to vector<512x512xbf16>
      %dot_general3A_30 = arith.constant dense<0.000000e+00> : vector<512x512xf32>
      %dot_general3A_31 = tpu.matmul %convert_element_type3A_21, %slice3A_29, %dot_general3A_30 {dimension_numbers = #tpu.dot_dimension_numbers<[1], [1], [0], [0], [0, 0, 1, 0], [], []>, transpose_lhs_hint = false} : vector<512x512xbf16>, vector<512x512xbf16>, vector<512x512xf32> -> vector<512x512xf32>
      %add3A = arith.addf %dot_general3A_28, %dot_general3A_31 : vector<512x512xf32>
      %logistic3A = arith.negf %add3A : vector<512x512xf32>
      %logistic3A_32 = math.exp %logistic3A : vector<512x512xf32>
      %logistic3A_33 = arith.constant 1.000000e+00 : f32
      %logistic3A_34 = vector.broadcast %logistic3A_33 : f32 to vector<512x512xf32>
      %logistic3A_35 = arith.addf %logistic3A_34, %logistic3A_32 : vector<512x512xf32>
      %logistic3A_36 = arith.divf %logistic3A_34, %logistic3A_35 : vector<512x512xf32>
      %mul3A = arith.mulf %add3A, %logistic3A_36 : vector<512x512xf32>
      %convert_element_type3A_37 = arith.truncf %mul3A : vector<512x512xf32> to vector<512x512xbf16>
      %get3A_38 = arith.constant 0 : index
      %get3A_39 = arith.constant 0 : index
      %get3A_40 = arith.constant 0 : index
      %get3A_41 = vector.load %arg8[%get3A_38, %get3A_39, %get3A_40] : memref<1x1024x512xf32, #tpu.memory_space<vmem>>, vector<1x1024x512xf32>
      %get3A_42 = vector.shape_cast %get3A_41 : vector<1x1024x512xf32> to vector<1024x512xf32>
      %convert_element_type3A_43 = arith.truncf %get3A_42 : vector<1024x512xf32> to vector<1024x512xbf16>
      %dot_general3A_44 = arith.constant dense<0.000000e+00> : vector<512x1024xf32>
      %dot_general3A_45 = tpu.matmul %convert_element_type3A_37, %convert_element_type3A_43, %dot_general3A_44 {dimension_numbers = #tpu.dot_dimension_numbers<[1], [1], [0], [0], [0, 0, 1, 0], [], []>, transpose_lhs_hint = false} : vector<512x512xbf16>, vector<1024x512xbf16>, vector<512x1024xf32> -> vector<512x1024xf32>
      %slice3A_46 = vector.extract_strided_slice %dot_general3A_45 {offsets = [0, 0], sizes = [512, 512], strides = [1, 1]} : vector<512x1024xf32> to vector<512x512xf32>
      %convert_element_type3A_47 = arith.truncf %slice3A_46 : vector<512x512xf32> to vector<512x512xbf16>
      %convert_element_type3A_48 = arith.extf %convert_element_type3A_47 : vector<512x512xbf16> to vector<512x512xf32>
      %bitcast_convert_type3A_49 = tpu.bitcast %convert_element_type3A_48 : vector<512x512xf32> -> vector<512x512xi32>
      %slice3A_50 = vector.extract_strided_slice %dot_general3A_45 {offsets = [0, 512], sizes = [512, 512], strides = [1, 1]} : vector<512x1024xf32> to vector<512x512xf32>
      %convert_element_type3A_51 = arith.truncf %slice3A_50 : vector<512x512xf32> to vector<512x512xbf16>
      %convert_element_type3A_52 = arith.extf %convert_element_type3A_51 : vector<512x512xbf16> to vector<512x512xf32>
      %bitcast_convert_type3A_53 = tpu.bitcast %convert_element_type3A_52 : vector<512x512xf32> -> vector<512x512xi32>
      %shift_right_arithmetic3A = arith.constant 16 : i32
      %shift_right_arithmetic3A_54 = vector.broadcast %shift_right_arithmetic3A : i32 to vector<512x512xi32>
      %shift_right_arithmetic3A_55 = arith.shrsi %bitcast_convert_type3A_49, %shift_right_arithmetic3A_54 : vector<512x512xi32>
      %and3A_56 = arith.constant 65535 : i32
      %and3A_57 = vector.broadcast %and3A_56 : i32 to vector<512x512xi32>
      %and3A_58 = arith.andi %shift_right_arithmetic3A_55, %and3A_57 : vector<512x512xi32>
      %and3A_59 = arith.constant -65536 : i32
      %and3A_60 = vector.broadcast %and3A_59 : i32 to vector<512x512xi32>
      %and3A_61 = arith.andi %bitcast_convert_type3A_53, %and3A_60 : vector<512x512xi32>
      %or3A = arith.ori %and3A_58, %and3A_61 : vector<512x512xi32>
      %iota3A = tpu.iota {dimensions = array<i32: 0>} : vector<512x512xi32>
      %mul3A_62 = arith.constant 512 : i32
      %mul3A_63 = arith.muli %get3A_4, %mul3A_62 : i32
      %add3A_64 = vector.broadcast %mul3A_63 : i32 to vector<512x512xi32>
      %add3A_65 = arith.addi %iota3A, %add3A_64 : vector<512x512xi32>
      %ge3A = vector.broadcast %get3A_0 : i32 to vector<512x512xi32>
      %ge3A_66 = arith.cmpi sge, %add3A_65, %ge3A : vector<512x512xi32>
      %lt3A_67 = vector.broadcast %get3A_2 : i32 to vector<512x512xi32>
      %lt3A_68 = arith.cmpi slt, %add3A_65, %lt3A_67 : vector<512x512xi32>
      %and3A_69 = arith.andi %ge3A_66, %lt3A_68 : vector<512x512xi1>
      %get3A_70 = arith.constant 0 : index
      %get3A_71 = arith.constant 0 : index
      %get3A_72 = vector.load %arg10[%get3A_70, %get3A_71] : memref<512x512xi32, #tpu.memory_space<vmem>>, vector<512x512xi32>
      %select_n3A = arith.select %and3A_69, %or3A, %get3A_72 : vector<512x512xi1>, vector<512x512xi32>
      %swap3A = arith.constant 0 : index
      %swap3A_73 = arith.constant 0 : index
      %swap3A_74 = vector.load %arg10[%swap3A, %swap3A_73] : memref<512x512xi32, #tpu.memory_space<vmem>>, vector<512x512xi32>
      tpu.vector_store %arg10[%swap3A, %swap3A_73], %select_n3A {strides = array<i32>} : memref<512x512xi32, #tpu.memory_space<vmem>>, vector<512x512xi32>,
    } else {
    }
    %get3A_6 = arith.index_cast %arg0 : i32 to index
    %get3A_7 = memref.load %arg5[%get3A_6] : memref<95xi32, #tpu.memory_space<smem>>
    %eq3A = arith.constant 1 : i32
    %eq3A_8 = arith.cmpi eq, %get3A_7, %eq3A : i32
    %convert_element_type3A_9 = arith.extui %eq3A_8 : i1 to i32
    %cond3A_10 = arith.constant 0 : i32
    %cond3A_11 = arith.cmpi ne, %convert_element_type3A_9, %cond3A_10 : i32
    scf.if %cond3A_11 {
      %get3A_12 = arith.constant 0 : index
      %get3A_13 = arith.constant 0 : index
      %get3A_14 = vector.load %arg10[%get3A_12, %get3A_13] : memref<512x512xi32, #tpu.memory_space<vmem>>, vector<512x512xi32>
      %swap3A = arith.constant 0 : index
      %swap3A_15 = arith.constant 0 : index
      %swap3A_16 = vector.load %arg9[%swap3A, %swap3A_15] : memref<512x512xi32, #tpu.memory_space<vmem>>, vector<512x512xi32>
      tpu.vector_store %arg9[%swap3A, %swap3A_15], %get3A_14 {strides = array<i32>} : memref<512x512xi32, #tpu.memory_space<vmem>>, vector<512x512xi32>,
    } else {
    }
    return
  }
  func.func @transform_0(%arg0: i32, %arg1: memref<95xi32, #tpu.memory_space<smem>>, %arg2: memref<95xi32, #tpu.memory_space<smem>>, %arg3: memref<95xi32, #tpu.memory_space<smem>>, %arg4: memref<95xi32, #tpu.memory_space<smem>>, %arg5: memref<95xi32, #tpu.memory_space<smem>>) -> (i32, i32) {
    %get3A = arith.index_cast %arg0 : i32 to index
    %get3A_0 = memref.load %arg1[%get3A] : memref<95xi32, #tpu.memory_space<smem>>
    %c0_i32 = arith.constant 0 : i32
    %c0_i32_1 = arith.constant 0 : i32
    return %get3A_0, %c0_i32 : i32, i32
  }
  func.func @transform_1(%arg0: i32, %arg1: memref<95xi32, #tpu.memory_space<smem>>, %arg2: memref<95xi32, #tpu.memory_space<smem>>, %arg3: memref<95xi32, #tpu.memory_space<smem>>, %arg4: memref<95xi32, #tpu.memory_space<smem>>, %arg5: memref<95xi32, #tpu.memory_space<smem>>) -> (i32, i32, i32) {
    %get3A = arith.index_cast %arg0 : i32 to index
    %get3A_0 = memref.load %arg2[%get3A] : memref<95xi32, #tpu.memory_space<smem>>
    %c0_i32 = arith.constant 0 : i32
    %c0_i32_1 = arith.constant 0 : i32
    %c0_i32_2 = arith.constant 0 : i32
    return %get3A_0, %c0_i32, %c0_i32_1 : i32, i32, i32
  }
  func.func @transform_2(%arg0: i32, %arg1: memref<95xi32, #tpu.memory_space<smem>>, %arg2: memref<95xi32, #tpu.memory_space<smem>>, %arg3: memref<95xi32, #tpu.memory_space<smem>>, %arg4: memref<95xi32, #tpu.memory_space<smem>>, %arg5: memref<95xi32, #tpu.memory_space<smem>>) -> (i32, i32, i32) {
    %get3A = arith.index_cast %arg0 : i32 to index
    %get3A_0 = memref.load %arg2[%get3A] : memref<95xi32, #tpu.memory_space<smem>>
    %c0_i32 = arith.constant 0 : i32
    %c0_i32_1 = arith.constant 0 : i32
    %c0_i32_2 = arith.constant 0 : i32
    return %get3A_0, %c0_i32, %c0_i32_1 : i32, i32, i32
  }
  func.func @transform_3(%arg0: i32, %arg1: memref<95xi32, #tpu.memory_space<smem>>, %arg2: memref<95xi32, #tpu.memory_space<smem>>, %arg3: memref<95xi32, #tpu.memory_space<smem>>, %arg4: memref<95xi32, #tpu.memory_space<smem>>, %arg5: memref<95xi32, #tpu.memory_space<smem>>) -> (i32, i32) {
    %get3A = arith.index_cast %arg0 : i32 to index
    %get3A_0 = memref.load %arg1[%get3A] : memref<95xi32, #tpu.memory_space<smem>>
    %c0_i32 = arith.constant 0 : i32
    %c0_i32_1 = arith.constant 0 : i32
    return %get3A_0, %c0_i32 : i32, i32
  }
}

module attributes {stable_mosaic.version = 14 : i64} {
  func.func @_shared_body(%arg0: i32, %arg1: memref<2048x1024xbf16, #tpu.memory_space<vmem>>, %arg2: memref<512x1024xf32, #tpu.memory_space<vmem>>, %arg3: memref<1024x512xf32, #tpu.memory_space<vmem>>, %arg4: memref<2048x1024xf32, #tpu.memory_space<vmem>>) attributes {dimension_semantics = [#tpu.dimension_semantics<arbitrary>], iteration_bounds = array<i64: 8>, scalar_prefetch = 0 : i64, scratch_operands = 0 : i64, tpu.core_type = #tpu.core_type<tc>, window_params = [{pipeline_mode = #tpu.pipeline_mode<synchronous>, transform_indices = @transform_0, window_bounds = array<i64: 2048, 1024>}, {transform_indices = @transform_1, window_bounds = array<i64: 512, 1024>}, {transform_indices = @transform_2, window_bounds = array<i64: 1024, 512>}, {pipeline_mode = #tpu.pipeline_mode<synchronous>, transform_indices = @transform_3, window_bounds = array<i64: 2048, 1024>}]} {
    %eq3A = arith.constant 0 : i32
    %eq3A_0 = arith.cmpi eq, %arg0, %eq3A : i32
    %convert_element_type3A = arith.extui %eq3A_0 : i1 to i32
    %cond3A = arith.constant 0 : i32
    %cond3A_1 = arith.cmpi ne, %convert_element_type3A, %cond3A : i32
    scf.if %cond3A_1 {
      %broadcast_in_dim3A = arith.constant 0.000000e+00 : f32
      %broadcast_in_dim3A_26 = vector.broadcast %broadcast_in_dim3A : f32 to vector<2048x1024xf32>
      %swap3A_27 = arith.constant 0 : index
      %swap3A_28 = arith.constant 0 : index
      %swap3A_29 = vector.load %arg4[%swap3A_27, %swap3A_28] : memref<2048x1024xf32, #tpu.memory_space<vmem>>, vector<2048x1024xf32>
      tpu.vector_store %arg4[%swap3A_27, %swap3A_28], %broadcast_in_dim3A_26 {strides = array<i32>} : memref<2048x1024xf32, #tpu.memory_space<vmem>>, vector<2048x1024xf32>,
    } else {
    }
    %get3A = arith.constant 0 : index
    %get3A_2 = arith.constant 0 : index
    %get3A_3 = vector.load %arg1[%get3A, %get3A_2] : memref<2048x1024xbf16, #tpu.memory_space<vmem>>, vector<2048x1024xbf16>
    %get3A_4 = arith.constant 0 : index
    %get3A_5 = arith.constant 0 : index
    %get3A_6 = vector.load %arg2[%get3A_4, %get3A_5] : memref<512x1024xf32, #tpu.memory_space<vmem>>, vector<512x1024xf32>
    %convert_element_type3A_7 = arith.truncf %get3A_6 : vector<512x1024xf32> to vector<512x1024xbf16>
    %dot_general3A = arith.constant dense<0.000000e+00> : vector<2048x512xf32>
    %dot_general3A_8 = tpu.matmul %get3A_3, %convert_element_type3A_7, %dot_general3A {dimension_numbers = #tpu.dot_dimension_numbers<[1], [1], [0], [0], [0, 0, 1, 0], [], []>, transpose_lhs_hint = false} : vector<2048x1024xbf16>, vector<512x1024xbf16>, vector<2048x512xf32> -> vector<2048x512xf32>
    %logistic3A = arith.negf %dot_general3A_8 : vector<2048x512xf32>
    %logistic3A_9 = math.exp %logistic3A : vector<2048x512xf32>
    %logistic3A_10 = arith.constant 1.000000e+00 : f32
    %logistic3A_11 = vector.broadcast %logistic3A_10 : f32 to vector<2048x512xf32>
    %logistic3A_12 = arith.addf %logistic3A_11, %logistic3A_9 : vector<2048x512xf32>
    %logistic3A_13 = arith.divf %logistic3A_11, %logistic3A_12 : vector<2048x512xf32>
    %mul3A = arith.mulf %dot_general3A_8, %logistic3A_13 : vector<2048x512xf32>
    %get3A_14 = arith.constant 0 : index
    %get3A_15 = arith.constant 0 : index
    %get3A_16 = vector.load %arg3[%get3A_14, %get3A_15] : memref<1024x512xf32, #tpu.memory_space<vmem>>, vector<1024x512xf32>
    %convert_element_type3A_17 = arith.truncf %get3A_16 : vector<1024x512xf32> to vector<1024x512xbf16>
    %get3A_18 = arith.constant 0 : index
    %get3A_19 = arith.constant 0 : index
    %get3A_20 = vector.load %arg4[%get3A_18, %get3A_19] : memref<2048x1024xf32, #tpu.memory_space<vmem>>, vector<2048x1024xf32>
    %convert_element_type3A_21 = arith.truncf %mul3A : vector<2048x512xf32> to vector<2048x512xbf16>
    %dot_general3A_22 = arith.constant dense<0.000000e+00> : vector<2048x1024xf32>
    %dot_general3A_23 = tpu.matmul %convert_element_type3A_21, %convert_element_type3A_17, %dot_general3A_22 {dimension_numbers = #tpu.dot_dimension_numbers<[1], [1], [0], [0], [0, 0, 1, 0], [], []>, transpose_lhs_hint = false} : vector<2048x512xbf16>, vector<1024x512xbf16>, vector<2048x1024xf32> -> vector<2048x1024xf32>
    %add3A = arith.addf %get3A_20, %dot_general3A_23 : vector<2048x1024xf32>
    %swap3A = arith.constant 0 : index
    %swap3A_24 = arith.constant 0 : index
    %swap3A_25 = vector.load %arg4[%swap3A, %swap3A_24] : memref<2048x1024xf32, #tpu.memory_space<vmem>>, vector<2048x1024xf32>
    tpu.vector_store %arg4[%swap3A, %swap3A_24], %add3A {strides = array<i32>} : memref<2048x1024xf32, #tpu.memory_space<vmem>>, vector<2048x1024xf32>,
    return
  }
  func.func @transform_0(%arg0: i32) -> (i32, i32) {
    %c0_i32 = arith.constant 0 : i32
    %c0_i32_0 = arith.constant 0 : i32
    %c0_i32_1 = arith.constant 0 : i32
    return %c0_i32, %c0_i32_0 : i32, i32
  }
  func.func @transform_1(%arg0: i32) -> (i32, i32) {
    %c0_i32 = arith.constant 0 : i32
    %c0_i32_0 = arith.constant 0 : i32
    return %arg0, %c0_i32 : i32, i32
  }
  func.func @transform_2(%arg0: i32) -> (i32, i32) {
    %c0_i32 = arith.constant 0 : i32
    %c0_i32_0 = arith.constant 0 : i32
    return %c0_i32, %arg0 : i32, i32
  }
  func.func @transform_3(%arg0: i32) -> (i32, i32) {
    %c0_i32 = arith.constant 0 : i32
    %c0_i32_0 = arith.constant 0 : i32
    %c0_i32_1 = arith.constant 0 : i32
    return %c0_i32, %c0_i32_0 : i32, i32
  }
}

module attributes {stable_mosaic.version = 14 : i64} {
  func.func @_combine_body(%arg0: i32, %arg1: i32, %arg2: memref<256x512xi32, #tpu.memory_space<vmem>>, %arg3: memref<256x8xf32, #tpu.memory_space<vmem>>, %arg4: memref<256x1024xf32, #tpu.memory_space<vmem>>, %arg5: memref<256x1024xf32, #tpu.memory_space<vmem>>) attributes {dimension_semantics = [#tpu.dimension_semantics<arbitrary>, #tpu.dimension_semantics<arbitrary>], iteration_bounds = array<i64: 8, 8>, scalar_prefetch = 0 : i64, scratch_operands = 0 : i64, tpu.core_type = #tpu.core_type<tc>, window_params = [{transform_indices = @transform_0, window_bounds = array<i64: 256, 512>}, {transform_indices = @transform_1, window_bounds = array<i64: 256, 8>}, {transform_indices = @transform_2, window_bounds = array<i64: 256, 1024>}, {transform_indices = @transform_3, window_bounds = array<i64: 256, 1024>}]} {
    %eq3A = arith.constant 0 : i32
    %eq3A_0 = arith.cmpi eq, %arg1, %eq3A : i32
    %convert_element_type3A = arith.extui %eq3A_0 : i1 to i32
    %cond3A = arith.constant 0 : i32
    %cond3A_1 = arith.cmpi ne, %convert_element_type3A, %cond3A : i32
    scf.if %cond3A_1 {
      %get3A_22 = arith.constant 0 : index
      %get3A_23 = arith.constant 0 : index
      %get3A_24 = vector.load %arg4[%get3A_22, %get3A_23] : memref<256x1024xf32, #tpu.memory_space<vmem>>, vector<256x1024xf32>
      %swap3A_25 = arith.constant 0 : index
      %swap3A_26 = arith.constant 0 : index
      %swap3A_27 = vector.load %arg5[%swap3A_25, %swap3A_26] : memref<256x1024xf32, #tpu.memory_space<vmem>>, vector<256x1024xf32>
      tpu.vector_store %arg5[%swap3A_25, %swap3A_26], %get3A_24 {strides = array<i32>} : memref<256x1024xf32, #tpu.memory_space<vmem>>, vector<256x1024xf32>,
    } else {
    }
    %iota3A = tpu.iota {dimensions = array<i32: 1>} : vector<256x8xi32>
    %eq3A_2 = vector.broadcast %arg1 : i32 to vector<256x8xi32>
    %eq3A_3 = arith.cmpi eq, %iota3A, %eq3A_2 : vector<256x8xi32>
    %get3A = arith.constant 0 : index
    %get3A_4 = arith.constant 0 : index
    %get3A_5 = vector.load %arg3[%get3A, %get3A_4] : memref<256x8xf32, #tpu.memory_space<vmem>>, vector<256x8xf32>
    %jit3A = arith.constant 0.000000e+00 : f32
    %broadcast_in_dim3A = vector.broadcast %jit3A : f32 to vector<256x8xf32>
    %select_n3A = arith.select %eq3A_3, %get3A_5, %broadcast_in_dim3A : vector<256x8xi1>, vector<256x8xf32>
    %reduce_sum3A = arith.constant dense<0.000000e+00> : vector<256xf32>
    %reduce_sum3A_6 = vector.multi_reduction <add>, %select_n3A, %reduce_sum3A [1] : vector<256x8xf32> to vector<256xf32>
    %broadcast_in_dim3A_7 = vector.shape_cast %reduce_sum3A_6 : vector<256xf32> to vector<256x1xf32>
    %get3A_8 = arith.constant 0 : index
    %get3A_9 = arith.constant 0 : index
    %get3A_10 = vector.load %arg2[%get3A_8, %get3A_9] : memref<256x512xi32, #tpu.memory_space<vmem>>, vector<256x512xi32>
    %shift_left3A = arith.constant 16 : i32
    %shift_left3A_11 = vector.broadcast %shift_left3A : i32 to vector<256x512xi32>
    %shift_left3A_12 = arith.shli %get3A_10, %shift_left3A_11 : vector<256x512xi32>
    %bitcast_convert_type3A = tpu.bitcast %shift_left3A_12 : vector<256x512xi32> -> vector<256x512xf32>
    %and3A = arith.constant -65536 : i32
    %and3A_13 = vector.broadcast %and3A : i32 to vector<256x512xi32>
    %and3A_14 = arith.andi %get3A_10, %and3A_13 : vector<256x512xi32>
    %bitcast_convert_type3A_15 = tpu.bitcast %and3A_14 : vector<256x512xi32> -> vector<256x512xf32>
    %get3A_16 = arith.constant 0 : index
    %get3A_17 = arith.constant 0 : index
    %get3A_18 = vector.load %arg5[%get3A_16, %get3A_17] : memref<256x1024xf32, #tpu.memory_space<vmem>>, vector<256x1024xf32>
    %concatenate3A = tpu.concatenate %bitcast_convert_type3A, %bitcast_convert_type3A_15 in 1 : vector<256x512xf32>, vector<256x512xf32> -> vector<256x1024xf32>
    %mul3A = vector.broadcast %broadcast_in_dim3A_7 : vector<256x1xf32> to vector<256x1024xf32>
    %mul3A_19 = arith.mulf %mul3A, %concatenate3A : vector<256x1024xf32>
    %add3A = arith.addf %get3A_18, %mul3A_19 : vector<256x1024xf32>
    %swap3A = arith.constant 0 : index
    %swap3A_20 = arith.constant 0 : index
    %swap3A_21 = vector.load %arg5[%swap3A, %swap3A_20] : memref<256x1024xf32, #tpu.memory_space<vmem>>, vector<256x1024xf32>
    tpu.vector_store %arg5[%swap3A, %swap3A_20], %add3A {strides = array<i32>} : memref<256x1024xf32, #tpu.memory_space<vmem>>, vector<256x1024xf32>,
    return
  }
  func.func @transform_0(%arg0: i32, %arg1: i32) -> (i32, i32) {
    %mul3A = arith.constant 8 : i32
    %mul3A_0 = arith.muli %arg1, %mul3A : i32
    %add3A = arith.addi %mul3A_0, %arg0 : i32
    %c0_i32 = arith.constant 0 : i32
    %c0_i32_1 = arith.constant 0 : i32
    return %add3A, %c0_i32 : i32, i32
  }
  func.func @transform_1(%arg0: i32, %arg1: i32) -> (i32, i32) {
    %c0_i32 = arith.constant 0 : i32
    %c0_i32_0 = arith.constant 0 : i32
    return %arg0, %c0_i32 : i32, i32
  }
  func.func @transform_2(%arg0: i32, %arg1: i32) -> (i32, i32) {
    %c0_i32 = arith.constant 0 : i32
    %c0_i32_0 = arith.constant 0 : i32
    return %arg0, %c0_i32 : i32, i32
  }
  func.func @transform_3(%arg0: i32, %arg1: i32) -> (i32, i32) {
    %c0_i32 = arith.constant 0 : i32
    %c0_i32_0 = arith.constant 0 : i32
    return %arg0, %c0_i32 : i32, i32
  }
}

</mosaic_0001>

<sc_bundles>
// kernel: kernel.11.cloned.1.call-start
scs
__scs_entry_jumppad:
0x0: {  	(pc) =	sbr.rel $0x88, $3  }
0x1: {  	(tag) =	ssettag $0x0;
	lr =	simm.s32 $0x1  }
0x2: {  	[smem:$0x3F9B] =	sst lr;
	_ =	strace $0xD0000000  }
0x3: {  	_ = 	snop  }
0x4: {  	_ = 	snop  }
0x5: {  	_ = 	snop  }
0x6: {  	_ = 	snop  }
0x7: {  	_ = 	snop  }
__scs_overlays_trampoline_lowered:
0x8: {  	[smem:$0x3FAA] =	sst s0  }
0x9: {  	[smem:$0x3FAB] =	sst s1  }
0xa: {  	[smem:$0x3FAC] =	sst s2  }
0xb: {  	[smem:$0x3FAD] =	sst s3  }
0xc: {  	[smem:$0x3FAE] =	sst s4  }
0xd: {  	[smem:$0x3FAF] =	sst s5  }
0xe: {  	[smem:$0x3FB0] =	sst s6  }
0xf: {  	[smem:$0x3FB1] =	sst s7  }
0x10: {  	[smem:$0x3FB2] =	sst s8  }
0x11: {  	[smem:$0x3FB3] =	sst s9;
	s0 =	simm.s32 @!p0 $0x0  }
0x12: {  	s1 =	sld [smem:$0x3F99];
	s0 =	simm.s32 @p0 $0x1  }
0x13: {  	[smem:$0x3FB4] =	sst s0;
	s0 =	simm.s32 @!p1 $0x0  }
0x14: {  	s2 =	sld [smem:$0x3F98];
	s0 =	simm.s32 @p1 $0x1  }
0x15: {  	[smem:$0x3FB5] =	sst s0;
	s0 =	simm.s32 @!p2 $0x0  }
0x16: {  	s3 =	sld [smem:$0x3FDB];
	s0 =	simm.s32 @p2 $0x1  }
0x17: {  	s4 =	simm.s32 $0x1BF5;
	[smem:$0x3FB7] =	sst s0  }
0x18: {  	s0 =	sld [smem:$0x3F9A];
	_ =	swait.ge [sflag:s4], $0x0  }
0x19: {  	s7 =	sld [smem:$0x3F9B]  }
0x1a: {  	s8 =	sadd.s32 $0xFFFFE003, lr  }
0x1b: {  	s9 =	sadd.s32 $0xFFFFFEF7, lr;
	s5 =	simm.s32 $0xFFFFFFFF;
	p2 =	slt.u32 s8, $0xFFFFF086  }
0x1c: {  	p1 =	slt.u32 s9, $0xF7A;
	s5 =	simm.s32 @!p2 $0x0  }
0x1d: {  	s5 =	simm.s32 @p1 $0x1;
	p0 =	seq.s32 s7, s2  }
0x1e: {  	s7 =	smul.u32 @!p0 $0xF7A, s2;
	p2 =	seq.s32 @!p0 s5, $0x0  }
0x1f: {  	s9 =	smul.u32 $0xF7A, s1;
	s8 =	simm.s32 @!p0 $0x1BF5;
	p2 =	por !p2, p0  }
0x20: {  	[sflag:s8] =	ssyncset.s32 @!p0 $0xFFFFF086;
	s6 =	sadd.s32 @!p0 s3, s7;
	s7 =	simm.s32 @!p0 $0x108  }
0x21: {  	s3 =	sadd.s32 s3, s9;
	s6 =	sadd.s32 @!p0 $0x88, s6;
	s7 =	simm.s32 @p2 $0x1082  }
0x22: {  	[simem:s7], [sflag:s8] =	dma.local @!p0 [hbm:s6], $0xF7A  }
0x23: {  	s9 =	sor.u32 $0xD0000000, s2;
	s6 =	simm.s32 $0x108;
	_ =	swait.ge @!p0 [sflag:s8], $0x0  }
0x24: {  	s3 =	sadd.s32 $0x88, s3;
	s6 =	simm.s32 @!p1 $0x1082;
	[sflag:s4] =	ssyncset.s32 $0xFFFFF086  }
0x25: {  	[simem:s6], [sflag:s4] =	dma.local [hbm:s3], $0xF7A  }
0x26: {  	[smem:$0x3F9B] =	sst s1;
	(tag) =	ssettag s2;
	_ =	strace s9  }
0x27: {  	s1 =	sld [smem:$0x3FAB]  }
0x28: {  	s2 =	sld [smem:$0x3FAC]  }
0x29: {  	s4 =	sld [smem:$0x3FAE]  }
0x2a: {  	p0 =	seq.s32 s5, $0x0;
	s5 =	sld [smem:$0x3FAF]  }
0x2b: {  	s6 =	sld [smem:$0x3FB0]  }
0x2c: {  	s7 =	sld [smem:$0x3FB1]  }
0x2d: {  	s3 =	simm.s32 $0x108;
	s8 =	sld [smem:$0x3FB2]  }
0x2e: {  	s3 =	simm.s32 @!p0 $0x1082;
	s9 =	sld [smem:$0x3FB3]  }
0x2f: {  	lr =	sadd.s32 s0, s3;
	s0 =	sld [smem:$0x3FAA]  }
0x30: {  	s3 =	sld [smem:$0x3FAD]  }
0x31: {  	[smem:$0x3FB6] =	sst s10  }
0x32: {  	s10 =	sld [smem:$0x3FB4];
	_ =	sdelay $0x3  }
0x33: {  	p0 =	seq.s32 s10, $0x1;
	s10 =	sld [smem:$0x3FB6];
	_ =	sdelay $0x3  }
0x34: {  	[smem:$0x3FB6] =	sst s10  }
0x35: {  	s10 =	sld [smem:$0x3FB5];
	_ =	sdelay $0x3  }
0x36: {  	p1 =	seq.s32 s10, $0x1;
	s10 =	sld [smem:$0x3FB6];
	_ =	sdelay $0x3  }
0x37: {  	[smem:$0x3FB6] =	sst s10  }
0x38: {  	s10 =	sld [smem:$0x3FB7]  }
0x39: {  	_ = 	snop;
	(pc) =	sbr.ind lr, $3  }
0x3a: {  	_ = 	snop  }
0x3b: {  	_ = 	snop  }
0x3c: {  	p2 =	seq.s32 s10, $0x1;
	s10 =	sld [smem:$0x3FB6]  }
0x3d: {  	_ =	shalt  }
0x3e: {  	_ =	shalt  }
0x3f: {  	_ =	shalt  }
0x40: {  	_ =	shalt  }
0x41: {  	_ =	shalt  }
0x42: {  	_ =	shalt  }
0x43: {  	_ =	shalt  }
0x44: {  	_ =	shalt  }
0x45: {  	_ =	shalt  }
0x46: {  	_ =	shalt  }
0x47: {  	_ =	shalt  }
0x48: {  	_ =	shalt  }
0x49: {  	_ =	shalt  }
0x4a: {  	_ =	shalt  }
0x4b: {  	_ =	shalt  }
0x4c: {  	_ =	shalt  }
0x4d: {  	_ =	shalt  }
0x4e: {  	_ =	shalt  }
0x4f: {  	_ =	shalt  }
0x50: {  	_ =	shalt  }
0x51: {  	_ =	shalt  }
0x52: {  	_ =	shalt  }
0x53: {  	_ =	shalt  }
0x54: {  	_ =	shalt  }
0x55: {  	_ =	shalt  }
0x56: {  	_ =	shalt  }
0x57: {  	_ =	shalt  }
0x58: {  	_ =	shalt  }
0x59: {  	_ =	shalt  }
0x5a: {  	_ =	shalt  }
0x5b: {  	_ =	shalt  }
0x5c: {  	_ =	shalt  }
0x5d: {  	_ =	shalt  }
0x5e: {  	_ =	shalt  }
0x5f: {  	_ =	shalt  }
0x60: {  	_ =	shalt  }
0x61: {  	_ =	shalt  }
0x62: {  	_ =	shalt  }
0x63: {  	_ =	shalt  }
0x64: {  	_ =	shalt  }
0x65: {  	_ =	shalt  }
0x66: {  	_ =	shalt  }
0x67: {  	_ =	shalt  }
0x68: {  	_ =	shalt  }
0x69: {  	_ =	shalt  }
0x6a: {  	_ =	shalt  }
0x6b: {  	_ =	shalt  }
0x6c: {  	_ =	shalt  }
0x6d: {  	_ =	shalt  }
0x6e: {  	_ =	shalt  }
0x6f: {  	_ =	shalt  }
0x70: {  	_ =	shalt  }
0x71: {  	_ =	shalt  }
0x72: {  	_ =	shalt  }
0x73: {  	_ =	shalt  }
0x74: {  	_ =	shalt  }
0x75: {  	_ =	shalt  }
0x76: {  	_ =	shalt  }
0x77: {  	_ =	shalt  }
0x78: {  	_ =	shalt  }
0x79: {  	_ =	shalt  }
0x7a: {  	_ =	shalt  }
0x7b: {  	_ =	shalt  }
0x7c: {  	_ =	shalt  }
0x7d: {  	_ =	shalt  }
0x7e: {  	_ =	shalt  }
0x7f: {  	_ =	shalt  }
0x80: {  	_ =	shalt  }
0x81: {  	_ =	shalt  }
0x82: {  	_ =	shalt  }
0x83: {  	_ =	shalt  }
0x84: {  	_ =	shalt  }
0x85: {  	_ =	shalt  }
0x86: {  	_ =	shalt  }
0x87: {  	_ =	shalt  }
.Lfunc_end0:
.L_simem_size_0:
called_computation.1_lowered:
.L_overlay_start_0:
0x88: {  	s2 =	sld [smem:$0x3FD9]  }
0x89: {  	s3 =	sld [smem:$0x3FFE];
	_ =	sdelay $0x1  }
0x8a: {  	s1 =	srdreg.scid  }
0x8b: {  	s0 =	sand.u32 $0x1, s1  }
0x8c: {  	s16 =	sshll.u32 s0, $0xA;
	s2 =	sadd.s32 s3, s2  }
0x8d: {  	s2 =	sadd.s32 s2, s16  }
0x8e: {  	[smem:$0x3FC2] =	sst s2  }
0x8f: {  	_ = 	snop  }
0x90: {  	(tm) =	ssettm $0x1  }
0x91: {  	s17 =	sld [smem:$0x3FFB];
	_ =	sdelay $0x3  }
0x92: {  	_ =	strace s17  }
0x93: {  	s2 =	sld [smem:$0x3FFC];
	_ =	sdelay $0x3  }
0x94: {  	_ =	strace s2  }
0x95: {  	s2 =	sld [smem:$0x3FFD];
	_ =	sdelay $0x3  }
0x96: {  	_ =	strace s2  }
0x97: {  	_ =	strace $0x8FFFFFFF  }
0x98: {  	s18 =	sld [smem:$0x3FDB];
	_ =	sdelay $0x1  }
0x99: {  	s19 =	simm.s32 $_scs_section_size  }
0x9a: {  	s4 =	simm.s32 $_size__tile_overlayer_lowered;
	s5 =	simm.s32 $_tile_overlayer_lowered  }
0x9b: {  	s22 =	simm.s32 $0x1BFF;
	s21 =	sshll.u32 s5, $0x1;
	s2 =	sadd.s32 s19, s18  }
0x9c: {  	s6 =	simm.s32 $0x0;
	s20 =	sshll.u32 s4, $0x1;
	s4 =	sadd.s32 s21, s2  }
0x9d: {  	[timem:s6], [sflag:s22] =	dma.local [hbm:s4], s20  }
0x9e: {  	_ =	swait.ge [sflag:s22], s20  }
0x9f: {  	s3 =	ssub.s32 $0x0, s20;
	[sflag:s22] =	ssyncset.done $0x0  }
0xa0: {  	[sflag:s22] =	ssyncadd.s32 s3;
	_ =	sdelay $0x1  }
0xa1: {  	s23 =	simm.s32 $0x1B8B  }
0xa2: {  	_ =	swait.ge [sflag:s23], $0x1  }
0xa3: {  	[sflag:s23] =	ssyncset.done $0x0  }
0xa4: {  	s25 =	simm.s32 $0x1B8E;
	s24 =	sld [smem:$0x3FFE];
	[sflag:s23] =	ssyncadd.s32 $0xFFFFFFFF  }
0xa5: {  	s26 =	simm.s32 $execute0_lowered;
	[smem:$0x3FD2] =	sst s25  }
0xa6: {  	s4 =	sshll.u32 s26, $0x1;
	_ =	strace $0x80000049;
	[dreg:$0x1] =	wrdreg $0xFFFFFFFF  }
0xa7: {  	s28 =	simm.s32 $_size_execute0_lowered;
	s2 =	sadd.s32 s2, s4;
	[dreg:$0x0] =	wrdreg $0x0  }
0xa8: {  	s4 =	sshll.u32 s28, $0x1;
	[dreg:$0x2] =	wrdreg s2  }
0xa9: {  	[dreg:$0x3] =	wrdreg s4  }
0xaa: {  	[dreg:$0x4] =	wrdreg $0xC0  }
0xab: {  	_ =	task [dreg:s6], $0x5FFFF  }
0xac: {  	[dreg:$0x1] =	wrdreg $0xFFFFFFFF  }
0xad: {  	[dreg:$0x0] =	wrdreg $0x60  }
0xae: {  	[dreg:$0x2] =	wrdreg s24  }
0xaf: {  	[dreg:$0x3] =	wrdreg $0x9  }
0xb0: {  	_ =	task.clear_ibuf [dreg:s6], $0x4FFFF;
	_ =	strace $0x90000049  }
0xb1: {  	s29 =	simm.s32 $0x9;
	_ =	strace $0x8000004B  }
0xb2: {  	_ =	swait.ge [sflag:s29], $0x1  }
0xb3: {  	[sflag:s29] =	ssyncadd.s32 $0xFFFFFFFF  }
0xb4: {  	_ =	strace $0x9000004B  }
0xb5: {  	_ =	sfence  }
0xb6: {  	s30 =	sld [smem:$0x0];
	_ =	sdelay $0x2  }
0xb7: {  	s31 =	sshll.u32 s1, $0xD;
	s1 =	sshrl.u32 s1, $0x2  }
0xb8: {  	s3 =	sand.u32 $0x4000, s31;
	s1 =	sadd.s32 s1, s30  }
0xb9: {  	s0 =	sor.u32 s3, s0;
	s1 =	sshll.u32 s1, $0x11  }
0xba: {  	s0 =	sor.u32 s1, s0  }
0xbb: {  	s0 =	sadd.s32 $0x8F2B, s0  }
0xbc: {  	[sflag:s0] =	ssyncadd.remote.s32 $0x1  }
0xbd: {  	_ =	sfence.sel $0xFFFF  }
0xbe: {  	[dreg:$0x0] =	wrdreg $0xFFFFFFFF;
	(pc) =	sbr.abs _section_cstart, $3  }
0xbf: {  	[dreg:$0x1] =	wrdreg $0xFFFFFFFF  }
0xc0: {  	_ =	task.clear_ibuf [dreg:s6], $0x2FFFF;
	_ =	strace $0x9FFFFFFF  }
0xc1: {  	(tm) =	ssettm $0x7FFFFFFF  }
tec
execute0_lowered:
.L_overlay_start_1:
0x0: {  	(tag) =	ssettag $0x1  }
0x1: {  	s0 =	rddreg [dreg:$0x0];
	s1 =	simm.s32 $0x0  }
0x2: {  	s4 =	srdreg.scid;
	s2 =	stileid.u32;
	s28 =	simm.s32 $0x6080  }
0x3: {  	s29 =	simm.s32 $0x6880;
	s30 =	simm.s32 $0x7080;
	s31 =	simm.s32 $0x7880  }
0x4: {  	[smem:$0x7FF] =	sst s1;
	s3 =	sadd.s32 $0x132A00, s0;
	s4 =	sand.u32 $0x1, s4  }
0x5: {  	s6 =	sshll.u32 s2, $0xA;
	s11 =	sadd.s32 $0x132200, s0;
	s5 =	ssub.s32 $0x2, s4  }
0x6: {  	s12 =	sadd.s32 $0x31400, s0;
	s4 =	sshll.u32 s4, $0x9;
	s7 =	sshrl.u32 s5, $0x1  }
0x7: {  	_ =	strace $0x8000004A;
	s10 =	sor.u32 s4, s6;
	s13 =	ssub.s32 s5, s7  }
0x8: {  	s4 =	sshrl.u32 s10, $0x3;
	s22 =	sshll.u32 s10, $0x6;
	s6 =	sor.u32 $0x40, s10  }
0x9: {  	s2 =	sor.u32 $0x80, s10;
	s8 =	sor.u32 $0xC0, s10;
	s18 =	sor.u32 $0x100, s10  }
0xa: {  	s21 =	sor.u32 $0x140, s10;
	s4 =	sadd.s32 s11, s4;
	s23 =	sadd.s32 s12, s22  }
0xb: {  	s24 =	sshrl.u32 s6, $0x3;
	s26 =	sshll.u32 s6, $0x6;
	s7 =	sshll.u32 s2, $0x6  }
0xc: {  	s14 =	sshrl.u32 s8, $0x3;
	s16 =	sshll.u32 s8, $0x6;
	s19 =	sshrl.u32 s18, $0x3  }
0xd: {  	s20 =	sshll.u32 s18, $0x6;
	s22 =	sshrl.u32 s21, $0x3;
	[dreg:$0x2] =	wrdreg s4  }
0xe: {  	s13 =	smax.u32 s13, $0x1;
	s18 =	simm.s32 $0x1880;
	[dreg:$0x3] =	wrdreg s23  }
0xf: {  	s25 =	sadd.s32 s11, s24;
	s5 =	sadd.s32 s12, s26;
	s4 =	sadd.s32 $0x132B00, s0  }
0x10: {  	s9 =	sadd.s32 s12, s7;
	s15 =	sadd.s32 s11, s14;
	[dreg:$0x4] =	wrdreg s25  }
0x11: {  	s17 =	sadd.s32 s12, s16;
	s6 =	sadd.s32 s12, s20;
	[dreg:$0x5] =	wrdreg s5  }
0x12: {  	s14 =	sor.u32 $0x180, s10;
	s7 =	sadd.s32 s11, s22;
	[dreg:$0x7] =	wrdreg s9  }
0x13: {  	s16 =	simm.s32 $0x880;
	s20 =	simm.s32 $0x2880;
	[dreg:$0x8] =	wrdreg s15  }
0x14: {  	s22 =	simm.s32 $0x3880;
	s5 =	sshrl.u32 s2, $0x3;
	[dreg:$0x9] =	wrdreg s17  }
0x15: {  	s23 =	sshrl.u32 s14, $0x3;
	s24 =	sshll.u32 s14, $0x6;
	s25 =	sor.u32 $0x1C0, s10  }
0x16: {  	s15 =	simm.s32 $0x80;
	s17 =	simm.s32 $0x1080;
	s0 =	sadd.s32 s11, s5  }
0x17: {  	s5 =	sadd.s32 s11, s19;
	s9 =	sadd.s32 s11, s23;
	s10 =	sadd.s32 s12, s24  }
0x18: {  	s26 =	sshrl.u32 s25, $0x3;
	s14 =	sshll.u32 s25, $0x6;
	s19 =	simm.s32 $0x2080  }
0x19: {  	s23 =	simm.s32 $0x4080;
	s24 =	simm.s32 $0x4880;
	s25 =	simm.s32 $0x5080  }
0x1a: {  	v2 =	vlaneseq.u32;
	[dreg:$0x6] =	wrdreg s0;
	s0 =	sshll.u32 s21, $0x6;
	s11 =	sadd.s32 s11, s26  }
0x1b: {  	vm0 =	vmmov $0xffff;
	v1 =	vshrl.u32 v2, $0x3;
	s21 =	simm.s32 $0x3080;
	s26 =	simm.s32 $0x5880;
	s8 =	sadd.s32 s12, s0  }
0x1c: {  	v0 =	vand.u32 $0x7, v2;
	v2 =	vor.u32 $0x8, v2;
	v1 =	vmul.u32 $0x8, v1;
	s12 =	sadd.s32 s12, s14;
	s14 =	simm.s32 $0x2;
	s0 =	simm.s32 $0x1  }
.LBB2_1:
0x1d: {  	s2 =	rddreg [dreg:$0x2]  }
0x1e: {  	[tilespmem:s1], [sflag:$0x2] =	stream.linear.gather [hbm4b:s2+s1], $0x40, $0x38;
	[tilespmem:$0x8080] =	vst v63  }
0x1f: {  	_ =	swait.ge [sflag:s14], $0x40  }
0x20: {  	[sflag:s14] =	ssyncset.done $0x0  }
0x21: {  	[sflag:s14] =	ssyncadd.s32 $0xFFFFFFC0  }
0x22: {  	v3 =	vld [tilespmem:$0x0];
	_ =	sdelay $0x4  }
0x23: {  	v4 =	vshll.u32 v3, $0x2  }
0x24: {  	v3 =	vand.u32 $0x7, v3;
	v4 =	vand.u32 $0xFFFFFFE0, v4  }
0x25: {  	v3 =	vor.u32 v3, v4  }
0x26: {  	v4 =	vperm.xlane v3, v0;
	_ =	sdelay $0x1  }
0x27: {  	v4 =	vadd.s32 v1, v4;
	_ =	sdelay $0x1  }
0x28: {  	v3 =	vperm.xlane v3, v2;
	_ =	sdelay $0x1  }
0x29: {  	v3 =	vadd.s32 v1, v3  }
0x2a: {  	[tilespmem:s15], [sflag:$0x1] =	stream.indirect_vreg.gather [hbm4b:s3+s1], $0x80, v4, vm0, $0xb8;
	[tilespmem:$0x8080] =	vst v63  }
0x2b: {  	_ = 	snop  }
0x2c: {  	[tilespmem:s16], [sflag:$0x1] =	stream.indirect_vreg.gather [hbm4b:s4+s1], $0x80, v4, vm0, $0xb8;
	[tilespmem:$0x8080] =	vst v63  }
0x2d: {  	_ = 	snop  }
0x2e: {  	[tilespmem:s17], [sflag:$0x1] =	stream.indirect_vreg.gather [hbm4b:s3+s1], $0x80, v3, vm0, $0xb8;
	[tilespmem:$0x8080] =	vst v63  }
0x2f: {  	_ = 	snop  }
0x30: {  	[tilespmem:s18], [sflag:$0x1] =	stream.indirect_vreg.gather [hbm4b:s4+s1], $0x80, v3, vm0, $0xb8;
	[tilespmem:$0x8080] =	vst v63  }
0x31: {  	v3 =	vld [tilespmem:$0x10];
	_ =	sdelay $0x4  }
0x32: {  	v33 =	vshll.u32 v3, $0x2  }
0x33: {  	v3 =	vand.u32 $0x7, v3;
	v4 =	vand.u32 $0xFFFFFFE0, v33  }
0x34: {  	v3 =	vor.u32 v3, v4  }
0x35: {  	v4 =	vperm.xlane v3, v0;
	_ =	sdelay $0x1  }
0x36: {  	v4 =	vadd.s32 v1, v4;
	_ =	sdelay $0x1  }
0x37: {  	v3 =	vperm.xlane v3, v2;
	_ =	sdelay $0x1  }
0x38: {  	v3 =	vadd.s32 v1, v3  }
0x39: {  	[tilespmem:s19], [sflag:$0x1] =	stream.indirect_vreg.gather [hbm4b:s3+s1], $0x80, v4, vm0, $0xb8;
	[tilespmem:$0x8080] =	vst v63  }
0x3a: {  	_ = 	snop  }
0x3b: {  	[tilespmem:s20], [sflag:$0x1] =	stream.indirect_vreg.gather [hbm4b:s4+s1], $0x80, v4, vm0, $0xb8;
	[tilespmem:$0x8080] =	vst v63  }
0x3c: {  	_ = 	snop  }
0x3d: {  	[tilespmem:s21], [sflag:$0x1] =	stream.indirect_vreg.gather [hbm4b:s3+s1], $0x80, v3, vm0, $0xb8;
	[tilespmem:$0x8080] =	vst v63  }
0x3e: {  	_ = 	snop  }
0x3f: {  	[tilespmem:s22], [sflag:$0x1] =	stream.indirect_vreg.gather [hbm4b:s4+s1], $0x80, v3, vm0, $0xb8;
	[tilespmem:$0x8080] =	vst v63  }
0x40: {  	v3 =	vld [tilespmem:$0x20];
	_ =	sdelay $0x4  }
0x41: {  	v34 =	vshll.u32 v3, $0x2  }
0x42: {  	v3 =	vand.u32 $0x7, v3;
	v4 =	vand.u32 $0xFFFFFFE0, v34  }
0x43: {  	v3 =	vor.u32 v3, v4  }
0x44: {  	v4 =	vperm.xlane v3, v0;
	_ =	sdelay $0x1  }
0x45: {  	v4 =	vadd.s32 v1, v4;
	_ =	sdelay $0x1  }
0x46: {  	v3 =	vperm.xlane v3, v2;
	_ =	sdelay $0x1  }
0x47: {  	v3 =	vadd.s32 v1, v3  }
0x48: {  	[tilespmem:s23], [sflag:$0x1] =	stream.indirect_vreg.gather [hbm4b:s3+s1], $0x80, v4, vm0, $0xb8;
	[tilespmem:$0x8080] =	vst v63  }
0x49: {  	_ = 	snop  }
0x4a: {  	[tilespmem:s24], [sflag:$0x1] =	stream.indirect_vreg.gather [hbm4b:s4+s1], $0x80, v4, vm0, $0xb8;
	[tilespmem:$0x8080] =	vst v63  }
0x4b: {  	_ = 	snop  }
0x4c: {  	[tilespmem:s25], [sflag:$0x1] =	stream.indirect_vreg.gather [hbm4b:s3+s1], $0x80, v3, vm0, $0xb8;
	[tilespmem:$0x8080] =	vst v63  }
0x4d: {  	_ = 	snop  }
0x4e: {  	[tilespmem:s26], [sflag:$0x1] =	stream.indirect_vreg.gather [hbm4b:s4+s1], $0x80, v3, vm0, $0xb8;
	[tilespmem:$0x8080] =	vst v63  }
0x4f: {  	v3 =	vld [tilespmem:$0x30];
	_ =	sdelay $0x4  }
0x50: {  	v35 =	vshll.u32 v3, $0x2  }
0x51: {  	v3 =	vand.u32 $0x7, v3;
	v4 =	vand.u32 $0xFFFFFFE0, v35  }
0x52: {  	v3 =	vor.u32 v3, v4  }
0x53: {  	v4 =	vperm.xlane v3, v0;
	_ =	sdelay $0x1  }
0x54: {  	v4 =	vadd.s32 v1, v4;
	_ =	sdelay $0x1  }
0x55: {  	v3 =	vperm.xlane v3, v2;
	_ =	sdelay $0x1  }
0x56: {  	v3 =	vadd.s32 v1, v3  }
0x57: {  	[tilespmem:s28], [sflag:$0x1] =	stream.indirect_vreg.gather [hbm4b:s3+s1], $0x80, v4, vm0, $0xb8;
	[tilespmem:$0x8080] =	vst v63  }
0x58: {  	_ = 	snop  }
0x59: {  	[tilespmem:s29], [sflag:$0x1] =	stream.indirect_vreg.gather [hbm4b:s4+s1], $0x80, v4, vm0, $0xb8;
	[tilespmem:$0x8080] =	vst v63  }
0x5a: {  	_ = 	snop  }
0x5b: {  	[tilespmem:s30], [sflag:$0x1] =	stream.indirect_vreg.gather [hbm4b:s3+s1], $0x80, v3, vm0, $0xb8;
	[tilespmem:$0x8080] =	vst v63  }
0x5c: {  	_ = 	snop  }
0x5d: {  	[tilespmem:s31], [sflag:$0x1] =	stream.indirect_vreg.gather [hbm4b:s4+s1], $0x80, v3, vm0, $0xb8;
	[tilespmem:$0x8080] =	vst v63  }
0x5e: {  	_ =	swait.ge [sflag:s0], $0x8000  }
0x5f: {  	[sflag:s0] =	ssyncset.done $0x0  }
0x60: {  	s2 =	rddreg [dreg:$0x3];
	[sflag:s0] =	ssyncadd.s32 $0xFFFF8000  }
0x61: {  	[hbm4b:s2+s1] =	stream.linear.scatter [tilespmem:s15], [sflag:$0x2], $0x8000, $0x38;
	[tilespmem:$0x8080] =	vst v63  }
0x62: {  	_ =	swait.ge [sflag:s14], $0x8000  }
0x63: {  	[sflag:s14] =	ssyncset.done $0x0  }
0x64: {  	s2 =	rddreg [dreg:$0x4];
	[sflag:s14] =	ssyncadd.s32 $0xFFFF8000  }
0x65: {  	[tilespmem:s1], [sflag:$0x2] =	stream.linear.gather [hbm4b:s2+s1], $0x40, $0x38;
	[tilespmem:$0x8080] =	vst v63  }
0x66: {  	_ =	swait.ge [sflag:s14], $0x40  }
0x67: {  	[sflag:s14] =	ssyncset.done $0x0  }
0x68: {  	[sflag:s14] =	ssyncadd.s32 $0xFFFFFFC0  }
0x69: {  	v3 =	vld [tilespmem:$0x0];
	_ =	sdelay $0x4  }
0x6a: {  	v36 =	vshll.u32 v3, $0x2  }
0x6b: {  	v3 =	vand.u32 $0x7, v3;
	v4 =	vand.u32 $0xFFFFFFE0, v36  }
0x6c: {  	v3 =	vor.u32 v3, v4  }
0x6d: {  	v4 =	vperm.xlane v3, v0;
	_ =	sdelay $0x1  }
0x6e: {  	v4 =	vadd.s32 v1, v4;
	_ =	sdelay $0x1  }
0x6f: {  	v3 =	vperm.xlane v3, v2;
	_ =	sdelay $0x1  }
0x70: {  	v3 =	vadd.s32 v1, v3  }
0x71: {  	[tilespmem:s15], [sflag:$0x1] =	stream.indirect_vreg.gather [hbm4b:s3+s1], $0x80, v4, vm0, $0xb8;
	[tilespmem:$0x8080] =	vst v63  }
0x72: {  	_ = 	snop  }
0x73: {  	[tilespmem:s16], [sflag:$0x1] =	stream.indirect_vreg.gather [hbm4b:s4+s1], $0x80, v4, vm0, $0xb8;
	[tilespmem:$0x8080] =	vst v63  }
0x74: {  	_ = 	snop  }
0x75: {  	[tilespmem:s17], [sflag:$0x1] =	stream.indirect_vreg.gather [hbm4b:s3+s1], $0x80, v3, vm0, $0xb8;
	[tilespmem:$0x8080] =	vst v63  }
0x76: {  	_ = 	snop  }
0x77: {  	[tilespmem:s18], [sflag:$0x1] =	stream.indirect_vreg.gather [hbm4b:s4+s1], $0x80, v3, vm0, $0xb8;
	[tilespmem:$0x8080] =	vst v63  }
0x78: {  	v3 =	vld [tilespmem:$0x10];
	_ =	sdelay $0x4  }
0x79: {  	v37 =	vshll.u32 v3, $0x2  }
0x7a: {  	v3 =	vand.u32 $0x7, v3;
	v4 =	vand.u32 $0xFFFFFFE0, v37  }
0x7b: {  	v3 =	vor.u32 v3, v4  }
0x7c: {  	v4 =	vperm.xlane v3, v0;
	_ =	sdelay $0x1  }
0x7d: {  	v4 =	vadd.s32 v1, v4;
	_ =	sdelay $0x1  }
0x7e: {  	v3 =	vperm.xlane v3, v2;
	_ =	sdelay $0x1  }
0x7f: {  	v3 =	vadd.s32 v1, v3  }
0x80: {  	[tilespmem:s19], [sflag:$0x1] =	stream.indirect_vreg.gather [hbm4b:s3+s1], $0x80, v4, vm0, $0xb8;
	[tilespmem:$0x8080] =	vst v63  }
0x81: {  	_ = 	snop  }
0x82: {  	[tilespmem:s20], [sflag:$0x1] =	stream.indirect_vreg.gather [hbm4b:s4+s1], $0x80, v4, vm0, $0xb8;
	[tilespmem:$0x8080] =	vst v63  }
0x83: {  	_ = 	snop  }
0x84: {  	[tilespmem:s21], [sflag:$0x1] =	stream.indirect_vreg.gather [hbm4b:s3+s1], $0x80, v3, vm0, $0xb8;
	[tilespmem:$0x8080] =	vst v63  }
0x85: {  	_ = 	snop  }
0x86: {  	[tilespmem:s22], [sflag:$0x1] =	stream.indirect_vreg.gather [hbm4b:s4+s1], $0x80, v3, vm0, $0xb8;
	[tilespmem:$0x8080] =	vst v63  }
0x87: {  	v3 =	vld [tilespmem:$0x20];
	_ =	sdelay $0x4  }
0x88: {  	v38 =	vshll.u32 v3, $0x2  }
0x89: {  	v3 =	vand.u32 $0x7, v3;
	v4 =	vand.u32 $0xFFFFFFE0, v38  }
0x8a: {  	v3 =	vor.u32 v3, v4  }
0x8b: {  	v4 =	vperm.xlane v3, v0;
	_ =	sdelay $0x1  }
0x8c: {  	v4 =	vadd.s32 v1, v4;
	_ =	sdelay $0x1  }
0x8d: {  	v3 =	vperm.xlane v3, v2;
	_ =	sdelay $0x1  }
0x8e: {  	v3 =	vadd.s32 v1, v3  }
0x8f: {  	[tilespmem:s23], [sflag:$0x1] =	stream.indirect_vreg.gather [hbm4b:s3+s1], $0x80, v4, vm0, $0xb8;
	[tilespmem:$0x8080] =	vst v63  }
0x90: {  	_ = 	snop  }
0x91: {  	[tilespmem:s24], [sflag:$0x1] =	stream.indirect_vreg.gather [hbm4b:s4+s1], $0x80, v4, vm0, $0xb8;
	[tilespmem:$0x8080] =	vst v63  }
0x92: {  	_ = 	snop  }
0x93: {  	[tilespmem:s25], [sflag:$0x1] =	stream.indirect_vreg.gather [hbm4b:s3+s1], $0x80, v3, vm0, $0xb8;
	[tilespmem:$0x8080] =	vst v63  }
0x94: {  	_ = 	snop  }
0x95: {  	[tilespmem:s26], [sflag:$0x1] =	stream.indirect_vreg.gather [hbm4b:s4+s1], $0x80, v3, vm0, $0xb8;
	[tilespmem:$0x8080] =	vst v63  }
0x96: {  	v3 =	vld [tilespmem:$0x30];
	_ =	sdelay $0x4  }
0x97: {  	v39 =	vshll.u32 v3, $0x2  }
0x98: {  	v3 =	vand.u32 $0x7, v3;
	v4 =	vand.u32 $0xFFFFFFE0, v39  }
0x99: {  	v3 =	vor.u32 v3, v4  }
0x9a: {  	v4 =	vperm.xlane v3, v0;
	_ =	sdelay $0x1  }
0x9b: {  	v4 =	vadd.s32 v1, v4;
	_ =	sdelay $0x1  }
0x9c: {  	v3 =	vperm.xlane v3, v2;
	_ =	sdelay $0x1  }
0x9d: {  	v3 =	vadd.s32 v1, v3  }
0x9e: {  	[tilespmem:s28], [sflag:$0x1] =	stream.indirect_vreg.gather [hbm4b:s3+s1], $0x80, v4, vm0, $0xb8;
	[tilespmem:$0x8080] =	vst v63  }
0x9f: {  	_ = 	snop  }
0xa0: {  	[tilespmem:s29], [sflag:$0x1] =	stream.indirect_vreg.gather [hbm4b:s4+s1], $0x80, v4, vm0, $0xb8;
	[tilespmem:$0x8080] =	vst v63  }
0xa1: {  	_ = 	snop  }
0xa2: {  	[tilespmem:s30], [sflag:$0x1] =	stream.indirect_vreg.gather [hbm4b:s3+s1], $0x80, v3, vm0, $0xb8;
	[tilespmem:$0x8080] =	vst v63  }
0xa3: {  	_ = 	snop  }
0xa4: {  	[tilespmem:s31], [sflag:$0x1] =	stream.indirect_vreg.gather [hbm4b:s4+s1], $0x80, v3, vm0, $0xb8;
	[tilespmem:$0x8080] =	vst v63  }
0xa5: {  	_ =	swait.ge [sflag:s0], $0x8000  }
0xa6: {  	[sflag:s0] =	ssyncset.done $0x0  }
0xa7: {  	s2 =	rddreg [dreg:$0x5];
	[sflag:s0] =	ssyncadd.s32 $0xFFFF8000  }
0xa8: {  	[hbm4b:s2+s1] =	stream.linear.scatter [tilespmem:s15], [sflag:$0x2], $0x8000, $0x38;
	[tilespmem:$0x8080] =	vst v63  }
0xa9: {  	_ =	swait.ge [sflag:s14], $0x8000  }
0xaa: {  	[sflag:s14] =	ssyncset.done $0x0  }
0xab: {  	s2 =	rddreg [dreg:$0x6];
	[sflag:s14] =	ssyncadd.s32 $0xFFFF8000  }
0xac: {  	[tilespmem:s1], [sflag:$0x2] =	stream.linear.gather [hbm4b:s2+s1], $0x40, $0x38;
	[tilespmem:$0x8080] =	vst v63  }
0xad: {  	_ =	swait.ge [sflag:s14], $0x40  }
0xae: {  	[sflag:s14] =	ssyncset.done $0x0  }
0xaf: {  	[sflag:s14] =	ssyncadd.s32 $0xFFFFFFC0  }
0xb0: {  	v3 =	vld [tilespmem:$0x0];
	_ =	sdelay $0x4  }
0xb1: {  	v40 =	vshll.u32 v3, $0x2  }
0xb2: {  	v3 =	vand.u32 $0x7, v3;
	v4 =	vand.u32 $0xFFFFFFE0, v40  }
0xb3: {  	v3 =	vor.u32 v3, v4  }
0xb4: {  	v4 =	vperm.xlane v3, v0;
	_ =	sdelay $0x1  }
0xb5: {  	v4 =	vadd.s32 v1, v4;
	_ =	sdelay $0x1  }
0xb6: {  	v3 =	vperm.xlane v3, v2;
	_ =	sdelay $0x1  }
0xb7: {  	v3 =	vadd.s32 v1, v3  }
0xb8: {  	[tilespmem:s15], [sflag:$0x1] =	stream.indirect_vreg.gather [hbm4b:s3+s1], $0x80, v4, vm0, $0xb8;
	[tilespmem:$0x8080] =	vst v63  }
0xb9: {  	_ = 	snop  }
0xba: {  	[tilespmem:s16], [sflag:$0x1] =	stream.indirect_vreg.gather [hbm4b:s4+s1], $0x80, v4, vm0, $0xb8;
	[tilespmem:$0x8080] =	vst v63  }
0xbb: {  	_ = 	snop  }
0xbc: {  	[tilespmem:s17], [sflag:$0x1] =	stream.indirect_vreg.gather [hbm4b:s3+s1], $0x80, v3, vm0, $0xb8;
	[tilespmem:$0x8080] =	vst v63  }
0xbd: {  	_ = 	snop  }
0xbe: {  	[tilespmem:s18], [sflag:$0x1] =	stream.indirect_vreg.gather [hbm4b:s4+s1], $0x80, v3, vm0, $0xb8;
	[tilespmem:$0x8080] =	vst v63  }
0xbf: {  	v3 =	vld [tilespmem:$0x10];
	_ =	sdelay $0x4  }
0xc0: {  	v41 =	vshll.u32 v3, $0x2  }
0xc1: {  	v3 =	vand.u32 $0x7, v3;
	v4 =	vand.u32 $0xFFFFFFE0, v41  }
0xc2: {  	v3 =	vor.u32 v3, v4  }
0xc3: {  	v4 =	vperm.xlane v3, v0;
	_ =	sdelay $0x1  }
0xc4: {  	v4 =	vadd.s32 v1, v4;
	_ =	sdelay $0x1  }
0xc5: {  	v3 =	vperm.xlane v3, v2;
	_ =	sdelay $0x1  }
0xc6: {  	v3 =	vadd.s32 v1, v3  }
0xc7: {  	[tilespmem:s19], [sflag:$0x1] =	stream.indirect_vreg.gather [hbm4b:s3+s1], $0x80, v4, vm0, $0xb8;
	[tilespmem:$0x8080] =	vst v63  }
0xc8: {  	_ = 	snop  }
0xc9: {  	[tilespmem:s20], [sflag:$0x1] =	stream.indirect_vreg.gather [hbm4b:s4+s1], $0x80, v4, vm0, $0xb8;
	[tilespmem:$0x8080] =	vst v63  }
0xca: {  	_ = 	snop  }
0xcb: {  	[tilespmem:s21], [sflag:$0x1] =	stream.indirect_vreg.gather [hbm4b:s3+s1], $0x80, v3, vm0, $0xb8;
	[tilespmem:$0x8080] =	vst v63  }
0xcc: {  	_ = 	snop  }
0xcd: {  	[tilespmem:s22], [sflag:$0x1] =	stream.indirect_vreg.gather [hbm4b:s4+s1], $0x80, v3, vm0, $0xb8;
	[tilespmem:$0x8080] =	vst v63  }
0xce: {  	v3 =	vld [tilespmem:$0x20];
	_ =	sdelay $0x4  }
0xcf: {  	v42 =	vshll.u32 v3, $0x2  }
0xd0: {  	v3 =	vand.u32 $0x7, v3;
	v4 =	vand.u32 $0xFFFFFFE0, v42  }
0xd1: {  	v3 =	vor.u32 v3, v4  }
0xd2: {  	v4 =	vperm.xlane v3, v0;
	_ =	sdelay $0x1  }
0xd3: {  	v4 =	vadd.s32 v1, v4;
	_ =	sdelay $0x1  }
0xd4: {  	v3 =	vperm.xlane v3, v2;
	_ =	sdelay $0x1  }
0xd5: {  	v3 =	vadd.s32 v1, v3  }
0xd6: {  	[tilespmem:s23], [sflag:$0x1] =	stream.indirect_vreg.gather [hbm4b:s3+s1], $0x80, v4, vm0, $0xb8;
	[tilespmem:$0x8080] =	vst v63  }
0xd7: {  	_ = 	snop  }
0xd8: {  	[tilespmem:s24], [sflag:$0x1] =	stream.indirect_vreg.gather [hbm4b:s4+s1], $0x80, v4, vm0, $0xb8;
	[tilespmem:$0x8080] =	vst v63  }
0xd9: {  	_ = 	snop  }
0xda: {  	[tilespmem:s25], [sflag:$0x1] =	stream.indirect_vreg.gather [hbm4b:s3+s1], $0x80, v3, vm0, $0xb8;
	[tilespmem:$0x8080] =	vst v63  }
0xdb: {  	_ = 	snop  }
0xdc: {  	[tilespmem:s26], [sflag:$0x1] =	stream.indirect_vreg.gather [hbm4b:s4+s1], $0x80, v3, vm0, $0xb8;
	[tilespmem:$0x8080] =	vst v63  }
0xdd: {  	v3 =	vld [tilespmem:$0x30];
	_ =	sdelay $0x4  }
0xde: {  	v43 =	vshll.u32 v3, $0x2  }
0xdf: {  	v3 =	vand.u32 $0x7, v3;
	v4 =	vand.u32 $0xFFFFFFE0, v43  }
0xe0: {  	v3 =	vor.u32 v3, v4  }
0xe1: {  	v4 =	vperm.xlane v3, v0;
	_ =	sdelay $0x1  }
0xe2: {  	v4 =	vadd.s32 v1, v4;
	_ =	sdelay $0x1  }
0xe3: {  	v3 =	vperm.xlane v3, v2;
	_ =	sdelay $0x1  }
0xe4: {  	v3 =	vadd.s32 v1, v3  }
0xe5: {  	[tilespmem:s28], [sflag:$0x1] =	stream.indirect_vreg.gather [hbm4b:s3+s1], $0x80, v4, vm0, $0xb8;
	[tilespmem:$0x8080] =	vst v63  }
0xe6: {  	_ = 	snop  }
0xe7: {  	[tilespmem:s29], [sflag:$0x1] =	stream.indirect_vreg.gather [hbm4b:s4+s1], $0x80, v4, vm0, $0xb8;
	[tilespmem:$0x8080] =	vst v63  }
0xe8: {  	_ = 	snop  }
0xe9: {  	[tilespmem:s30], [sflag:$0x1] =	stream.indirect_vreg.gather [hbm4b:s3+s1], $0x80, v3, vm0, $0xb8;
	[tilespmem:$0x8080] =	vst v63  }
0xea: {  	_ = 	snop  }
0xeb: {  	[tilespmem:s31], [sflag:$0x1] =	stream.indirect_vreg.gather [hbm4b:s4+s1], $0x80, v3, vm0, $0xb8;
	[tilespmem:$0x8080] =	vst v63  }
0xec: {  	_ =	swait.ge [sflag:s0], $0x8000  }
0xed: {  	[sflag:s0] =	ssyncset.done $0x0  }
0xee: {  	s2 =	rddreg [dreg:$0x7];
	[sflag:s0] =	ssyncadd.s32 $0xFFFF8000  }
0xef: {  	[hbm4b:s2+s1] =	stream.linear.scatter [tilespmem:s15], [sflag:$0x2], $0x8000, $0x38;
	[tilespmem:$0x8080] =	vst v63  }
0xf0: {  	_ =	swait.ge [sflag:s14], $0x8000  }
0xf1: {  	[sflag:s14] =	ssyncset.done $0x0  }
0xf2: {  	s2 =	rddreg [dreg:$0x8];
	[sflag:s14] =	ssyncadd.s32 $0xFFFF8000  }
0xf3: {  	[tilespmem:s1], [sflag:$0x2] =	stream.linear.gather [hbm4b:s2+s1], $0x40, $0x38;
	[tilespmem:$0x8080] =	vst v63  }
0xf4: {  	_ =	swait.ge [sflag:s14], $0x40  }
0xf5: {  	[sflag:s14] =	ssyncset.done $0x0  }
0xf6: {  	[sflag:s14] =	ssyncadd.s32 $0xFFFFFFC0  }
0xf7: {  	v3 =	vld [tilespmem:$0x0];
	_ =	sdelay $0x4  }
0xf8: {  	v44 =	vshll.u32 v3, $0x2  }
0xf9: {  	v3 =	vand.u32 $0x7, v3;
	v4 =	vand.u32 $0xFFFFFFE0, v44  }
0xfa: {  	v3 =	vor.u32 v3, v4  }
0xfb: {  	v4 =	vperm.xlane v3, v0;
	_ =	sdelay $0x1  }
0xfc: {  	v4 =	vadd.s32 v1, v4;
	_ =	sdelay $0x1  }
0xfd: {  	v3 =	vperm.xlane v3, v2;
	_ =	sdelay $0x1  }
0xfe: {  	v3 =	vadd.s32 v1, v3  }
0xff: {  	[tilespmem:s15], [sflag:$0x1] =	stream.indirect_vreg.gather [hbm4b:s3+s1], $0x80, v4, vm0, $0xb8;
	[tilespmem:$0x8080] =	vst v63  }
0x100: {  	_ = 	snop  }
0x101: {  	[tilespmem:s16], [sflag:$0x1] =	stream.indirect_vreg.gather [hbm4b:s4+s1], $0x80, v4, vm0, $0xb8;
	[tilespmem:$0x8080] =	vst v63  }
0x102: {  	_ = 	snop  }
0x103: {  	[tilespmem:s17], [sflag:$0x1] =	stream.indirect_vreg.gather [hbm4b:s3+s1], $0x80, v3, vm0, $0xb8;
	[tilespmem:$0x8080] =	vst v63  }
0x104: {  	_ = 	snop  }
0x105: {  	[tilespmem:s18], [sflag:$0x1] =	stream.indirect_vreg.gather [hbm4b:s4+s1], $0x80, v3, vm0, $0xb8;
	[tilespmem:$0x8080] =	vst v63  }
0x106: {  	v3 =	vld [tilespmem:$0x10];
	_ =	sdelay $0x4  }
0x107: {  	v45 =	vshll.u32 v3, $0x2  }
0x108: {  	v3 =	vand.u32 $0x7, v3;
	v4 =	vand.u32 $0xFFFFFFE0, v45  }
0x109: {  	v3 =	vor.u32 v3, v4  }
0x10a: {  	v4 =	vperm.xlane v3, v0;
	_ =	sdelay $0x1  }
0x10b: {  	v4 =	vadd.s32 v1, v4;
	_ =	sdelay $0x1  }
0x10c: {  	v3 =	vperm.xlane v3, v2;
	_ =	sdelay $0x1  }
0x10d: {  	v3 =	vadd.s32 v1, v3  }
0x10e: {  	[tilespmem:s19], [sflag:$0x1] =	stream.indirect_vreg.gather [hbm4b:s3+s1], $0x80, v4, vm0, $0xb8;
	[tilespmem:$0x8080] =	vst v63  }
0x10f: {  	_ = 	snop  }
0x110: {  	[tilespmem:s20], [sflag:$0x1] =	stream.indirect_vreg.gather [hbm4b:s4+s1], $0x80, v4, vm0, $0xb8;
	[tilespmem:$0x8080] =	vst v63  }
0x111: {  	_ = 	snop  }
0x112: {  	[tilespmem:s21], [sflag:$0x1] =	stream.indirect_vreg.gather [hbm4b:s3+s1], $0x80, v3, vm0, $0xb8;
	[tilespmem:$0x8080] =	vst v63  }
0x113: {  	_ = 	snop  }
0x114: {  	[tilespmem:s22], [sflag:$0x1] =	stream.indirect_vreg.gather [hbm4b:s4+s1], $0x80, v3, vm0, $0xb8;
	[tilespmem:$0x8080] =	vst v63  }
0x115: {  	v3 =	vld [tilespmem:$0x20];
	_ =	sdelay $0x4  }
0x116: {  	v46 =	vshll.u32 v3, $0x2  }
0x117: {  	v3 =	vand.u32 $0x7, v3;
	v4 =	vand.u32 $0xFFFFFFE0, v46  }
0x118: {  	v3 =	vor.u32 v3, v4  }
0x119: {  	v4 =	vperm.xlane v3, v0;
	_ =	sdelay $0x1  }
0x11a: {  	v4 =	vadd.s32 v1, v4;
	_ =	sdelay $0x1  }
0x11b: {  	v3 =	vperm.xlane v3, v2;
	_ =	sdelay $0x1  }
0x11c: {  	v3 =	vadd.s32 v1, v3  }
0x11d: {  	[tilespmem:s23], [sflag:$0x1] =	stream.indirect_vreg.gather [hbm4b:s3+s1], $0x80, v4, vm0, $0xb8;
	[tilespmem:$0x8080] =	vst v63  }
0x11e: {  	_ = 	snop  }
0x11f: {  	[tilespmem:s24], [sflag:$0x1] =	stream.indirect_vreg.gather [hbm4b:s4+s1], $0x80, v4, vm0, $0xb8;
	[tilespmem:$0x8080] =	vst v63  }
0x120: {  	_ = 	snop  }
0x121: {  	[tilespmem:s25], [sflag:$0x1] =	stream.indirect_vreg.gather [hbm4b:s3+s1], $0x80, v3, vm0, $0xb8;
	[tilespmem:$0x8080] =	vst v63  }
0x122: {  	_ = 	snop  }
0x123: {  	[tilespmem:s26], [sflag:$0x1] =	stream.indirect_vreg.gather [hbm4b:s4+s1], $0x80, v3, vm0, $0xb8;
	[tilespmem:$0x8080] =	vst v63  }
0x124: {  	v3 =	vld [tilespmem:$0x30];
	_ =	sdelay $0x4  }
0x125: {  	v47 =	vshll.u32 v3, $0x2  }
0x126: {  	v3 =	vand.u32 $0x7, v3;
	v4 =	vand.u32 $0xFFFFFFE0, v47  }
0x127: {  	v3 =	vor.u32 v3, v4  }
0x128: {  	v4 =	vperm.xlane v3, v0;
	_ =	sdelay $0x1  }
0x129: {  	v4 =	vadd.s32 v1, v4;
	_ =	sdelay $0x1  }
0x12a: {  	v3 =	vperm.xlane v3, v2;
	_ =	sdelay $0x1  }
0x12b: {  	v3 =	vadd.s32 v1, v3  }
0x12c: {  	[tilespmem:s28], [sflag:$0x1] =	stream.indirect_vreg.gather [hbm4b:s3+s1], $0x80, v4, vm0, $0xb8;
	[tilespmem:$0x8080] =	vst v63  }
0x12d: {  	_ = 	snop  }
0x12e: {  	[tilespmem:s29], [sflag:$0x1] =	stream.indirect_vreg.gather [hbm4b:s4+s1], $0x80, v4, vm0, $0xb8;
	[tilespmem:$0x8080] =	vst v63  }
0x12f: {  	_ = 	snop  }
0x130: {  	[tilespmem:s30], [sflag:$0x1] =	stream.indirect_vreg.gather [hbm4b:s3+s1], $0x80, v3, vm0, $0xb8;
	[tilespmem:$0x8080] =	vst v63  }
0x131: {  	_ = 	snop  }
0x132: {  	[tilespmem:s31], [sflag:$0x1] =	stream.indirect_vreg.gather [hbm4b:s4+s1], $0x80, v3, vm0, $0xb8;
	[tilespmem:$0x8080] =	vst v63  }
0x133: {  	_ =	swait.ge [sflag:s0], $0x8000  }
0x134: {  	[sflag:s0] =	ssyncset.done $0x0  }
0x135: {  	s2 =	rddreg [dreg:$0x9];
	[sflag:s0] =	ssyncadd.s32 $0xFFFF8000  }
0x136: {  	[hbm4b:s2+s1] =	stream.linear.scatter [tilespmem:s15], [sflag:$0x2], $0x8000, $0x38;
	[tilespmem:$0x8080] =	vst v63  }
0x137: {  	_ =	swait.ge [sflag:s14], $0x8000  }
0x138: {  	[sflag:s14] =	ssyncset.done $0x0  }
0x139: {  	[sflag:s14] =	ssyncadd.s32 $0xFFFF8000  }
0x13a: {  	[tilespmem:s1], [sflag:$0x2] =	stream.linear.gather [hbm4b:s5+s1], $0x40, $0x38;
	[tilespmem:$0x8080] =	vst v63  }
0x13b: {  	_ =	swait.ge [sflag:s14], $0x40  }
0x13c: {  	[sflag:s14] =	ssyncset.done $0x0  }
0x13d: {  	[sflag:s14] =	ssyncadd.s32 $0xFFFFFFC0  }
0x13e: {  	v3 =	vld [tilespmem:$0x0];
	_ =	sdelay $0x4  }
0x13f: {  	v48 =	vshll.u32 v3, $0x2  }
0x140: {  	v3 =	vand.u32 $0x7, v3;
	v4 =	vand.u32 $0xFFFFFFE0, v48  }
0x141: {  	v3 =	vor.u32 v3, v4  }
0x142: {  	v4 =	vperm.xlane v3, v0;
	_ =	sdelay $0x1  }
0x143: {  	v4 =	vadd.s32 v1, v4;
	_ =	sdelay $0x1  }
0x144: {  	v3 =	vperm.xlane v3, v2;
	_ =	sdelay $0x1  }
0x145: {  	v3 =	vadd.s32 v1, v3  }
0x146: {  	[tilespmem:s15], [sflag:$0x1] =	stream.indirect_vreg.gather [hbm4b:s3+s1], $0x80, v4, vm0, $0xb8;
	[tilespmem:$0x8080] =	vst v63  }
0x147: {  	_ = 	snop  }
0x148: {  	[tilespmem:s16], [sflag:$0x1] =	stream.indirect_vreg.gather [hbm4b:s4+s1], $0x80, v4, vm0, $0xb8;
	[tilespmem:$0x8080] =	vst v63  }
0x149: {  	_ = 	snop  }
0x14a: {  	[tilespmem:s17], [sflag:$0x1] =	stream.indirect_vreg.gather [hbm4b:s3+s1], $0x80, v3, vm0, $0xb8;
	[tilespmem:$0x8080] =	vst v63  }
0x14b: {  	_ = 	snop  }
0x14c: {  	[tilespmem:s18], [sflag:$0x1] =	stream.indirect_vreg.gather [hbm4b:s4+s1], $0x80, v3, vm0, $0xb8;
	[tilespmem:$0x8080] =	vst v63  }
0x14d: {  	v3 =	vld [tilespmem:$0x10];
	_ =	sdelay $0x4  }
0x14e: {  	v49 =	vshll.u32 v3, $0x2  }
0x14f: {  	v3 =	vand.u32 $0x7, v3;
	v4 =	vand.u32 $0xFFFFFFE0, v49  }
0x150: {  	v3 =	vor.u32 v3, v4  }
0x151: {  	v4 =	vperm.xlane v3, v0;
	_ =	sdelay $0x1  }
0x152: {  	v4 =	vadd.s32 v1, v4;
	_ =	sdelay $0x1  }
0x153: {  	v3 =	vperm.xlane v3, v2;
	_ =	sdelay $0x1  }
0x154: {  	v3 =	vadd.s32 v1, v3  }
0x155: {  	[tilespmem:s19], [sflag:$0x1] =	stream.indirect_vreg.gather [hbm4b:s3+s1], $0x80, v4, vm0, $0xb8;
	[tilespmem:$0x8080] =	vst v63  }
0x156: {  	_ = 	snop  }
0x157: {  	[tilespmem:s20], [sflag:$0x1] =	stream.indirect_vreg.gather [hbm4b:s4+s1], $0x80, v4, vm0, $0xb8;
	[tilespmem:$0x8080] =	vst v63  }
0x158: {  	_ = 	snop  }
0x159: {  	[tilespmem:s21], [sflag:$0x1] =	stream.indirect_vreg.gather [hbm4b:s3+s1], $0x80, v3, vm0, $0xb8;
	[tilespmem:$0x8080] =	vst v63  }
0x15a: {  	_ = 	snop  }
0x15b: {  	[tilespmem:s22], [sflag:$0x1] =	stream.indirect_vreg.gather [hbm4b:s4+s1], $0x80, v3, vm0, $0xb8;
	[tilespmem:$0x8080] =	vst v63  }
0x15c: {  	v3 =	vld [tilespmem:$0x20];
	_ =	sdelay $0x4  }
0x15d: {  	v50 =	vshll.u32 v3, $0x2  }
0x15e: {  	v3 =	vand.u32 $0x7, v3;
	v4 =	vand.u32 $0xFFFFFFE0, v50  }
0x15f: {  	v3 =	vor.u32 v3, v4  }
0x160: {  	v4 =	vperm.xlane v3, v0;
	_ =	sdelay $0x1  }
0x161: {  	v4 =	vadd.s32 v1, v4;
	_ =	sdelay $0x1  }
0x162: {  	v3 =	vperm.xlane v3, v2;
	_ =	sdelay $0x1  }
0x163: {  	v3 =	vadd.s32 v1, v3  }
0x164: {  	[tilespmem:s23], [sflag:$0x1] =	stream.indirect_vreg.gather [hbm4b:s3+s1], $0x80, v4, vm0, $0xb8;
	[tilespmem:$0x8080] =	vst v63  }
0x165: {  	_ = 	snop  }
0x166: {  	[tilespmem:s24], [sflag:$0x1] =	stream.indirect_vreg.gather [hbm4b:s4+s1], $0x80, v4, vm0, $0xb8;
	[tilespmem:$0x8080] =	vst v63  }
0x167: {  	_ = 	snop  }
0x168: {  	[tilespmem:s25], [sflag:$0x1] =	stream.indirect_vreg.gather [hbm4b:s3+s1], $0x80, v3, vm0, $0xb8;
	[tilespmem:$0x8080] =	vst v63  }
0x169: {  	_ = 	snop  }
0x16a: {  	[tilespmem:s26], [sflag:$0x1] =	stream.indirect_vreg.gather [hbm4b:s4+s1], $0x80, v3, vm0, $0xb8;
	[tilespmem:$0x8080] =	vst v63  }
0x16b: {  	v3 =	vld [tilespmem:$0x30];
	_ =	sdelay $0x4  }
0x16c: {  	v51 =	vshll.u32 v3, $0x2  }
0x16d: {  	v3 =	vand.u32 $0x7, v3;
	v4 =	vand.u32 $0xFFFFFFE0, v51  }
0x16e: {  	v3 =	vor.u32 v3, v4  }
0x16f: {  	v4 =	vperm.xlane v3, v0;
	_ =	sdelay $0x1  }
0x170: {  	v4 =	vadd.s32 v1, v4;
	_ =	sdelay $0x1  }
0x171: {  	v3 =	vperm.xlane v3, v2;
	_ =	sdelay $0x1  }
0x172: {  	v3 =	vadd.s32 v1, v3  }
0x173: {  	[tilespmem:s28], [sflag:$0x1] =	stream.indirect_vreg.gather [hbm4b:s3+s1], $0x80, v4, vm0, $0xb8;
	[tilespmem:$0x8080] =	vst v63  }
0x174: {  	_ = 	snop  }
0x175: {  	[tilespmem:s29], [sflag:$0x1] =	stream.indirect_vreg.gather [hbm4b:s4+s1], $0x80, v4, vm0, $0xb8;
	[tilespmem:$0x8080] =	vst v63  }
0x176: {  	_ = 	snop  }
0x177: {  	[tilespmem:s30], [sflag:$0x1] =	stream.indirect_vreg.gather [hbm4b:s3+s1], $0x80, v3, vm0, $0xb8;
	[tilespmem:$0x8080] =	vst v63  }
0x178: {  	_ = 	snop  }
0x179: {  	[tilespmem:s31], [sflag:$0x1] =	stream.indirect_vreg.gather [hbm4b:s4+s1], $0x80, v3, vm0, $0xb8;
	[tilespmem:$0x8080] =	vst v63  }
0x17a: {  	_ =	swait.ge [sflag:s0], $0x8000  }
0x17b: {  	[sflag:s0] =	ssyncset.done $0x0  }
0x17c: {  	[sflag:s0] =	ssyncadd.s32 $0xFFFF8000  }
0x17d: {  	[hbm4b:s6+s1] =	stream.linear.scatter [tilespmem:s15], [sflag:$0x2], $0x8000, $0x38;
	[tilespmem:$0x8080] =	vst v63  }
0x17e: {  	_ =	swait.ge [sflag:s14], $0x8000  }
0x17f: {  	[sflag:s14] =	ssyncset.done $0x0  }
0x180: {  	[sflag:s14] =	ssyncadd.s32 $0xFFFF8000  }
0x181: {  	[tilespmem:s1], [sflag:$0x2] =	stream.linear.gather [hbm4b:s7+s1], $0x40, $0x38;
	[tilespmem:$0x8080] =	vst v63  }
0x182: {  	_ =	swait.ge [sflag:s14], $0x40  }
0x183: {  	[sflag:s14] =	ssyncset.done $0x0  }
0x184: {  	[sflag:s14] =	ssyncadd.s32 $0xFFFFFFC0  }
0x185: {  	v3 =	vld [tilespmem:$0x0];
	_ =	sdelay $0x4  }
0x186: {  	v52 =	vshll.u32 v3, $0x2  }
0x187: {  	v3 =	vand.u32 $0x7, v3;
	v4 =	vand.u32 $0xFFFFFFE0, v52  }
0x188: {  	v3 =	vor.u32 v3, v4  }
0x189: {  	v4 =	vperm.xlane v3, v0;
	_ =	sdelay $0x1  }
0x18a: {  	v4 =	vadd.s32 v1, v4;
	_ =	sdelay $0x1  }
0x18b: {  	v3 =	vperm.xlane v3, v2;
	_ =	sdelay $0x1  }
0x18c: {  	v3 =	vadd.s32 v1, v3  }
0x18d: {  	[tilespmem:s15], [sflag:$0x1] =	stream.indirect_vreg.gather [hbm4b:s3+s1], $0x80, v4, vm0, $0xb8;
	[tilespmem:$0x8080] =	vst v63  }
0x18e: {  	_ = 	snop  }
0x18f: {  	[tilespmem:s16], [sflag:$0x1] =	stream.indirect_vreg.gather [hbm4b:s4+s1], $0x80, v4, vm0, $0xb8;
	[tilespmem:$0x8080] =	vst v63  }
0x190: {  	_ = 	snop  }
0x191: {  	[tilespmem:s17], [sflag:$0x1] =	stream.indirect_vreg.gather [hbm4b:s3+s1], $0x80, v3, vm0, $0xb8;
	[tilespmem:$0x8080] =	vst v63  }
0x192: {  	_ = 	snop  }
0x193: {  	[tilespmem:s18], [sflag:$0x1] =	stream.indirect_vreg.gather [hbm4b:s4+s1], $0x80, v3, vm0, $0xb8;
	[tilespmem:$0x8080] =	vst v63  }
0x194: {  	v3 =	vld [tilespmem:$0x10];
	_ =	sdelay $0x4  }
0x195: {  	v53 =	vshll.u32 v3, $0x2  }
0x196: {  	v3 =	vand.u32 $0x7, v3;
	v4 =	vand.u32 $0xFFFFFFE0, v53  }
0x197: {  	v3 =	vor.u32 v3, v4  }
0x198: {  	v4 =	vperm.xlane v3, v0;
	_ =	sdelay $0x1  }
0x199: {  	v4 =	vadd.s32 v1, v4;
	_ =	sdelay $0x1  }
0x19a: {  	v3 =	vperm.xlane v3, v2;
	_ =	sdelay $0x1  }
0x19b: {  	v3 =	vadd.s32 v1, v3  }
0x19c: {  	[tilespmem:s19], [sflag:$0x1] =	stream.indirect_vreg.gather [hbm4b:s3+s1], $0x80, v4, vm0, $0xb8;
	[tilespmem:$0x8080] =	vst v63  }
0x19d: {  	_ = 	snop  }
0x19e: {  	[tilespmem:s20], [sflag:$0x1] =	stream.indirect_vreg.gather [hbm4b:s4+s1], $0x80, v4, vm0, $0xb8;
	[tilespmem:$0x8080] =	vst v63  }
0x19f: {  	_ = 	snop  }
0x1a0: {  	[tilespmem:s21], [sflag:$0x1] =	stream.indirect_vreg.gather [hbm4b:s3+s1], $0x80, v3, vm0, $0xb8;
	[tilespmem:$0x8080] =	vst v63  }
0x1a1: {  	_ = 	snop  }
0x1a2: {  	[tilespmem:s22], [sflag:$0x1] =	stream.indirect_vreg.gather [hbm4b:s4+s1], $0x80, v3, vm0, $0xb8;
	[tilespmem:$0x8080] =	vst v63  }
0x1a3: {  	v3 =	vld [tilespmem:$0x20];
	_ =	sdelay $0x4  }
0x1a4: {  	v54 =	vshll.u32 v3, $0x2  }
0x1a5: {  	v3 =	vand.u32 $0x7, v3;
	v4 =	vand.u32 $0xFFFFFFE0, v54  }
0x1a6: {  	v3 =	vor.u32 v3, v4  }
0x1a7: {  	v4 =	vperm.xlane v3, v0;
	_ =	sdelay $0x1  }
0x1a8: {  	v4 =	vadd.s32 v1, v4;
	_ =	sdelay $0x1  }
0x1a9: {  	v3 =	vperm.xlane v3, v2;
	_ =	sdelay $0x1  }
0x1aa: {  	v3 =	vadd.s32 v1, v3  }
0x1ab: {  	[tilespmem:s23], [sflag:$0x1] =	stream.indirect_vreg.gather [hbm4b:s3+s1], $0x80, v4, vm0, $0xb8;
	[tilespmem:$0x8080] =	vst v63  }
0x1ac: {  	_ = 	snop  }
0x1ad: {  	[tilespmem:s24], [sflag:$0x1] =	stream.indirect_vreg.gather [hbm4b:s4+s1], $0x80, v4, vm0, $0xb8;
	[tilespmem:$0x8080] =	vst v63  }
0x1ae: {  	_ = 	snop  }
0x1af: {  	[tilespmem:s25], [sflag:$0x1] =	stream.indirect_vreg.gather [hbm4b:s3+s1], $0x80, v3, vm0, $0xb8;
	[tilespmem:$0x8080] =	vst v63  }
0x1b0: {  	_ = 	snop  }
0x1b1: {  	[tilespmem:s26], [sflag:$0x1] =	stream.indirect_vreg.gather [hbm4b:s4+s1], $0x80, v3, vm0, $0xb8;
	[tilespmem:$0x8080] =	vst v63  }
0x1b2: {  	v3 =	vld [tilespmem:$0x30];
	_ =	sdelay $0x4  }
0x1b3: {  	v55 =	vshll.u32 v3, $0x2  }
0x1b4: {  	v3 =	vand.u32 $0x7, v3;
	v4 =	vand.u32 $0xFFFFFFE0, v55  }
0x1b5: {  	v3 =	vor.u32 v3, v4  }
0x1b6: {  	v4 =	vperm.xlane v3, v0;
	_ =	sdelay $0x1  }
0x1b7: {  	v4 =	vadd.s32 v1, v4;
	_ =	sdelay $0x1  }
0x1b8: {  	v3 =	vperm.xlane v3, v2;
	_ =	sdelay $0x1  }
0x1b9: {  	v3 =	vadd.s32 v1, v3  }
0x1ba: {  	[tilespmem:s28], [sflag:$0x1] =	stream.indirect_vreg.gather [hbm4b:s3+s1], $0x80, v4, vm0, $0xb8;
	[tilespmem:$0x8080] =	vst v63  }
0x1bb: {  	_ = 	snop  }
0x1bc: {  	[tilespmem:s29], [sflag:$0x1] =	stream.indirect_vreg.gather [hbm4b:s4+s1], $0x80, v4, vm0, $0xb8;
	[tilespmem:$0x8080] =	vst v63  }
0x1bd: {  	_ = 	snop  }
0x1be: {  	[tilespmem:s30], [sflag:$0x1] =	stream.indirect_vreg.gather [hbm4b:s3+s1], $0x80, v3, vm0, $0xb8;
	[tilespmem:$0x8080] =	vst v63  }
0x1bf: {  	_ = 	snop  }
0x1c0: {  	[tilespmem:s31], [sflag:$0x1] =	stream.indirect_vreg.gather [hbm4b:s4+s1], $0x80, v3, vm0, $0xb8;
	[tilespmem:$0x8080] =	vst v63  }
0x1c1: {  	_ =	swait.ge [sflag:s0], $0x8000  }
0x1c2: {  	[sflag:s0] =	ssyncset.done $0x0  }
0x1c3: {  	[sflag:s0] =	ssyncadd.s32 $0xFFFF8000  }
0x1c4: {  	[hbm4b:s8+s1] =	stream.linear.scatter [tilespmem:s15], [sflag:$0x2], $0x8000, $0x38;
	[tilespmem:$0x8080] =	vst v63  }
0x1c5: {  	_ =	swait.ge [sflag:s14], $0x8000  }
0x1c6: {  	[sflag:s14] =	ssyncset.done $0x0  }
0x1c7: {  	[sflag:s14] =	ssyncadd.s32 $0xFFFF8000  }
0x1c8: {  	[tilespmem:s1], [sflag:$0x2] =	stream.linear.gather [hbm4b:s9+s1], $0x40, $0x38;
	[tilespmem:$0x8080] =	vst v63  }
0x1c9: {  	_ =	swait.ge [sflag:s14], $0x40  }
0x1ca: {  	[sflag:s14] =	ssyncset.done $0x0  }
0x1cb: {  	[sflag:s14] =	ssyncadd.s32 $0xFFFFFFC0  }
0x1cc: {  	v3 =	vld [tilespmem:$0x0];
	_ =	sdelay $0x4  }
0x1cd: {  	v56 =	vshll.u32 v3, $0x2  }
0x1ce: {  	v3 =	vand.u32 $0x7, v3;
	v4 =	vand.u32 $0xFFFFFFE0, v56  }
0x1cf: {  	v3 =	vor.u32 v3, v4  }
0x1d0: {  	v4 =	vperm.xlane v3, v0;
	_ =	sdelay $0x1  }
0x1d1: {  	v4 =	vadd.s32 v1, v4;
	_ =	sdelay $0x1  }
0x1d2: {  	v3 =	vperm.xlane v3, v2;
	_ =	sdelay $0x1  }
0x1d3: {  	v3 =	vadd.s32 v1, v3  }
0x1d4: {  	[tilespmem:s15], [sflag:$0x1] =	stream.indirect_vreg.gather [hbm4b:s3+s1], $0x80, v4, vm0, $0xb8;
	[tilespmem:$0x8080] =	vst v63  }
0x1d5: {  	_ = 	snop  }
0x1d6: {  	[tilespmem:s16], [sflag:$0x1] =	stream.indirect_vreg.gather [hbm4b:s4+s1], $0x80, v4, vm0, $0xb8;
	[tilespmem:$0x8080] =	vst v63  }
0x1d7: {  	_ = 	snop  }
0x1d8: {  	[tilespmem:s17], [sflag:$0x1] =	stream.indirect_vreg.gather [hbm4b:s3+s1], $0x80, v3, vm0, $0xb8;
	[tilespmem:$0x8080] =	vst v63  }
0x1d9: {  	_ = 	snop  }
0x1da: {  	[tilespmem:s18], [sflag:$0x1] =	stream.indirect_vreg.gather [hbm4b:s4+s1], $0x80, v3, vm0, $0xb8;
	[tilespmem:$0x8080] =	vst v63  }
0x1db: {  	v3 =	vld [tilespmem:$0x10];
	_ =	sdelay $0x4  }
0x1dc: {  	v57 =	vshll.u32 v3, $0x2  }
0x1dd: {  	v3 =	vand.u32 $0x7, v3;
	v4 =	vand.u32 $0xFFFFFFE0, v57  }
0x1de: {  	v3 =	vor.u32 v3, v4  }
0x1df: {  	v4 =	vperm.xlane v3, v0;
	_ =	sdelay $0x1  }
0x1e0: {  	v4 =	vadd.s32 v1, v4;
	_ =	sdelay $0x1  }
0x1e1: {  	v3 =	vperm.xlane v3, v2;
	_ =	sdelay $0x1  }
0x1e2: {  	v3 =	vadd.s32 v1, v3  }
0x1e3: {  	[tilespmem:s19], [sflag:$0x1] =	stream.indirect_vreg.gather [hbm4b:s3+s1], $0x80, v4, vm0, $0xb8;
	[tilespmem:$0x8080] =	vst v63  }
0x1e4: {  	_ = 	snop  }
0x1e5: {  	[tilespmem:s20], [sflag:$0x1] =	stream.indirect_vreg.gather [hbm4b:s4+s1], $0x80, v4, vm0, $0xb8;
	[tilespmem:$0x8080] =	vst v63  }
0x1e6: {  	_ = 	snop  }
0x1e7: {  	[tilespmem:s21], [sflag:$0x1] =	stream.indirect_vreg.gather [hbm4b:s3+s1], $0x80, v3, vm0, $0xb8;
	[tilespmem:$0x8080] =	vst v63  }
0x1e8: {  	_ = 	snop  }
0x1e9: {  	[tilespmem:s22], [sflag:$0x1] =	stream.indirect_vreg.gather [hbm4b:s4+s1], $0x80, v3, vm0, $0xb8;
	[tilespmem:$0x8080] =	vst v63  }
0x1ea: {  	v3 =	vld [tilespmem:$0x20];
	_ =	sdelay $0x4  }
0x1eb: {  	v58 =	vshll.u32 v3, $0x2  }
0x1ec: {  	v3 =	vand.u32 $0x7, v3;
	v4 =	vand.u32 $0xFFFFFFE0, v58  }
0x1ed: {  	v3 =	vor.u32 v3, v4  }
0x1ee: {  	v4 =	vperm.xlane v3, v0;
	_ =	sdelay $0x1  }
0x1ef: {  	v4 =	vadd.s32 v1, v4;
	_ =	sdelay $0x1  }
0x1f0: {  	v3 =	vperm.xlane v3, v2;
	_ =	sdelay $0x1  }
0x1f1: {  	v3 =	vadd.s32 v1, v3  }
0x1f2: {  	[tilespmem:s23], [sflag:$0x1] =	stream.indirect_vreg.gather [hbm4b:s3+s1], $0x80, v4, vm0, $0xb8;
	[tilespmem:$0x8080] =	vst v63  }
0x1f3: {  	_ = 	snop  }
0x1f4: {  	[tilespmem:s24], [sflag:$0x1] =	stream.indirect_vreg.gather [hbm4b:s4+s1], $0x80, v4, vm0, $0xb8;
	[tilespmem:$0x8080] =	vst v63  }
0x1f5: {  	_ = 	snop  }
0x1f6: {  	[tilespmem:s25], [sflag:$0x1] =	stream.indirect_vreg.gather [hbm4b:s3+s1], $0x80, v3, vm0, $0xb8;
	[tilespmem:$0x8080] =	vst v63  }
0x1f7: {  	_ = 	snop  }
0x1f8: {  	[tilespmem:s26], [sflag:$0x1] =	stream.indirect_vreg.gather [hbm4b:s4+s1], $0x80, v3, vm0, $0xb8;
	[tilespmem:$0x8080] =	vst v63  }
0x1f9: {  	v3 =	vld [tilespmem:$0x30];
	_ =	sdelay $0x4  }
0x1fa: {  	v59 =	vshll.u32 v3, $0x2  }
0x1fb: {  	v3 =	vand.u32 $0x7, v3;
	v4 =	vand.u32 $0xFFFFFFE0, v59  }
0x1fc: {  	v3 =	vor.u32 v3, v4  }
0x1fd: {  	v4 =	vperm.xlane v3, v0;
	_ =	sdelay $0x1  }
0x1fe: {  	v4 =	vadd.s32 v1, v4;
	_ =	sdelay $0x1  }
0x1ff: {  	v3 =	vperm.xlane v3, v2;
	_ =	sdelay $0x1  }
0x200: {  	v3 =	vadd.s32 v1, v3  }
0x201: {  	[tilespmem:s28], [sflag:$0x1] =	stream.indirect_vreg.gather [hbm4b:s3+s1], $0x80, v4, vm0, $0xb8;
	[tilespmem:$0x8080] =	vst v63  }
0x202: {  	_ = 	snop  }
0x203: {  	[tilespmem:s29], [sflag:$0x1] =	stream.indirect_vreg.gather [hbm4b:s4+s1], $0x80, v4, vm0, $0xb8;
	[tilespmem:$0x8080] =	vst v63  }
0x204: {  	_ = 	snop  }
0x205: {  	[tilespmem:s30], [sflag:$0x1] =	stream.indirect_vreg.gather [hbm4b:s3+s1], $0x80, v3, vm0, $0xb8;
	[tilespmem:$0x8080] =	vst v63  }
0x206: {  	_ = 	snop  }
0x207: {  	[tilespmem:s31], [sflag:$0x1] =	stream.indirect_vreg.gather [hbm4b:s4+s1], $0x80, v3, vm0, $0xb8;
	[tilespmem:$0x8080] =	vst v63  }
0x208: {  	_ =	swait.ge [sflag:s0], $0x8000  }
0x209: {  	[sflag:s0] =	ssyncset.done $0x0  }
0x20a: {  	[sflag:s0] =	ssyncadd.s32 $0xFFFF8000  }
0x20b: {  	[hbm4b:s10+s1] =	stream.linear.scatter [tilespmem:s15], [sflag:$0x2], $0x8000, $0x38;
	[tilespmem:$0x8080] =	vst v63  }
0x20c: {  	_ =	swait.ge [sflag:s14], $0x8000  }
0x20d: {  	[sflag:s14] =	ssyncset.done $0x0  }
0x20e: {  	[sflag:s14] =	ssyncadd.s32 $0xFFFF8000  }
0x20f: {  	[tilespmem:s1], [sflag:$0x2] =	stream.linear.gather [hbm4b:s11+s1], $0x40, $0x38;
	[tilespmem:$0x8080] =	vst v63  }
0x210: {  	_ =	swait.ge [sflag:s14], $0x40  }
0x211: {  	[sflag:s14] =	ssyncset.done $0x0  }
0x212: {  	[sflag:s14] =	ssyncadd.s32 $0xFFFFFFC0  }
0x213: {  	v3 =	vld [tilespmem:$0x0];
	_ =	sdelay $0x4  }
0x214: {  	v60 =	vshll.u32 v3, $0x2  }
0x215: {  	v3 =	vand.u32 $0x7, v3;
	v4 =	vand.u32 $0xFFFFFFE0, v60  }
0x216: {  	v3 =	vor.u32 v3, v4  }
0x217: {  	v4 =	vperm.xlane v3, v0;
	_ =	sdelay $0x1  }
0x218: {  	v4 =	vadd.s32 v1, v4;
	_ =	sdelay $0x1  }
0x219: {  	v3 =	vperm.xlane v3, v2;
	_ =	sdelay $0x1  }
0x21a: {  	v3 =	vadd.s32 v1, v3  }
0x21b: {  	[tilespmem:s15], [sflag:$0x1] =	stream.indirect_vreg.gather [hbm4b:s3+s1], $0x80, v4, vm0, $0xb8;
	[tilespmem:$0x8080] =	vst v63  }
0x21c: {  	_ = 	snop  }
0x21d: {  	[tilespmem:s16], [sflag:$0x1] =	stream.indirect_vreg.gather [hbm4b:s4+s1], $0x80, v4, vm0, $0xb8;
	[tilespmem:$0x8080] =	vst v63  }
0x21e: {  	_ = 	snop  }
0x21f: {  	[tilespmem:s17], [sflag:$0x1] =	stream.indirect_vreg.gather [hbm4b:s3+s1], $0x80, v3, vm0, $0xb8;
	[tilespmem:$0x8080] =	vst v63  }
0x220: {  	_ = 	snop  }
0x221: {  	[tilespmem:s18], [sflag:$0x1] =	stream.indirect_vreg.gather [hbm4b:s4+s1], $0x80, v3, vm0, $0xb8;
	[tilespmem:$0x8080] =	vst v63  }
0x222: {  	v3 =	vld [tilespmem:$0x10];
	_ =	sdelay $0x4  }
0x223: {  	v61 =	vshll.u32 v3, $0x2  }
0x224: {  	v3 =	vand.u32 $0x7, v3;
	v4 =	vand.u32 $0xFFFFFFE0, v61  }
0x225: {  	v3 =	vor.u32 v3, v4  }
0x226: {  	v4 =	vperm.xlane v3, v0;
	_ =	sdelay $0x1  }
0x227: {  	v4 =	vadd.s32 v1, v4;
	_ =	sdelay $0x1  }
0x228: {  	v3 =	vperm.xlane v3, v2;
	_ =	sdelay $0x1  }
0x229: {  	v3 =	vadd.s32 v1, v3  }
0x22a: {  	[tilespmem:s19], [sflag:$0x1] =	stream.indirect_vreg.gather [hbm4b:s3+s1], $0x80, v4, vm0, $0xb8;
	[tilespmem:$0x8080] =	vst v63  }
0x22b: {  	_ = 	snop  }
0x22c: {  	[tilespmem:s20], [sflag:$0x1] =	stream.indirect_vreg.gather [hbm4b:s4+s1], $0x80, v4, vm0, $0xb8;
	[tilespmem:$0x8080] =	vst v63  }
0x22d: {  	_ = 	snop  }
0x22e: {  	[tilespmem:s21], [sflag:$0x1] =	stream.indirect_vreg.gather [hbm4b:s3+s1], $0x80, v3, vm0, $0xb8;
	[tilespmem:$0x8080] =	vst v63  }
0x22f: {  	_ = 	snop  }
0x230: {  	[tilespmem:s22], [sflag:$0x1] =	stream.indirect_vreg.gather [hbm4b:s4+s1], $0x80, v3, vm0, $0xb8;
	[tilespmem:$0x8080] =	vst v63  }
0x231: {  	v3 =	vld [tilespmem:$0x20];
	_ =	sdelay $0x4  }
0x232: {  	v62 =	vshll.u32 v3, $0x2  }
0x233: {  	v3 =	vand.u32 $0x7, v3;
	v4 =	vand.u32 $0xFFFFFFE0, v62  }
0x234: {  	v3 =	vor.u32 v3, v4  }
0x235: {  	v4 =	vperm.xlane v3, v0;
	_ =	sdelay $0x1  }
0x236: {  	v4 =	vadd.s32 v1, v4;
	_ =	sdelay $0x1  }
0x237: {  	v3 =	vperm.xlane v3, v2;
	_ =	sdelay $0x1  }
0x238: {  	v3 =	vadd.s32 v1, v3  }
0x239: {  	[tilespmem:s23], [sflag:$0x1] =	stream.indirect_vreg.gather [hbm4b:s3+s1], $0x80, v4, vm0, $0xb8;
	[tilespmem:$0x8080] =	vst v63  }
0x23a: {  	_ = 	snop  }
0x23b: {  	[tilespmem:s24], [sflag:$0x1] =	stream.indirect_vreg.gather [hbm4b:s4+s1], $0x80, v4, vm0, $0xb8;
	[tilespmem:$0x8080] =	vst v63  }
0x23c: {  	_ = 	snop  }
0x23d: {  	[tilespmem:s25], [sflag:$0x1] =	stream.indirect_vreg.gather [hbm4b:s3+s1], $0x80, v3, vm0, $0xb8;
	[tilespmem:$0x8080] =	vst v63  }
0x23e: {  	_ = 	snop  }
0x23f: {  	[tilespmem:s26], [sflag:$0x1] =	stream.indirect_vreg.gather [hbm4b:s4+s1], $0x80, v3, vm0, $0xb8;
	[tilespmem:$0x8080] =	vst v63  }
0x240: {  	v3 =	vld [tilespmem:$0x30];
	_ =	sdelay $0x4  }
0x241: {  	v63 =	vshll.u32 v3, $0x2  }
0x242: {  	v3 =	vand.u32 $0x7, v3;
	v4 =	vand.u32 $0xFFFFFFE0, v63  }
0x243: {  	v3 =	vor.u32 v3, v4  }
0x244: {  	v4 =	vperm.xlane v3, v0;
	_ =	sdelay $0x1  }
0x245: {  	v4 =	vadd.s32 v1, v4;
	_ =	sdelay $0x1  }
0x246: {  	v3 =	vperm.xlane v3, v2;
	_ =	sdelay $0x1  }
0x247: {  	v3 =	vadd.s32 v1, v3  }
0x248: {  	[tilespmem:s28], [sflag:$0x1] =	stream.indirect_vreg.gather [hbm4b:s3+s1], $0x80, v4, vm0, $0xb8;
	[tilespmem:$0x8080] =	vst v63  }
0x249: {  	_ = 	snop  }
0x24a: {  	[tilespmem:s29], [sflag:$0x1] =	stream.indirect_vreg.gather [hbm4b:s4+s1], $0x80, v4, vm0, $0xb8;
	[tilespmem:$0x8080] =	vst v63  }
0x24b: {  	_ = 	snop  }
0x24c: {  	[tilespmem:s30], [sflag:$0x1] =	stream.indirect_vreg.gather [hbm4b:s3+s1], $0x80, v3, vm0, $0xb8;
	[tilespmem:$0x8080] =	vst v63  }
0x24d: {  	_ = 	snop  }
0x24e: {  	[tilespmem:s31], [sflag:$0x1] =	stream.indirect_vreg.gather [hbm4b:s4+s1], $0x80, v3, vm0, $0xb8;
	[tilespmem:$0x8080] =	vst v63  }
0x24f: {  	_ =	swait.ge [sflag:s0], $0x8000  }
0x250: {  	p0 =	sne.s32 s13, $0x1;
	[sflag:s0] =	ssyncset.done $0x0  }
.Ltmp0:
0x251: {  	[sflag:s0] =	ssyncadd.s32 $0xFFFF8000;
	(pc) =	sbr.rel @p0 .LBB2_1-.Ltmp0, $4  }
0x252: {  	[hbm4b:s12+s1] =	stream.linear.scatter [tilespmem:s15], [sflag:$0x2], $0x8000, $0x38;
	[tilespmem:$0x8080] =	vst v63  }
0x253: {  	_ =	swait.ge [sflag:s14], $0x8000  }
0x254: {  	[sflag:s14] =	ssyncset.done $0x0  }
0x255: {  	s13 =	sadd.s32 $0xFFFFFFFF, s13;
	[sflag:s14] =	ssyncadd.s32 $0xFFFF8000  }
0x256: {  	_ =	sfence.sel $0x180000  }
0x257: {  	[bflag:$0x0] =	sbarrier.arrive $0xFFFF  }
0x258: {  	_ =	strace $0x9000004A  }
0x259: {  	s0 =	stileid.u32;
	[bflag:$0x2] =	sbarrier.arrive $0xFFFF  }
0x25a: {  	p0 =	sne.s32 s0, $0x0;
	s0 =	rddreg [dreg:$0x1]  }
0x25b: {  	s0 =	sadd.s32 @!p0 $0x100000, s0  }
0x25c: {  	[sflag:s0] =	ssyncadd.tile.s32 @!p0 $0x1;
	_ =	shalt  }
.Lfunc_end2:
_tile_overlayer_lowered:
.L_overlay_start_2:
0x25d: {  	(tag) =	ssettag $0x2  }
0x25e: {  	s0 =	rddreg [dreg:$0x0];
	s2 =	stileid.u32  }
0x25f: {  	s1 =	rddreg [dreg:$0x1];
	p0 =	sne.s32 s2, $0x0  }
0x260: {  	s3 =	rddreg [dreg:$0x2];
	[bflag:$0x3] =	sbarrier.arrive $0xFFFF;
	s2 =	simm.s32 @!p0 $0x1C02  }
0x261: {  	[timem:s3], [sflag:s2] =	dma.local @!p0 [hbm:s0], s1  }
0x262: {  	s0 =	simm.s32 @!p0 $0x2  }
0x263: {  	_ =	swait.ge @!p0 [sflag:s0], s1  }
0x264: {  	s1 =	ssub.s32 @!p0 $0x0, s1;
	[sflag:s0] =	ssyncset.done @!p0 $0x0  }
0x265: {  	[sflag:s0] =	ssyncadd.s32 @!p0 s1  }
0x266: {  	[bflag:$0x3] =	sbarrier.arrive $0xFFFF  }
0x267: {  	_ =	shalt  }

// kernel: kernel.8.cloned.1.call-start
scs
__scs_entry_jumppad:
0x0: {  	(pc) =	sbr.rel $0x88, $3  }
0x1: {  	(tag) =	ssettag $0x0;
	lr =	simm.s32 $0x1  }
0x2: {  	[smem:$0x3F9B] =	sst lr;
	_ =	strace $0xD0000000  }
0x3: {  	_ = 	snop  }
0x4: {  	_ = 	snop  }
0x5: {  	_ = 	snop  }
0x6: {  	_ = 	snop  }
0x7: {  	_ = 	snop  }
__scs_overlays_trampoline_lowered:
0x8: {  	[smem:$0x3FAA] =	sst s0  }
0x9: {  	[smem:$0x3FAB] =	sst s1  }
0xa: {  	[smem:$0x3FAC] =	sst s2  }
0xb: {  	[smem:$0x3FAD] =	sst s3  }
0xc: {  	[smem:$0x3FAE] =	sst s4  }
0xd: {  	[smem:$0x3FAF] =	sst s5  }
0xe: {  	[smem:$0x3FB0] =	sst s6  }
0xf: {  	[smem:$0x3FB1] =	sst s7  }
0x10: {  	[smem:$0x3FB2] =	sst s8  }
0x11: {  	[smem:$0x3FB3] =	sst s9;
	s0 =	simm.s32 @!p0 $0x0  }
0x12: {  	s1 =	sld [smem:$0x3F99];
	s0 =	simm.s32 @p0 $0x1  }
0x13: {  	[smem:$0x3FB4] =	sst s0;
	s0 =	simm.s32 @!p1 $0x0  }
0x14: {  	s2 =	sld [smem:$0x3F98];
	s0 =	simm.s32 @p1 $0x1  }
0x15: {  	[smem:$0x3FB5] =	sst s0;
	s0 =	simm.s32 @!p2 $0x0  }
0x16: {  	s3 =	sld [smem:$0x3FDB];
	s0 =	simm.s32 @p2 $0x1  }
0x17: {  	s4 =	simm.s32 $0x1BF5;
	[smem:$0x3FB7] =	sst s0  }
0x18: {  	s0 =	sld [smem:$0x3F9A];
	_ =	swait.ge [sflag:s4], $0x0  }
0x19: {  	s7 =	sld [smem:$0x3F9B]  }
0x1a: {  	s8 =	sadd.s32 $0xFFFFE003, lr  }
0x1b: {  	s9 =	sadd.s32 $0xFFFFFEF7, lr;
	s5 =	simm.s32 $0xFFFFFFFF;
	p2 =	slt.u32 s8, $0xFFFFF086  }
0x1c: {  	p1 =	slt.u32 s9, $0xF7A;
	s5 =	simm.s32 @!p2 $0x0  }
0x1d: {  	s5 =	simm.s32 @p1 $0x1;
	p0 =	seq.s32 s7, s2  }
0x1e: {  	s7 =	smul.u32 @!p0 $0xF7A, s2;
	p2 =	seq.s32 @!p0 s5, $0x0  }
0x1f: {  	s9 =	smul.u32 $0xF7A, s1;
	s8 =	simm.s32 @!p0 $0x1BF5;
	p2 =	por !p2, p0  }
0x20: {  	[sflag:s8] =	ssyncset.s32 @!p0 $0xFFFFF086;
	s6 =	sadd.s32 @!p0 s3, s7;
	s7 =	simm.s32 @!p0 $0x108  }
0x21: {  	s3 =	sadd.s32 s3, s9;
	s6 =	sadd.s32 @!p0 $0x88, s6;
	s7 =	simm.s32 @p2 $0x1082  }
0x22: {  	[simem:s7], [sflag:s8] =	dma.local @!p0 [hbm:s6], $0xF7A  }
0x23: {  	s9 =	sor.u32 $0xD0000000, s2;
	s6 =	simm.s32 $0x108;
	_ =	swait.ge @!p0 [sflag:s8], $0x0  }
0x24: {  	s3 =	sadd.s32 $0x88, s3;
	s6 =	simm.s32 @!p1 $0x1082;
	[sflag:s4] =	ssyncset.s32 $0xFFFFF086  }
0x25: {  	[simem:s6], [sflag:s4] =	dma.local [hbm:s3], $0xF7A  }
0x26: {  	[smem:$0x3F9B] =	sst s1;
	(tag) =	ssettag s2;
	_ =	strace s9  }
0x27: {  	s1 =	sld [smem:$0x3FAB]  }
0x28: {  	s2 =	sld [smem:$0x3FAC]  }
0x29: {  	s4 =	sld [smem:$0x3FAE]  }
0x2a: {  	p0 =	seq.s32 s5, $0x0;
	s5 =	sld [smem:$0x3FAF]  }
0x2b: {  	s6 =	sld [smem:$0x3FB0]  }
0x2c: {  	s7 =	sld [smem:$0x3FB1]  }
0x2d: {  	s3 =	simm.s32 $0x108;
	s8 =	sld [smem:$0x3FB2]  }
0x2e: {  	s3 =	simm.s32 @!p0 $0x1082;
	s9 =	sld [smem:$0x3FB3]  }
0x2f: {  	lr =	sadd.s32 s0, s3;
	s0 =	sld [smem:$0x3FAA]  }
0x30: {  	s3 =	sld [smem:$0x3FAD]  }
0x31: {  	[smem:$0x3FB6] =	sst s10  }
0x32: {  	s10 =	sld [smem:$0x3FB4];
	_ =	sdelay $0x3  }
0x33: {  	p0 =	seq.s32 s10, $0x1;
	s10 =	sld [smem:$0x3FB6];
	_ =	sdelay $0x3  }
0x34: {  	[smem:$0x3FB6] =	sst s10  }
0x35: {  	s10 =	sld [smem:$0x3FB5];
	_ =	sdelay $0x3  }
0x36: {  	p1 =	seq.s32 s10, $0x1;
	s10 =	sld [smem:$0x3FB6];
	_ =	sdelay $0x3  }
0x37: {  	[smem:$0x3FB6] =	sst s10  }
0x38: {  	s10 =	sld [smem:$0x3FB7]  }
0x39: {  	_ = 	snop;
	(pc) =	sbr.ind lr, $3  }
0x3a: {  	_ = 	snop  }
0x3b: {  	_ = 	snop  }
0x3c: {  	p2 =	seq.s32 s10, $0x1;
	s10 =	sld [smem:$0x3FB6]  }
0x3d: {  	_ =	shalt  }
0x3e: {  	_ =	shalt  }
0x3f: {  	_ =	shalt  }
0x40: {  	_ =	shalt  }
0x41: {  	_ =	shalt  }
0x42: {  	_ =	shalt  }
0x43: {  	_ =	shalt  }
0x44: {  	_ =	shalt  }
0x45: {  	_ =	shalt  }
0x46: {  	_ =	shalt  }
0x47: {  	_ =	shalt  }
0x48: {  	_ =	shalt  }
0x49: {  	_ =	shalt  }
0x4a: {  	_ =	shalt  }
0x4b: {  	_ =	shalt  }
0x4c: {  	_ =	shalt  }
0x4d: {  	_ =	shalt  }
0x4e: {  	_ =	shalt  }
0x4f: {  	_ =	shalt  }
0x50: {  	_ =	shalt  }
0x51: {  	_ =	shalt  }
0x52: {  	_ =	shalt  }
0x53: {  	_ =	shalt  }
0x54: {  	_ =	shalt  }
0x55: {  	_ =	shalt  }
0x56: {  	_ =	shalt  }
0x57: {  	_ =	shalt  }
0x58: {  	_ =	shalt  }
0x59: {  	_ =	shalt  }
0x5a: {  	_ =	shalt  }
0x5b: {  	_ =	shalt  }
0x5c: {  	_ =	shalt  }
0x5d: {  	_ =	shalt  }
0x5e: {  	_ =	shalt  }
0x5f: {  	_ =	shalt  }
0x60: {  	_ =	shalt  }
0x61: {  	_ =	shalt  }
0x62: {  	_ =	shalt  }
0x63: {  	_ =	shalt  }
0x64: {  	_ =	shalt  }
0x65: {  	_ =	shalt  }
0x66: {  	_ =	shalt  }
0x67: {  	_ =	shalt  }
0x68: {  	_ =	shalt  }
0x69: {  	_ =	shalt  }
0x6a: {  	_ =	shalt  }
0x6b: {  	_ =	shalt  }
0x6c: {  	_ =	shalt  }
0x6d: {  	_ =	shalt  }
0x6e: {  	_ =	shalt  }
0x6f: {  	_ =	shalt  }
0x70: {  	_ =	shalt  }
0x71: {  	_ =	shalt  }
0x72: {  	_ =	shalt  }
0x73: {  	_ =	shalt  }
0x74: {  	_ =	shalt  }
0x75: {  	_ =	shalt  }
0x76: {  	_ =	shalt  }
0x77: {  	_ =	shalt  }
0x78: {  	_ =	shalt  }
0x79: {  	_ =	shalt  }
0x7a: {  	_ =	shalt  }
0x7b: {  	_ =	shalt  }
0x7c: {  	_ =	shalt  }
0x7d: {  	_ =	shalt  }
0x7e: {  	_ =	shalt  }
0x7f: {  	_ =	shalt  }
0x80: {  	_ =	shalt  }
0x81: {  	_ =	shalt  }
0x82: {  	_ =	shalt  }
0x83: {  	_ =	shalt  }
0x84: {  	_ =	shalt  }
0x85: {  	_ =	shalt  }
0x86: {  	_ =	shalt  }
0x87: {  	_ =	shalt  }
.Lfunc_end0:
.L_simem_size_0:
called_computation_lowered:
.L_overlay_start_0:
0x88: {  	s2 =	sld [smem:$0x3FD9]  }
0x89: {  	s3 =	sld [smem:$0x3FFE];
	_ =	sdelay $0x1  }
0x8a: {  	s1 =	srdreg.scid  }
0x8b: {  	s0 =	sand.u32 $0x1, s1  }
0x8c: {  	s14 =	sshll.u32 s0, $0xA;
	s2 =	sadd.s32 s3, s2  }
0x8d: {  	s2 =	sadd.s32 s2, s14  }
0x8e: {  	[smem:$0x3FC2] =	sst s2  }
0x8f: {  	_ = 	snop  }
0x90: {  	s2 =	sld [smem:$0x3FD0];
	_ =	sdelay $0x2  }
0x91: {  	s15 =	simm.s32 $0xA;
	s4 =	simm.s32 $0x10  }
0x92: {  	[smem:s4], [sflag:s15] =	dma.local [hbm:s2], $0x1  }
0x93: {  	_ =	swait.eq [sflag:s15], $0x1  }
0x94: {  	[sflag:s15] =	ssyncset.done $0x0  }
0x95: {  	s16 =	sld [smem:$0x10];
	[sflag:s15] =	ssyncadd.s32 $0xFFFFFFFF  }
0x96: {  	s17 =	sld [smem:$0x11];
	(tm) =	ssettm $0x1  }
0x97: {  	s18 =	sld [smem:$0x3FFB];
	_ =	sdelay $0x3  }
0x98: {  	_ =	strace s18  }
0x99: {  	s4 =	sld [smem:$0x3FFC];
	_ =	sdelay $0x3  }
0x9a: {  	_ =	strace s4  }
0x9b: {  	s4 =	sld [smem:$0x3FFD];
	_ =	sdelay $0x3  }
0x9c: {  	_ =	strace s4  }
0x9d: {  	_ =	strace $0x8FFFFFFF  }
0x9e: {  	s19 =	sld [smem:$0x3FDB];
	_ =	sdelay $0x1  }
0x9f: {  	s5 =	simm.s32 $_scs_section_size  }
0xa0: {  	s6 =	simm.s32 $_size__tile_overlayer_lowered;
	s7 =	simm.s32 $_tile_overlayer_lowered  }
0xa1: {  	s22 =	simm.s32 $0x1BFF;
	s21 =	sshll.u32 s7, $0x1;
	s4 =	sadd.s32 s5, s19  }
0xa2: {  	s8 =	simm.s32 $0x0;
	s20 =	sshll.u32 s6, $0x1;
	s6 =	sadd.s32 s21, s4  }
0xa3: {  	[timem:s8], [sflag:s22] =	dma.local [hbm:s6], s20  }
0xa4: {  	_ =	swait.ge [sflag:s22], s20  }
0xa5: {  	s5 =	ssub.s32 $0x0, s20;
	[sflag:s22] =	ssyncset.done $0x0  }
0xa6: {  	[sflag:s22] =	ssyncadd.s32 s5;
	_ =	sdelay $0x1  }
0xa7: {  	s23 =	simm.s32 $0x1B8B  }
0xa8: {  	_ =	swait.ge [sflag:s23], $0x1  }
0xa9: {  	[sflag:s23] =	ssyncset.done $0x0  }
0xaa: {  	s25 =	simm.s32 $0x1B8E;
	s24 =	sld [smem:$0x3FFE];
	[sflag:s23] =	ssyncadd.s32 $0xFFFFFFFF  }
0xab: {  	s26 =	simm.s32 $execute0_lowered;
	[smem:$0x3FD2] =	sst s25  }
0xac: {  	s6 =	sshll.u32 s26, $0x1;
	_ =	strace $0x80000046;
	[dreg:$0x1] =	wrdreg $0xFFFFFFFF  }
0xad: {  	s28 =	simm.s32 $_size_execute0_lowered;
	s4 =	sadd.s32 s4, s6;
	[dreg:$0x0] =	wrdreg $0x0  }
0xae: {  	s6 =	sshll.u32 s28, $0x1;
	[dreg:$0x2] =	wrdreg s4  }
0xaf: {  	[dreg:$0x3] =	wrdreg s6  }
0xb0: {  	[dreg:$0x4] =	wrdreg $0xC0  }
0xb1: {  	_ =	task [dreg:s8], $0x5FFFF  }
0xb2: {  	[dreg:$0x1] =	wrdreg $0xFFFFFFFF  }
0xb3: {  	[dreg:$0x0] =	wrdreg $0x60  }
0xb4: {  	[dreg:$0x2] =	wrdreg s16  }
0xb5: {  	[dreg:$0x3] =	wrdreg s17  }
0xb6: {  	[dreg:$0x4] =	wrdreg s24  }
0xb7: {  	[dreg:$0x5] =	wrdreg $0x9  }
0xb8: {  	_ =	task.clear_ibuf [dreg:s8], $0x6FFFF;
	_ =	strace $0x90000046  }
0xb9: {  	s29 =	simm.s32 $0x9;
	_ =	strace $0x80000048  }
0xba: {  	_ =	swait.ge [sflag:s29], $0x1  }
0xbb: {  	[sflag:s29] =	ssyncadd.s32 $0xFFFFFFFF  }
0xbc: {  	_ =	strace $0x90000048  }
0xbd: {  	_ =	sfence  }
0xbe: {  	s30 =	sld [smem:$0x0];
	_ =	sdelay $0x2  }
0xbf: {  	s31 =	sshll.u32 s1, $0xD;
	s1 =	sshrl.u32 s1, $0x2  }
0xc0: {  	s3 =	sand.u32 $0x4000, s31;
	s1 =	sadd.s32 s1, s30  }
0xc1: {  	s0 =	sor.u32 s3, s0;
	s1 =	sshll.u32 s1, $0x11  }
0xc2: {  	s0 =	sor.u32 s1, s0  }
0xc3: {  	s0 =	sadd.s32 $0x8F2B, s0  }
0xc4: {  	[sflag:s0] =	ssyncadd.remote.s32 $0x1  }
0xc5: {  	_ =	sfence.sel $0xFFFF  }
0xc6: {  	[dreg:$0x0] =	wrdreg $0xFFFFFFFF;
	(pc) =	sbr.abs _section_cstart, $3  }
0xc7: {  	[dreg:$0x1] =	wrdreg $0xFFFFFFFF  }
0xc8: {  	_ =	task.clear_ibuf [dreg:s8], $0x2FFFF;
	_ =	strace $0x9FFFFFFF  }
0xc9: {  	(tm) =	ssettm $0x7FFFFFFF  }
tec
execute0_lowered:
.L_overlay_start_1:
0x0: {  	(tag) =	ssettag $0x1  }
0x1: {  	s1 =	rddreg [dreg:$0x0]  }
0x2: {  	s0 =	rddreg [dreg:$0x1]  }
0x3: {  	s6 =	rddreg [dreg:$0x2];
	s3 =	srdreg.scid  }
0x4: {  	s2 =	stileid.u32;
	s28 =	simm.s32 $0x6100;
	s29 =	simm.s32 $0x6900  }
0x5: {  	s30 =	simm.s32 $0x7100;
	s31 =	simm.s32 $0x7900;
	s5 =	sand.u32 $0x1, s3  }
0x6: {  	s3 =	simm.s32 $0x0;
	s4 =	sshll.u32 s2, $0x7;
	s11 =	sadd.s32 $0x31400, s6  }
0x7: {  	s7 =	sshll.u32 s5, $0x6;
	[smem:$0x7FF] =	sst s3;
	s5 =	ssub.s32 $0x2, s5  }
0x8: {  	s8 =	sor.u32 s7, s4;
	_ =	strace $0x80000047;
	s10 =	sshrl.u32 s5, $0x1  }
0x9: {  	s4 =	sadd.s32 s0, s8;
	s14 =	sadd.s32 s11, s8;
	s7 =	sor.u32 $0x8, s8  }
0xa: {  	s9 =	sor.u32 $0x10, s8;
	s18 =	sor.u32 $0x18, s8;
	s21 =	sor.u32 $0x20, s8  }
0xb: {  	s24 =	sor.u32 $0x28, s8;
	s12 =	ssub.s32 s5, s10;
	s5 =	sadd.s32 $0x100, s1  }
0xc: {  	s26 =	sor.u32 $0x30, s8;
	s13 =	sor.u32 $0x38, s8;
	[dreg:$0x4] =	wrdreg s4  }
0xd: {  	[dreg:$0x5] =	wrdreg s14;
	s15 =	sadd.s32 s0, s7;
	s7 =	sadd.s32 s11, s7  }
0xe: {  	s4 =	sadd.s32 $0x31C00, s6;
	s16 =	sadd.s32 s0, s9;
	[dreg:$0x6] =	wrdreg s15  }
0xf: {  	s17 =	sadd.s32 s11, s9;
	s19 =	sadd.s32 s0, s18;
	[dreg:$0x7] =	wrdreg s7  }
0x10: {  	s20 =	sadd.s32 s11, s18;
	s22 =	sadd.s32 s0, s21;
	[dreg:$0x8] =	wrdreg s16  }
0x11: {  	s23 =	sadd.s32 s11, s21;
	s25 =	sadd.s32 s0, s24;
	[dreg:$0x9] =	wrdreg s17  }
0x12: {  	s6 =	sadd.s32 $0x31D00, s6;
	s8 =	sadd.s32 s0, s26;
	[dreg:$0xa] =	wrdreg s19  }
0x13: {  	s9 =	sadd.s32 s11, s26;
	s10 =	sadd.s32 s0, s13;
	[dreg:$0xb] =	wrdreg s20  }
0x14: {  	s12 =	smax.u32 s12, $0x1;
	s14 =	simm.s32 $0x80;
	[dreg:$0xc] =	wrdreg s22  }
0x15: {  	s18 =	simm.s32 $0x1900;
	s21 =	simm.s32 $0x3100;
	[dreg:$0xd] =	wrdreg s23  }
0x16: {  	s26 =	simm.s32 $0x5900;
	s0 =	simm.s32 $0x1;
	[dreg:$0xe] =	wrdreg s25  }
0x17: {  	s7 =	sadd.s32 s11, s24;
	s11 =	sadd.s32 s11, s13;
	s13 =	simm.s32 $0x2  }
0x18: {  	v2 =	vlaneseq.u32;
	s15 =	simm.s32 $0x100;
	s16 =	simm.s32 $0x900;
	s17 =	simm.s32 $0x1100  }
0x19: {  	vm0 =	vmmov $0xffff;
	v1 =	vshrl.u32 v2, $0x3;
	s19 =	simm.s32 $0x2100;
	s20 =	simm.s32 $0x2900;
	s22 =	simm.s32 $0x3900  }
0x1a: {  	v0 =	vand.u32 $0x7, v2;
	v2 =	vor.u32 $0x8, v2;
	v1 =	vmul.u32 $0x8, v1;
	s23 =	simm.s32 $0x4100;
	s24 =	simm.s32 $0x4900;
	s25 =	simm.s32 $0x5100  }
.LBB2_1:
0x1b: {  	s2 =	rddreg [dreg:$0x4]  }
0x1c: {  	[tilespmem:s3], [sflag:$0x2] =	stream.linear.gather [hbm4b:s2+s3], $0x40, $0x38;
	[tilespmem:$0x8100] =	vst v63  }
0x1d: {  	_ =	swait.ge [sflag:s13], $0x40  }
0x1e: {  	[sflag:s13] =	ssyncset.done $0x0  }
0x1f: {  	s2 =	rddreg [dreg:$0x5];
	[sflag:s13] =	ssyncadd.s32 $0xFFFFFFC0  }
0x20: {  	[tilespmem:s14], [sflag:$0x2] =	stream.linear.gather [hbm4b:s2+s3], $0x40, $0x38;
	[tilespmem:$0x8100] =	vst v63  }
0x21: {  	_ =	swait.ge [sflag:s13], $0x40  }
0x22: {  	[sflag:s13] =	ssyncset.done $0x0  }
0x23: {  	[sflag:s13] =	ssyncadd.s32 $0xFFFFFFC0  }
0x24: {  	v3 =	vld [tilespmem:$0x0];
	_ =	sdelay $0x4  }
0x25: {  	v4 =	vshll.u32 v3, $0x2  }
0x26: {  	v3 =	vand.u32 $0x7, v3;
	v4 =	vand.u32 $0xFFFFFFE0, v4  }
0x27: {  	v3 =	vor.u32 v3, v4  }
0x28: {  	v4 =	vperm.xlane v3, v0;
	_ =	sdelay $0x1  }
0x29: {  	v4 =	vadd.s32 v1, v4;
	_ =	sdelay $0x1  }
0x2a: {  	v3 =	vperm.xlane v3, v2;
	_ =	sdelay $0x1  }
0x2b: {  	v3 =	vadd.s32 v1, v3  }
0x2c: {  	[tilespmem:s15], [sflag:$0x1] =	stream.indirect_vreg.gather [hbm4b:s1+s3], $0x80, v4, vm0, $0xb8;
	[tilespmem:$0x8100] =	vst v63  }
0x2d: {  	_ = 	snop  }
0x2e: {  	[tilespmem:s16], [sflag:$0x1] =	stream.indirect_vreg.gather [hbm4b:s5+s3], $0x80, v4, vm0, $0xb8;
	[tilespmem:$0x8100] =	vst v63  }
0x2f: {  	_ = 	snop  }
0x30: {  	[tilespmem:s17], [sflag:$0x1] =	stream.indirect_vreg.gather [hbm4b:s1+s3], $0x80, v3, vm0, $0xb8;
	[tilespmem:$0x8100] =	vst v63  }
0x31: {  	_ = 	snop  }
0x32: {  	[tilespmem:s18], [sflag:$0x1] =	stream.indirect_vreg.gather [hbm4b:s5+s3], $0x80, v3, vm0, $0xb8;
	[tilespmem:$0x8100] =	vst v63  }
0x33: {  	v3 =	vld [tilespmem:$0x10];
	_ =	sdelay $0x4  }
0x34: {  	v57 =	vshll.u32 v3, $0x2  }
0x35: {  	v3 =	vand.u32 $0x7, v3;
	v4 =	vand.u32 $0xFFFFFFE0, v57  }
0x36: {  	v3 =	vor.u32 v3, v4  }
0x37: {  	v4 =	vperm.xlane v3, v0;
	_ =	sdelay $0x1  }
0x38: {  	v4 =	vadd.s32 v1, v4;
	_ =	sdelay $0x1  }
0x39: {  	v3 =	vperm.xlane v3, v2;
	_ =	sdelay $0x1  }
0x3a: {  	v3 =	vadd.s32 v1, v3  }
0x3b: {  	[tilespmem:s19], [sflag:$0x1] =	stream.indirect_vreg.gather [hbm4b:s1+s3], $0x80, v4, vm0, $0xb8;
	[tilespmem:$0x8100] =	vst v63  }
0x3c: {  	_ = 	snop  }
0x3d: {  	[tilespmem:s20], [sflag:$0x1] =	stream.indirect_vreg.gather [hbm4b:s5+s3], $0x80, v4, vm0, $0xb8;
	[tilespmem:$0x8100] =	vst v63  }
0x3e: {  	_ = 	snop  }
0x3f: {  	[tilespmem:s21], [sflag:$0x1] =	stream.indirect_vreg.gather [hbm4b:s1+s3], $0x80, v3, vm0, $0xb8;
	[tilespmem:$0x8100] =	vst v63  }
0x40: {  	_ = 	snop  }
0x41: {  	[tilespmem:s22], [sflag:$0x1] =	stream.indirect_vreg.gather [hbm4b:s5+s3], $0x80, v3, vm0, $0xb8;
	[tilespmem:$0x8100] =	vst v63  }
0x42: {  	v3 =	vld [tilespmem:$0x20];
	_ =	sdelay $0x4  }
0x43: {  	v58 =	vshll.u32 v3, $0x2  }
0x44: {  	v3 =	vand.u32 $0x7, v3;
	v4 =	vand.u32 $0xFFFFFFE0, v58  }
0x45: {  	v3 =	vor.u32 v3, v4  }
0x46: {  	v4 =	vperm.xlane v3, v0;
	_ =	sdelay $0x1  }
0x47: {  	v4 =	vadd.s32 v1, v4;
	_ =	sdelay $0x1  }
0x48: {  	v3 =	vperm.xlane v3, v2;
	_ =	sdelay $0x1  }
0x49: {  	v3 =	vadd.s32 v1, v3  }
0x4a: {  	[tilespmem:s23], [sflag:$0x1] =	stream.indirect_vreg.gather [hbm4b:s1+s3], $0x80, v4, vm0, $0xb8;
	[tilespmem:$0x8100] =	vst v63  }
0x4b: {  	_ = 	snop  }
0x4c: {  	[tilespmem:s24], [sflag:$0x1] =	stream.indirect_vreg.gather [hbm4b:s5+s3], $0x80, v4, vm0, $0xb8;
	[tilespmem:$0x8100] =	vst v63  }
0x4d: {  	_ = 	snop  }
0x4e: {  	[tilespmem:s25], [sflag:$0x1] =	stream.indirect_vreg.gather [hbm4b:s1+s3], $0x80, v3, vm0, $0xb8;
	[tilespmem:$0x8100] =	vst v63  }
0x4f: {  	_ = 	snop  }
0x50: {  	[tilespmem:s26], [sflag:$0x1] =	stream.indirect_vreg.gather [hbm4b:s5+s3], $0x80, v3, vm0, $0xb8;
	[tilespmem:$0x8100] =	vst v63  }
0x51: {  	v3 =	vld [tilespmem:$0x30];
	_ =	sdelay $0x4  }
0x52: {  	v59 =	vshll.u32 v3, $0x2  }
0x53: {  	v3 =	vand.u32 $0x7, v3;
	v4 =	vand.u32 $0xFFFFFFE0, v59  }
0x54: {  	v3 =	vor.u32 v3, v4  }
0x55: {  	v4 =	vperm.xlane v3, v0;
	_ =	sdelay $0x1  }
0x56: {  	v4 =	vadd.s32 v1, v4;
	_ =	sdelay $0x1  }
0x57: {  	v3 =	vperm.xlane v3, v2;
	_ =	sdelay $0x1  }
0x58: {  	v3 =	vadd.s32 v1, v3  }
0x59: {  	[tilespmem:s28], [sflag:$0x1] =	stream.indirect_vreg.gather [hbm4b:s1+s3], $0x80, v4, vm0, $0xb8;
	[tilespmem:$0x8100] =	vst v63  }
0x5a: {  	_ = 	snop  }
0x5b: {  	[tilespmem:s29], [sflag:$0x1] =	stream.indirect_vreg.gather [hbm4b:s5+s3], $0x80, v4, vm0, $0xb8;
	[tilespmem:$0x8100] =	vst v63  }
0x5c: {  	_ = 	snop  }
0x5d: {  	[tilespmem:s30], [sflag:$0x1] =	stream.indirect_vreg.gather [hbm4b:s1+s3], $0x80, v3, vm0, $0xb8;
	[tilespmem:$0x8100] =	vst v63  }
0x5e: {  	_ = 	snop  }
0x5f: {  	[tilespmem:s31], [sflag:$0x1] =	stream.indirect_vreg.gather [hbm4b:s5+s3], $0x80, v3, vm0, $0xb8;
	[tilespmem:$0x8100] =	vst v63  }
0x60: {  	_ =	swait.ge [sflag:s0], $0x8000  }
0x61: {  	[sflag:s0] =	ssyncset.done $0x0  }
0x62: {  	[sflag:s0] =	ssyncadd.s32 $0xFFFF8000  }
0x63: {  	v3 =	vld [tilespmem:$0x80];
	_ =	sdelay $0x4  }
0x64: {  	v60 =	vshll.u32 v3, $0x2  }
0x65: {  	v3 =	vand.u32 $0x7, v3;
	v4 =	vand.u32 $0xFFFFFFE0, v60  }
0x66: {  	v3 =	vor.u32 v3, v4  }
0x67: {  	v4 =	vperm.xlane v3, v0;
	_ =	sdelay $0x1  }
0x68: {  	v4 =	vadd.s32 v1, v4;
	_ =	sdelay $0x1  }
0x69: {  	v3 =	vperm.xlane v3, v2;
	_ =	sdelay $0x1  }
0x6a: {  	v3 =	vadd.s32 v1, v3  }
0x6b: {  	[hbm4b:s4+s3] =	stream.indirect_vreg.scatter [tilespmem:s15], [sflag:$0x1], $0x80, v4, vm0, $0xb8;
	[tilespmem:$0x8100] =	vst v63  }
0x6c: {  	_ = 	snop  }
0x6d: {  	[hbm4b:s6+s3] =	stream.indirect_vreg.scatter [tilespmem:s16], [sflag:$0x1], $0x80, v4, vm0, $0xb8;
	[tilespmem:$0x8100] =	vst v63  }
0x6e: {  	_ = 	snop  }
0x6f: {  	[hbm4b:s4+s3] =	stream.indirect_vreg.scatter [tilespmem:s17], [sflag:$0x1], $0x80, v3, vm0, $0xb8;
	[tilespmem:$0x8100] =	vst v63  }
0x70: {  	_ = 	snop  }
0x71: {  	[hbm4b:s6+s3] =	stream.indirect_vreg.scatter [tilespmem:s18], [sflag:$0x1], $0x80, v3, vm0, $0xb8;
	[tilespmem:$0x8100] =	vst v63  }
0x72: {  	v3 =	vld [tilespmem:$0x90];
	_ =	sdelay $0x4  }
0x73: {  	v61 =	vshll.u32 v3, $0x2  }
0x74: {  	v3 =	vand.u32 $0x7, v3;
	v4 =	vand.u32 $0xFFFFFFE0, v61  }
0x75: {  	v3 =	vor.u32 v3, v4  }
0x76: {  	v4 =	vperm.xlane v3, v0;
	_ =	sdelay $0x1  }
0x77: {  	v4 =	vadd.s32 v1, v4;
	_ =	sdelay $0x1  }
0x78: {  	v3 =	vperm.xlane v3, v2;
	_ =	sdelay $0x1  }
0x79: {  	v3 =	vadd.s32 v1, v3  }
0x7a: {  	[hbm4b:s4+s3] =	stream.indirect_vreg.scatter [tilespmem:s19], [sflag:$0x1], $0x80, v4, vm0, $0xb8;
	[tilespmem:$0x8100] =	vst v63  }
0x7b: {  	_ = 	snop  }
0x7c: {  	[hbm4b:s6+s3] =	stream.indirect_vreg.scatter [tilespmem:s20], [sflag:$0x1], $0x80, v4, vm0, $0xb8;
	[tilespmem:$0x8100] =	vst v63  }
0x7d: {  	_ = 	snop  }
0x7e: {  	[hbm4b:s4+s3] =	stream.indirect_vreg.scatter [tilespmem:s21], [sflag:$0x1], $0x80, v3, vm0, $0xb8;
	[tilespmem:$0x8100] =	vst v63  }
0x7f: {  	_ = 	snop  }
0x80: {  	[hbm4b:s6+s3] =	stream.indirect_vreg.scatter [tilespmem:s22], [sflag:$0x1], $0x80, v3, vm0, $0xb8;
	[tilespmem:$0x8100] =	vst v63  }
0x81: {  	v3 =	vld [tilespmem:$0xA0];
	_ =	sdelay $0x4  }
0x82: {  	v62 =	vshll.u32 v3, $0x2  }
0x83: {  	v3 =	vand.u32 $0x7, v3;
	v4 =	vand.u32 $0xFFFFFFE0, v62  }
0x84: {  	v3 =	vor.u32 v3, v4  }
0x85: {  	v4 =	vperm.xlane v3, v0;
	_ =	sdelay $0x1  }
0x86: {  	v4 =	vadd.s32 v1, v4;
	_ =	sdelay $0x1  }
0x87: {  	v3 =	vperm.xlane v3, v2;
	_ =	sdelay $0x1  }
0x88: {  	v3 =	vadd.s32 v1, v3  }
0x89: {  	[hbm4b:s4+s3] =	stream.indirect_vreg.scatter [tilespmem:s23], [sflag:$0x1], $0x80, v4, vm0, $0xb8;
	[tilespmem:$0x8100] =	vst v63  }
0x8a: {  	_ = 	snop  }
0x8b: {  	[hbm4b:s6+s3] =	stream.indirect_vreg.scatter [tilespmem:s24], [sflag:$0x1], $0x80, v4, vm0, $0xb8;
	[tilespmem:$0x8100] =	vst v63  }
0x8c: {  	_ = 	snop  }
0x8d: {  	[hbm4b:s4+s3] =	stream.indirect_vreg.scatter [tilespmem:s25], [sflag:$0x1], $0x80, v3, vm0, $0xb8;
	[tilespmem:$0x8100] =	vst v63  }
0x8e: {  	_ = 	snop  }
0x8f: {  	[hbm4b:s6+s3] =	stream.indirect_vreg.scatter [tilespmem:s26], [sflag:$0x1], $0x80, v3, vm0, $0xb8;
	[tilespmem:$0x8100] =	vst v63  }
0x90: {  	v3 =	vld [tilespmem:$0xB0];
	_ =	sdelay $0x4  }
0x91: {  	v63 =	vshll.u32 v3, $0x2  }
0x92: {  	v3 =	vand.u32 $0x7, v3;
	v4 =	vand.u32 $0xFFFFFFE0, v63  }
0x93: {  	v3 =	vor.u32 v3, v4  }
0x94: {  	v4 =	vperm.xlane v3, v0;
	_ =	sdelay $0x1  }
0x95: {  	v4 =	vadd.s32 v1, v4;
	_ =	sdelay $0x1  }
0x96: {  	v3 =	vperm.xlane v3, v2;
	_ =	sdelay $0x1  }
0x97: {  	v3 =	vadd.s32 v1, v3  }
0x98: {  	[hbm4b:s4+s3] =	stream.indirect_vreg.scatter [tilespmem:s28], [sflag:$0x1], $0x80, v4, vm0, $0xb8;
	[tilespmem:$0x8100] =	vst v63  }
0x99: {  	_ = 	snop  }
0x9a: {  	[hbm4b:s6+s3] =	stream.indirect_vreg.scatter [tilespmem:s29], [sflag:$0x1], $0x80, v4, vm0, $0xb8;
	[tilespmem:$0x8100] =	vst v63  }
0x9b: {  	_ = 	snop  }
0x9c: {  	[hbm4b:s4+s3] =	stream.indirect_vreg.scatter [tilespmem:s30], [sflag:$0x1], $0x80, v3, vm0, $0xb8;
	[tilespmem:$0x8100] =	vst v63  }
0x9d: {  	_ = 	snop  }
0x9e: {  	[hbm4b:s6+s3] =	stream.indirect_vreg.scatter [tilespmem:s31], [sflag:$0x1], $0x80, v3, vm0, $0xb8;
	[tilespmem:$0x8100] =	vst v63  }
0x9f: {  	_ =	swait.ge [sflag:s0], $0x8000  }
0xa0: {  	[sflag:s0] =	ssyncset.done $0x0  }
0xa1: {  	s2 =	rddreg [dreg:$0x6];
	[sflag:s0] =	ssyncadd.s32 $0xFFFF8000  }
0xa2: {  	[tilespmem:s3], [sflag:$0x2] =	stream.linear.gather [hbm4b:s2+s3], $0x40, $0x38;
	[tilespmem:$0x8100] =	vst v63  }
0xa3: {  	_ =	swait.ge [sflag:s13], $0x40  }
0xa4: {  	[sflag:s13] =	ssyncset.done $0x0  }
0xa5: {  	s2 =	rddreg [dreg:$0x7];
	[sflag:s13] =	ssyncadd.s32 $0xFFFFFFC0  }
0xa6: {  	[tilespmem:s14], [sflag:$0x2] =	stream.linear.gather [hbm4b:s2+s3], $0x40, $0x38;
	[tilespmem:$0x8100] =	vst v63  }
0xa7: {  	_ =	swait.ge [sflag:s13], $0x40  }
0xa8: {  	[sflag:s13] =	ssyncset.done $0x0  }
0xa9: {  	[sflag:s13] =	ssyncadd.s32 $0xFFFFFFC0  }
0xaa: {  	v3 =	vld [tilespmem:$0x0];
	_ =	sdelay $0x4  }
0xab: {  	v8 =	vshll.u32 v3, $0x2  }
0xac: {  	v3 =	vand.u32 $0x7, v3;
	v4 =	vand.u32 $0xFFFFFFE0, v8  }
0xad: {  	v3 =	vor.u32 v3, v4  }
0xae: {  	v4 =	vperm.xlane v3, v0;
	_ =	sdelay $0x1  }
0xaf: {  	v4 =	vadd.s32 v1, v4;
	_ =	sdelay $0x1  }
0xb0: {  	v3 =	vperm.xlane v3, v2;
	_ =	sdelay $0x1  }
0xb1: {  	v3 =	vadd.s32 v1, v3  }
0xb2: {  	[tilespmem:s15], [sflag:$0x1] =	stream.indirect_vreg.gather [hbm4b:s1+s3], $0x80, v4, vm0, $0xb8;
	[tilespmem:$0x8100] =	vst v63  }
0xb3: {  	_ = 	snop  }
0xb4: {  	[tilespmem:s16], [sflag:$0x1] =	stream.indirect_vreg.gather [hbm4b:s5+s3], $0x80, v4, vm0, $0xb8;
	[tilespmem:$0x8100] =	vst v63  }
0xb5: {  	_ = 	snop  }
0xb6: {  	[tilespmem:s17], [sflag:$0x1] =	stream.indirect_vreg.gather [hbm4b:s1+s3], $0x80, v3, vm0, $0xb8;
	[tilespmem:$0x8100] =	vst v63  }
0xb7: {  	_ = 	snop  }
0xb8: {  	[tilespmem:s18], [sflag:$0x1] =	stream.indirect_vreg.gather [hbm4b:s5+s3], $0x80, v3, vm0, $0xb8;
	[tilespmem:$0x8100] =	vst v63  }
0xb9: {  	v3 =	vld [tilespmem:$0x10];
	_ =	sdelay $0x4  }
0xba: {  	v9 =	vshll.u32 v3, $0x2  }
0xbb: {  	v3 =	vand.u32 $0x7, v3;
	v4 =	vand.u32 $0xFFFFFFE0, v9  }
0xbc: {  	v3 =	vor.u32 v3, v4  }
0xbd: {  	v4 =	vperm.xlane v3, v0;
	_ =	sdelay $0x1  }
0xbe: {  	v4 =	vadd.s32 v1, v4;
	_ =	sdelay $0x1  }
0xbf: {  	v3 =	vperm.xlane v3, v2;
	_ =	sdelay $0x1  }
0xc0: {  	v3 =	vadd.s32 v1, v3  }
0xc1: {  	[tilespmem:s19], [sflag:$0x1] =	stream.indirect_vreg.gather [hbm4b:s1+s3], $0x80, v4, vm0, $0xb8;
	[tilespmem:$0x8100] =	vst v63  }
0xc2: {  	_ = 	snop  }
0xc3: {  	[tilespmem:s20], [sflag:$0x1] =	stream.indirect_vreg.gather [hbm4b:s5+s3], $0x80, v4, vm0, $0xb8;
	[tilespmem:$0x8100] =	vst v63  }
0xc4: {  	_ = 	snop  }
0xc5: {  	[tilespmem:s21], [sflag:$0x1] =	stream.indirect_vreg.gather [hbm4b:s1+s3], $0x80, v3, vm0, $0xb8;
	[tilespmem:$0x8100] =	vst v63  }
0xc6: {  	_ = 	snop  }
0xc7: {  	[tilespmem:s22], [sflag:$0x1] =	stream.indirect_vreg.gather [hbm4b:s5+s3], $0x80, v3, vm0, $0xb8;
	[tilespmem:$0x8100] =	vst v63  }
0xc8: {  	v3 =	vld [tilespmem:$0x20];
	_ =	sdelay $0x4  }
0xc9: {  	v10 =	vshll.u32 v3, $0x2  }
0xca: {  	v3 =	vand.u32 $0x7, v3;
	v4 =	vand.u32 $0xFFFFFFE0, v10  }
0xcb: {  	v3 =	vor.u32 v3, v4  }
0xcc: {  	v4 =	vperm.xlane v3, v0;
	_ =	sdelay $0x1  }
0xcd: {  	v4 =	vadd.s32 v1, v4;
	_ =	sdelay $0x1  }
0xce: {  	v3 =	vperm.xlane v3, v2;
	_ =	sdelay $0x1  }
0xcf: {  	v3 =	vadd.s32 v1, v3  }
0xd0: {  	[tilespmem:s23], [sflag:$0x1] =	stream.indirect_vreg.gather [hbm4b:s1+s3], $0x80, v4, vm0, $0xb8;
	[tilespmem:$0x8100] =	vst v63  }
0xd1: {  	_ = 	snop  }
0xd2: {  	[tilespmem:s24], [sflag:$0x1] =	stream.indirect_vreg.gather [hbm4b:s5+s3], $0x80, v4, vm0, $0xb8;
	[tilespmem:$0x8100] =	vst v63  }
0xd3: {  	_ = 	snop  }
0xd4: {  	[tilespmem:s25], [sflag:$0x1] =	stream.indirect_vreg.gather [hbm4b:s1+s3], $0x80, v3, vm0, $0xb8;
	[tilespmem:$0x8100] =	vst v63  }
0xd5: {  	_ = 	snop  }
0xd6: {  	[tilespmem:s26], [sflag:$0x1] =	stream.indirect_vreg.gather [hbm4b:s5+s3], $0x80, v3, vm0, $0xb8;
	[tilespmem:$0x8100] =	vst v63  }
0xd7: {  	v3 =	vld [tilespmem:$0x30];
	_ =	sdelay $0x4  }
0xd8: {  	v11 =	vshll.u32 v3, $0x2  }
0xd9: {  	v3 =	vand.u32 $0x7, v3;
	v4 =	vand.u32 $0xFFFFFFE0, v11  }
0xda: {  	v3 =	vor.u32 v3, v4  }
0xdb: {  	v4 =	vperm.xlane v3, v0;
	_ =	sdelay $0x1  }
0xdc: {  	v4 =	vadd.s32 v1, v4;
	_ =	sdelay $0x1  }
0xdd: {  	v3 =	vperm.xlane v3, v2;
	_ =	sdelay $0x1  }
0xde: {  	v3 =	vadd.s32 v1, v3  }
0xdf: {  	[tilespmem:s28], [sflag:$0x1] =	stream.indirect_vreg.gather [hbm4b:s1+s3], $0x80, v4, vm0, $0xb8;
	[tilespmem:$0x8100] =	vst v63  }
0xe0: {  	_ = 	snop  }
0xe1: {  	[tilespmem:s29], [sflag:$0x1] =	stream.indirect_vreg.gather [hbm4b:s5+s3], $0x80, v4, vm0, $0xb8;
	[tilespmem:$0x8100] =	vst v63  }
0xe2: {  	_ = 	snop  }
0xe3: {  	[tilespmem:s30], [sflag:$0x1] =	stream.indirect_vreg.gather [hbm4b:s1+s3], $0x80, v3, vm0, $0xb8;
	[tilespmem:$0x8100] =	vst v63  }
0xe4: {  	_ = 	snop  }
0xe5: {  	[tilespmem:s31], [sflag:$0x1] =	stream.indirect_vreg.gather [hbm4b:s5+s3], $0x80, v3, vm0, $0xb8;
	[tilespmem:$0x8100] =	vst v63  }
0xe6: {  	_ =	swait.ge [sflag:s0], $0x8000  }
0xe7: {  	[sflag:s0] =	ssyncset.done $0x0  }
0xe8: {  	[sflag:s0] =	ssyncadd.s32 $0xFFFF8000  }
0xe9: {  	v3 =	vld [tilespmem:$0x80];
	_ =	sdelay $0x4  }
0xea: {  	v12 =	vshll.u32 v3, $0x2  }
0xeb: {  	v3 =	vand.u32 $0x7, v3;
	v4 =	vand.u32 $0xFFFFFFE0, v12  }
0xec: {  	v3 =	vor.u32 v3, v4  }
0xed: {  	v4 =	vperm.xlane v3, v0;
	_ =	sdelay $0x1  }
0xee: {  	v4 =	vadd.s32 v1, v4;
	_ =	sdelay $0x1  }
0xef: {  	v3 =	vperm.xlane v3, v2;
	_ =	sdelay $0x1  }
0xf0: {  	v3 =	vadd.s32 v1, v3  }
0xf1: {  	[hbm4b:s4+s3] =	stream.indirect_vreg.scatter [tilespmem:s15], [sflag:$0x1], $0x80, v4, vm0, $0xb8;
	[tilespmem:$0x8100] =	vst v63  }
0xf2: {  	_ = 	snop  }
0xf3: {  	[hbm4b:s6+s3] =	stream.indirect_vreg.scatter [tilespmem:s16], [sflag:$0x1], $0x80, v4, vm0, $0xb8;
	[tilespmem:$0x8100] =	vst v63  }
0xf4: {  	_ = 	snop  }
0xf5: {  	[hbm4b:s4+s3] =	stream.indirect_vreg.scatter [tilespmem:s17], [sflag:$0x1], $0x80, v3, vm0, $0xb8;
	[tilespmem:$0x8100] =	vst v63  }
0xf6: {  	_ = 	snop  }
0xf7: {  	[hbm4b:s6+s3] =	stream.indirect_vreg.scatter [tilespmem:s18], [sflag:$0x1], $0x80, v3, vm0, $0xb8;
	[tilespmem:$0x8100] =	vst v63  }
0xf8: {  	v3 =	vld [tilespmem:$0x90];
	_ =	sdelay $0x4  }
0xf9: {  	v13 =	vshll.u32 v3, $0x2  }
0xfa: {  	v3 =	vand.u32 $0x7, v3;
	v4 =	vand.u32 $0xFFFFFFE0, v13  }
0xfb: {  	v3 =	vor.u32 v3, v4  }
0xfc: {  	v4 =	vperm.xlane v3, v0;
	_ =	sdelay $0x1  }
0xfd: {  	v4 =	vadd.s32 v1, v4;
	_ =	sdelay $0x1  }
0xfe: {  	v3 =	vperm.xlane v3, v2;
	_ =	sdelay $0x1  }
0xff: {  	v3 =	vadd.s32 v1, v3  }
0x100: {  	[hbm4b:s4+s3] =	stream.indirect_vreg.scatter [tilespmem:s19], [sflag:$0x1], $0x80, v4, vm0, $0xb8;
	[tilespmem:$0x8100] =	vst v63  }
0x101: {  	_ = 	snop  }
0x102: {  	[hbm4b:s6+s3] =	stream.indirect_vreg.scatter [tilespmem:s20], [sflag:$0x1], $0x80, v4, vm0, $0xb8;
	[tilespmem:$0x8100] =	vst v63  }
0x103: {  	_ = 	snop  }
0x104: {  	[hbm4b:s4+s3] =	stream.indirect_vreg.scatter [tilespmem:s21], [sflag:$0x1], $0x80, v3, vm0, $0xb8;
	[tilespmem:$0x8100] =	vst v63  }
0x105: {  	_ = 	snop  }
0x106: {  	[hbm4b:s6+s3] =	stream.indirect_vreg.scatter [tilespmem:s22], [sflag:$0x1], $0x80, v3, vm0, $0xb8;
	[tilespmem:$0x8100] =	vst v63  }
0x107: {  	v3 =	vld [tilespmem:$0xA0];
	_ =	sdelay $0x4  }
0x108: {  	v14 =	vshll.u32 v3, $0x2  }
0x109: {  	v3 =	vand.u32 $0x7, v3;
	v4 =	vand.u32 $0xFFFFFFE0, v14  }
0x10a: {  	v3 =	vor.u32 v3, v4  }
0x10b: {  	v4 =	vperm.xlane v3, v0;
	_ =	sdelay $0x1  }
0x10c: {  	v4 =	vadd.s32 v1, v4;
	_ =	sdelay $0x1  }
0x10d: {  	v3 =	vperm.xlane v3, v2;
	_ =	sdelay $0x1  }
0x10e: {  	v3 =	vadd.s32 v1, v3  }
0x10f: {  	[hbm4b:s4+s3] =	stream.indirect_vreg.scatter [tilespmem:s23], [sflag:$0x1], $0x80, v4, vm0, $0xb8;
	[tilespmem:$0x8100] =	vst v63  }
0x110: {  	_ = 	snop  }
0x111: {  	[hbm4b:s6+s3] =	stream.indirect_vreg.scatter [tilespmem:s24], [sflag:$0x1], $0x80, v4, vm0, $0xb8;
	[tilespmem:$0x8100] =	vst v63  }
0x112: {  	_ = 	snop  }
0x113: {  	[hbm4b:s4+s3] =	stream.indirect_vreg.scatter [tilespmem:s25], [sflag:$0x1], $0x80, v3, vm0, $0xb8;
	[tilespmem:$0x8100] =	vst v63  }
0x114: {  	_ = 	snop  }
0x115: {  	[hbm4b:s6+s3] =	stream.indirect_vreg.scatter [tilespmem:s26], [sflag:$0x1], $0x80, v3, vm0, $0xb8;
	[tilespmem:$0x8100] =	vst v63  }
0x116: {  	v3 =	vld [tilespmem:$0xB0];
	_ =	sdelay $0x4  }
0x117: {  	v15 =	vshll.u32 v3, $0x2  }
0x118: {  	v3 =	vand.u32 $0x7, v3;
	v4 =	vand.u32 $0xFFFFFFE0, v15  }
0x119: {  	v3 =	vor.u32 v3, v4  }
0x11a: {  	v4 =	vperm.xlane v3, v0;
	_ =	sdelay $0x1  }
0x11b: {  	v4 =	vadd.s32 v1, v4;
	_ =	sdelay $0x1  }
0x11c: {  	v3 =	vperm.xlane v3, v2;
	_ =	sdelay $0x1  }
0x11d: {  	v3 =	vadd.s32 v1, v3  }
0x11e: {  	[hbm4b:s4+s3] =	stream.indirect_vreg.scatter [tilespmem:s28], [sflag:$0x1], $0x80, v4, vm0, $0xb8;
	[tilespmem:$0x8100] =	vst v63  }
0x11f: {  	_ = 	snop  }
0x120: {  	[hbm4b:s6+s3] =	stream.indirect_vreg.scatter [tilespmem:s29], [sflag:$0x1], $0x80, v4, vm0, $0xb8;
	[tilespmem:$0x8100] =	vst v63  }
0x121: {  	_ = 	snop  }
0x122: {  	[hbm4b:s4+s3] =	stream.indirect_vreg.scatter [tilespmem:s30], [sflag:$0x1], $0x80, v3, vm0, $0xb8;
	[tilespmem:$0x8100] =	vst v63  }
0x123: {  	_ = 	snop  }
0x124: {  	[hbm4b:s6+s3] =	stream.indirect_vreg.scatter [tilespmem:s31], [sflag:$0x1], $0x80, v3, vm0, $0xb8;
	[tilespmem:$0x8100] =	vst v63  }
0x125: {  	_ =	swait.ge [sflag:s0], $0x8000  }
0x126: {  	[sflag:s0] =	ssyncset.done $0x0  }
0x127: {  	s2 =	rddreg [dreg:$0x8];
	[sflag:s0] =	ssyncadd.s32 $0xFFFF8000  }
0x128: {  	[tilespmem:s3], [sflag:$0x2] =	stream.linear.gather [hbm4b:s2+s3], $0x40, $0x38;
	[tilespmem:$0x8100] =	vst v63  }
0x129: {  	_ =	swait.ge [sflag:s13], $0x40  }
0x12a: {  	[sflag:s13] =	ssyncset.done $0x0  }
0x12b: {  	s2 =	rddreg [dreg:$0x9];
	[sflag:s13] =	ssyncadd.s32 $0xFFFFFFC0  }
0x12c: {  	[tilespmem:s14], [sflag:$0x2] =	stream.linear.gather [hbm4b:s2+s3], $0x40, $0x38;
	[tilespmem:$0x8100] =	vst v63  }
0x12d: {  	_ =	swait.ge [sflag:s13], $0x40  }
0x12e: {  	[sflag:s13] =	ssyncset.done $0x0  }
0x12f: {  	[sflag:s13] =	ssyncadd.s32 $0xFFFFFFC0  }
0x130: {  	v3 =	vld [tilespmem:$0x0];
	_ =	sdelay $0x4  }
0x131: {  	v16 =	vshll.u32 v3, $0x2  }
0x132: {  	v3 =	vand.u32 $0x7, v3;
	v4 =	vand.u32 $0xFFFFFFE0, v16  }
0x133: {  	v3 =	vor.u32 v3, v4  }
0x134: {  	v4 =	vperm.xlane v3, v0;
	_ =	sdelay $0x1  }
0x135: {  	v4 =	vadd.s32 v1, v4;
	_ =	sdelay $0x1  }
0x136: {  	v3 =	vperm.xlane v3, v2;
	_ =	sdelay $0x1  }
0x137: {  	v3 =	vadd.s32 v1, v3  }
0x138: {  	[tilespmem:s15], [sflag:$0x1] =	stream.indirect_vreg.gather [hbm4b:s1+s3], $0x80, v4, vm0, $0xb8;
	[tilespmem:$0x8100] =	vst v63  }
0x139: {  	_ = 	snop  }
0x13a: {  	[tilespmem:s16], [sflag:$0x1] =	stream.indirect_vreg.gather [hbm4b:s5+s3], $0x80, v4, vm0, $0xb8;
	[tilespmem:$0x8100] =	vst v63  }
0x13b: {  	_ = 	snop  }
0x13c: {  	[tilespmem:s17], [sflag:$0x1] =	stream.indirect_vreg.gather [hbm4b:s1+s3], $0x80, v3, vm0, $0xb8;
	[tilespmem:$0x8100] =	vst v63  }
0x13d: {  	_ = 	snop  }
0x13e: {  	[tilespmem:s18], [sflag:$0x1] =	stream.indirect_vreg.gather [hbm4b:s5+s3], $0x80, v3, vm0, $0xb8;
	[tilespmem:$0x8100] =	vst v63  }
0x13f: {  	v3 =	vld [tilespmem:$0x10];
	_ =	sdelay $0x4  }
0x140: {  	v17 =	vshll.u32 v3, $0x2  }
0x141: {  	v3 =	vand.u32 $0x7, v3;
	v4 =	vand.u32 $0xFFFFFFE0, v17  }
0x142: {  	v3 =	vor.u32 v3, v4  }
0x143: {  	v4 =	vperm.xlane v3, v0;
	_ =	sdelay $0x1  }
0x144: {  	v4 =	vadd.s32 v1, v4;
	_ =	sdelay $0x1  }
0x145: {  	v3 =	vperm.xlane v3, v2;
	_ =	sdelay $0x1  }
0x146: {  	v3 =	vadd.s32 v1, v3  }
0x147: {  	[tilespmem:s19], [sflag:$0x1] =	stream.indirect_vreg.gather [hbm4b:s1+s3], $0x80, v4, vm0, $0xb8;
	[tilespmem:$0x8100] =	vst v63  }
0x148: {  	_ = 	snop  }
0x149: {  	[tilespmem:s20], [sflag:$0x1] =	stream.indirect_vreg.gather [hbm4b:s5+s3], $0x80, v4, vm0, $0xb8;
	[tilespmem:$0x8100] =	vst v63  }
0x14a: {  	_ = 	snop  }
0x14b: {  	[tilespmem:s21], [sflag:$0x1] =	stream.indirect_vreg.gather [hbm4b:s1+s3], $0x80, v3, vm0, $0xb8;
	[tilespmem:$0x8100] =	vst v63  }
0x14c: {  	_ = 	snop  }
0x14d: {  	[tilespmem:s22], [sflag:$0x1] =	stream.indirect_vreg.gather [hbm4b:s5+s3], $0x80, v3, vm0, $0xb8;
	[tilespmem:$0x8100] =	vst v63  }
0x14e: {  	v3 =	vld [tilespmem:$0x20];
	_ =	sdelay $0x4  }
0x14f: {  	v18 =	vshll.u32 v3, $0x2  }
0x150: {  	v3 =	vand.u32 $0x7, v3;
	v4 =	vand.u32 $0xFFFFFFE0, v18  }
0x151: {  	v3 =	vor.u32 v3, v4  }
0x152: {  	v4 =	vperm.xlane v3, v0;
	_ =	sdelay $0x1  }
0x153: {  	v4 =	vadd.s32 v1, v4;
	_ =	sdelay $0x1  }
0x154: {  	v3 =	vperm.xlane v3, v2;
	_ =	sdelay $0x1  }
0x155: {  	v3 =	vadd.s32 v1, v3  }
0x156: {  	[tilespmem:s23], [sflag:$0x1] =	stream.indirect_vreg.gather [hbm4b:s1+s3], $0x80, v4, vm0, $0xb8;
	[tilespmem:$0x8100] =	vst v63  }
0x157: {  	_ = 	snop  }
0x158: {  	[tilespmem:s24], [sflag:$0x1] =	stream.indirect_vreg.gather [hbm4b:s5+s3], $0x80, v4, vm0, $0xb8;
	[tilespmem:$0x8100] =	vst v63  }
0x159: {  	_ = 	snop  }
0x15a: {  	[tilespmem:s25], [sflag:$0x1] =	stream.indirect_vreg.gather [hbm4b:s1+s3], $0x80, v3, vm0, $0xb8;
	[tilespmem:$0x8100] =	vst v63  }
0x15b: {  	_ = 	snop  }
0x15c: {  	[tilespmem:s26], [sflag:$0x1] =	stream.indirect_vreg.gather [hbm4b:s5+s3], $0x80, v3, vm0, $0xb8;
	[tilespmem:$0x8100] =	vst v63  }
0x15d: {  	v3 =	vld [tilespmem:$0x30];
	_ =	sdelay $0x4  }
0x15e: {  	v19 =	vshll.u32 v3, $0x2  }
0x15f: {  	v3 =	vand.u32 $0x7, v3;
	v4 =	vand.u32 $0xFFFFFFE0, v19  }
0x160: {  	v3 =	vor.u32 v3, v4  }
0x161: {  	v4 =	vperm.xlane v3, v0;
	_ =	sdelay $0x1  }
0x162: {  	v4 =	vadd.s32 v1, v4;
	_ =	sdelay $0x1  }
0x163: {  	v3 =	vperm.xlane v3, v2;
	_ =	sdelay $0x1  }
0x164: {  	v3 =	vadd.s32 v1, v3  }
0x165: {  	[tilespmem:s28], [sflag:$0x1] =	stream.indirect_vreg.gather [hbm4b:s1+s3], $0x80, v4, vm0, $0xb8;
	[tilespmem:$0x8100] =	vst v63  }
0x166: {  	_ = 	snop  }
0x167: {  	[tilespmem:s29], [sflag:$0x1] =	stream.indirect_vreg.gather [hbm4b:s5+s3], $0x80, v4, vm0, $0xb8;
	[tilespmem:$0x8100] =	vst v63  }
0x168: {  	_ = 	snop  }
0x169: {  	[tilespmem:s30], [sflag:$0x1] =	stream.indirect_vreg.gather [hbm4b:s1+s3], $0x80, v3, vm0, $0xb8;
	[tilespmem:$0x8100] =	vst v63  }
0x16a: {  	_ = 	snop  }
0x16b: {  	[tilespmem:s31], [sflag:$0x1] =	stream.indirect_vreg.gather [hbm4b:s5+s3], $0x80, v3, vm0, $0xb8;
	[tilespmem:$0x8100] =	vst v63  }
0x16c: {  	_ =	swait.ge [sflag:s0], $0x8000  }
0x16d: {  	[sflag:s0] =	ssyncset.done $0x0  }
0x16e: {  	[sflag:s0] =	ssyncadd.s32 $0xFFFF8000  }
0x16f: {  	v3 =	vld [tilespmem:$0x80];
	_ =	sdelay $0x4  }
0x170: {  	v20 =	vshll.u32 v3, $0x2  }
0x171: {  	v3 =	vand.u32 $0x7, v3;
	v4 =	vand.u32 $0xFFFFFFE0, v20  }
0x172: {  	v3 =	vor.u32 v3, v4  }
0x173: {  	v4 =	vperm.xlane v3, v0;
	_ =	sdelay $0x1  }
0x174: {  	v4 =	vadd.s32 v1, v4;
	_ =	sdelay $0x1  }
0x175: {  	v3 =	vperm.xlane v3, v2;
	_ =	sdelay $0x1  }
0x176: {  	v3 =	vadd.s32 v1, v3  }
0x177: {  	[hbm4b:s4+s3] =	stream.indirect_vreg.scatter [tilespmem:s15], [sflag:$0x1], $0x80, v4, vm0, $0xb8;
	[tilespmem:$0x8100] =	vst v63  }
0x178: {  	_ = 	snop  }
0x179: {  	[hbm4b:s6+s3] =	stream.indirect_vreg.scatter [tilespmem:s16], [sflag:$0x1], $0x80, v4, vm0, $0xb8;
	[tilespmem:$0x8100] =	vst v63  }
0x17a: {  	_ = 	snop  }
0x17b: {  	[hbm4b:s4+s3] =	stream.indirect_vreg.scatter [tilespmem:s17], [sflag:$0x1], $0x80, v3, vm0, $0xb8;
	[tilespmem:$0x8100] =	vst v63  }
0x17c: {  	_ = 	snop  }
0x17d: {  	[hbm4b:s6+s3] =	stream.indirect_vreg.scatter [tilespmem:s18], [sflag:$0x1], $0x80, v3, vm0, $0xb8;
	[tilespmem:$0x8100] =	vst v63  }
0x17e: {  	v3 =	vld [tilespmem:$0x90];
	_ =	sdelay $0x4  }
0x17f: {  	v21 =	vshll.u32 v3, $0x2  }
0x180: {  	v3 =	vand.u32 $0x7, v3;
	v4 =	vand.u32 $0xFFFFFFE0, v21  }
0x181: {  	v3 =	vor.u32 v3, v4  }
0x182: {  	v4 =	vperm.xlane v3, v0;
	_ =	sdelay $0x1  }
0x183: {  	v4 =	vadd.s32 v1, v4;
	_ =	sdelay $0x1  }
0x184: {  	v3 =	vperm.xlane v3, v2;
	_ =	sdelay $0x1  }
0x185: {  	v3 =	vadd.s32 v1, v3  }
0x186: {  	[hbm4b:s4+s3] =	stream.indirect_vreg.scatter [tilespmem:s19], [sflag:$0x1], $0x80, v4, vm0, $0xb8;
	[tilespmem:$0x8100] =	vst v63  }
0x187: {  	_ = 	snop  }
0x188: {  	[hbm4b:s6+s3] =	stream.indirect_vreg.scatter [tilespmem:s20], [sflag:$0x1], $0x80, v4, vm0, $0xb8;
	[tilespmem:$0x8100] =	vst v63  }
0x189: {  	_ = 	snop  }
0x18a: {  	[hbm4b:s4+s3] =	stream.indirect_vreg.scatter [tilespmem:s21], [sflag:$0x1], $0x80, v3, vm0, $0xb8;
	[tilespmem:$0x8100] =	vst v63  }
0x18b: {  	_ = 	snop  }
0x18c: {  	[hbm4b:s6+s3] =	stream.indirect_vreg.scatter [tilespmem:s22], [sflag:$0x1], $0x80, v3, vm0, $0xb8;
	[tilespmem:$0x8100] =	vst v63  }
0x18d: {  	v3 =	vld [tilespmem:$0xA0];
	_ =	sdelay $0x4  }
0x18e: {  	v22 =	vshll.u32 v3, $0x2  }
0x18f: {  	v3 =	vand.u32 $0x7, v3;
	v4 =	vand.u32 $0xFFFFFFE0, v22  }
0x190: {  	v3 =	vor.u32 v3, v4  }
0x191: {  	v4 =	vperm.xlane v3, v0;
	_ =	sdelay $0x1  }
0x192: {  	v4 =	vadd.s32 v1, v4;
	_ =	sdelay $0x1  }
0x193: {  	v3 =	vperm.xlane v3, v2;
	_ =	sdelay $0x1  }
0x194: {  	v3 =	vadd.s32 v1, v3  }
0x195: {  	[hbm4b:s4+s3] =	stream.indirect_vreg.scatter [tilespmem:s23], [sflag:$0x1], $0x80, v4, vm0, $0xb8;
	[tilespmem:$0x8100] =	vst v63  }
0x196: {  	_ = 	snop  }
0x197: {  	[hbm4b:s6+s3] =	stream.indirect_vreg.scatter [tilespmem:s24], [sflag:$0x1], $0x80, v4, vm0, $0xb8;
	[tilespmem:$0x8100] =	vst v63  }
0x198: {  	_ = 	snop  }
0x199: {  	[hbm4b:s4+s3] =	stream.indirect_vreg.scatter [tilespmem:s25], [sflag:$0x1], $0x80, v3, vm0, $0xb8;
	[tilespmem:$0x8100] =	vst v63  }
0x19a: {  	_ = 	snop  }
0x19b: {  	[hbm4b:s6+s3] =	stream.indirect_vreg.scatter [tilespmem:s26], [sflag:$0x1], $0x80, v3, vm0, $0xb8;
	[tilespmem:$0x8100] =	vst v63  }
0x19c: {  	v3 =	vld [tilespmem:$0xB0];
	_ =	sdelay $0x4  }
0x19d: {  	v23 =	vshll.u32 v3, $0x2  }
0x19e: {  	v3 =	vand.u32 $0x7, v3;
	v4 =	vand.u32 $0xFFFFFFE0, v23  }
0x19f: {  	v3 =	vor.u32 v3, v4  }
0x1a0: {  	v4 =	vperm.xlane v3, v0;
	_ =	sdelay $0x1  }
0x1a1: {  	v4 =	vadd.s32 v1, v4;
	_ =	sdelay $0x1  }
0x1a2: {  	v3 =	vperm.xlane v3, v2;
	_ =	sdelay $0x1  }
0x1a3: {  	v3 =	vadd.s32 v1, v3  }
0x1a4: {  	[hbm4b:s4+s3] =	stream.indirect_vreg.scatter [tilespmem:s28], [sflag:$0x1], $0x80, v4, vm0, $0xb8;
	[tilespmem:$0x8100] =	vst v63  }
0x1a5: {  	_ = 	snop  }
0x1a6: {  	[hbm4b:s6+s3] =	stream.indirect_vreg.scatter [tilespmem:s29], [sflag:$0x1], $0x80, v4, vm0, $0xb8;
	[tilespmem:$0x8100] =	vst v63  }
0x1a7: {  	_ = 	snop  }
0x1a8: {  	[hbm4b:s4+s3] =	stream.indirect_vreg.scatter [tilespmem:s30], [sflag:$0x1], $0x80, v3, vm0, $0xb8;
	[tilespmem:$0x8100] =	vst v63  }
0x1a9: {  	_ = 	snop  }
0x1aa: {  	[hbm4b:s6+s3] =	stream.indirect_vreg.scatter [tilespmem:s31], [sflag:$0x1], $0x80, v3, vm0, $0xb8;
	[tilespmem:$0x8100] =	vst v63  }
0x1ab: {  	_ =	swait.ge [sflag:s0], $0x8000  }
0x1ac: {  	[sflag:s0] =	ssyncset.done $0x0  }
0x1ad: {  	s2 =	rddreg [dreg:$0xa];
	[sflag:s0] =	ssyncadd.s32 $0xFFFF8000  }
0x1ae: {  	[tilespmem:s3], [sflag:$0x2] =	stream.linear.gather [hbm4b:s2+s3], $0x40, $0x38;
	[tilespmem:$0x8100] =	vst v63  }
0x1af: {  	_ =	swait.ge [sflag:s13], $0x40  }
0x1b0: {  	[sflag:s13] =	ssyncset.done $0x0  }
0x1b1: {  	s2 =	rddreg [dreg:$0xb];
	[sflag:s13] =	ssyncadd.s32 $0xFFFFFFC0  }
0x1b2: {  	[tilespmem:s14], [sflag:$0x2] =	stream.linear.gather [hbm4b:s2+s3], $0x40, $0x38;
	[tilespmem:$0x8100] =	vst v63  }
0x1b3: {  	_ =	swait.ge [sflag:s13], $0x40  }
0x1b4: {  	[sflag:s13] =	ssyncset.done $0x0  }
0x1b5: {  	[sflag:s13] =	ssyncadd.s32 $0xFFFFFFC0  }
0x1b6: {  	v3 =	vld [tilespmem:$0x0];
	_ =	sdelay $0x4  }
0x1b7: {  	v24 =	vshll.u32 v3, $0x2  }
0x1b8: {  	v3 =	vand.u32 $0x7, v3;
	v4 =	vand.u32 $0xFFFFFFE0, v24  }
0x1b9: {  	v3 =	vor.u32 v3, v4  }
0x1ba: {  	v4 =	vperm.xlane v3, v0;
	_ =	sdelay $0x1  }
0x1bb: {  	v4 =	vadd.s32 v1, v4;
	_ =	sdelay $0x1  }
0x1bc: {  	v3 =	vperm.xlane v3, v2;
	_ =	sdelay $0x1  }
0x1bd: {  	v3 =	vadd.s32 v1, v3  }
0x1be: {  	[tilespmem:s15], [sflag:$0x1] =	stream.indirect_vreg.gather [hbm4b:s1+s3], $0x80, v4, vm0, $0xb8;
	[tilespmem:$0x8100] =	vst v63  }
0x1bf: {  	_ = 	snop  }
0x1c0: {  	[tilespmem:s16], [sflag:$0x1] =	stream.indirect_vreg.gather [hbm4b:s5+s3], $0x80, v4, vm0, $0xb8;
	[tilespmem:$0x8100] =	vst v63  }
0x1c1: {  	_ = 	snop  }
0x1c2: {  	[tilespmem:s17], [sflag:$0x1] =	stream.indirect_vreg.gather [hbm4b:s1+s3], $0x80, v3, vm0, $0xb8;
	[tilespmem:$0x8100] =	vst v63  }
0x1c3: {  	_ = 	snop  }
0x1c4: {  	[tilespmem:s18], [sflag:$0x1] =	stream.indirect_vreg.gather [hbm4b:s5+s3], $0x80, v3, vm0, $0xb8;
	[tilespmem:$0x8100] =	vst v63  }
0x1c5: {  	v3 =	vld [tilespmem:$0x10];
	_ =	sdelay $0x4  }
0x1c6: {  	v25 =	vshll.u32 v3, $0x2  }
0x1c7: {  	v3 =	vand.u32 $0x7, v3;
	v4 =	vand.u32 $0xFFFFFFE0, v25  }
0x1c8: {  	v3 =	vor.u32 v3, v4  }
0x1c9: {  	v4 =	vperm.xlane v3, v0;
	_ =	sdelay $0x1  }
0x1ca: {  	v4 =	vadd.s32 v1, v4;
	_ =	sdelay $0x1  }
0x1cb: {  	v3 =	vperm.xlane v3, v2;
	_ =	sdelay $0x1  }
0x1cc: {  	v3 =	vadd.s32 v1, v3  }
0x1cd: {  	[tilespmem:s19], [sflag:$0x1] =	stream.indirect_vreg.gather [hbm4b:s1+s3], $0x80, v4, vm0, $0xb8;
	[tilespmem:$0x8100] =	vst v63  }
0x1ce: {  	_ = 	snop  }
0x1cf: {  	[tilespmem:s20], [sflag:$0x1] =	stream.indirect_vreg.gather [hbm4b:s5+s3], $0x80, v4, vm0, $0xb8;
	[tilespmem:$0x8100] =	vst v63  }
0x1d0: {  	_ = 	snop  }
0x1d1: {  	[tilespmem:s21], [sflag:$0x1] =	stream.indirect_vreg.gather [hbm4b:s1+s3], $0x80, v3, vm0, $0xb8;
	[tilespmem:$0x8100] =	vst v63  }
0x1d2: {  	_ = 	snop  }
0x1d3: {  	[tilespmem:s22], [sflag:$0x1] =	stream.indirect_vreg.gather [hbm4b:s5+s3], $0x80, v3, vm0, $0xb8;
	[tilespmem:$0x8100] =	vst v63  }
0x1d4: {  	v3 =	vld [tilespmem:$0x20];
	_ =	sdelay $0x4  }
0x1d5: {  	v26 =	vshll.u32 v3, $0x2  }
0x1d6: {  	v3 =	vand.u32 $0x7, v3;
	v4 =	vand.u32 $0xFFFFFFE0, v26  }
0x1d7: {  	v3 =	vor.u32 v3, v4  }
0x1d8: {  	v4 =	vperm.xlane v3, v0;
	_ =	sdelay $0x1  }
0x1d9: {  	v4 =	vadd.s32 v1, v4;
	_ =	sdelay $0x1  }
0x1da: {  	v3 =	vperm.xlane v3, v2;
	_ =	sdelay $0x1  }
0x1db: {  	v3 =	vadd.s32 v1, v3  }
0x1dc: {  	[tilespmem:s23], [sflag:$0x1] =	stream.indirect_vreg.gather [hbm4b:s1+s3], $0x80, v4, vm0, $0xb8;
	[tilespmem:$0x8100] =	vst v63  }
0x1dd: {  	_ = 	snop  }
0x1de: {  	[tilespmem:s24], [sflag:$0x1] =	stream.indirect_vreg.gather [hbm4b:s5+s3], $0x80, v4, vm0, $0xb8;
	[tilespmem:$0x8100] =	vst v63  }
0x1df: {  	_ = 	snop  }
0x1e0: {  	[tilespmem:s25], [sflag:$0x1] =	stream.indirect_vreg.gather [hbm4b:s1+s3], $0x80, v3, vm0, $0xb8;
	[tilespmem:$0x8100] =	vst v63  }
0x1e1: {  	_ = 	snop  }
0x1e2: {  	[tilespmem:s26], [sflag:$0x1] =	stream.indirect_vreg.gather [hbm4b:s5+s3], $0x80, v3, vm0, $0xb8;
	[tilespmem:$0x8100] =	vst v63  }
0x1e3: {  	v3 =	vld [tilespmem:$0x30];
	_ =	sdelay $0x4  }
0x1e4: {  	v27 =	vshll.u32 v3, $0x2  }
0x1e5: {  	v3 =	vand.u32 $0x7, v3;
	v4 =	vand.u32 $0xFFFFFFE0, v27  }
0x1e6: {  	v3 =	vor.u32 v3, v4  }
0x1e7: {  	v4 =	vperm.xlane v3, v0;
	_ =	sdelay $0x1  }
0x1e8: {  	v4 =	vadd.s32 v1, v4;
	_ =	sdelay $0x1  }
0x1e9: {  	v3 =	vperm.xlane v3, v2;
	_ =	sdelay $0x1  }
0x1ea: {  	v3 =	vadd.s32 v1, v3  }
0x1eb: {  	[tilespmem:s28], [sflag:$0x1] =	stream.indirect_vreg.gather [hbm4b:s1+s3], $0x80, v4, vm0, $0xb8;
	[tilespmem:$0x8100] =	vst v63  }
0x1ec: {  	_ = 	snop  }
0x1ed: {  	[tilespmem:s29], [sflag:$0x1] =	stream.indirect_vreg.gather [hbm4b:s5+s3], $0x80, v4, vm0, $0xb8;
	[tilespmem:$0x8100] =	vst v63  }
0x1ee: {  	_ = 	snop  }
0x1ef: {  	[tilespmem:s30], [sflag:$0x1] =	stream.indirect_vreg.gather [hbm4b:s1+s3], $0x80, v3, vm0, $0xb8;
	[tilespmem:$0x8100] =	vst v63  }
0x1f0: {  	_ = 	snop  }
0x1f1: {  	[tilespmem:s31], [sflag:$0x1] =	stream.indirect_vreg.gather [hbm4b:s5+s3], $0x80, v3, vm0, $0xb8;
	[tilespmem:$0x8100] =	vst v63  }
0x1f2: {  	_ =	swait.ge [sflag:s0], $0x8000  }
0x1f3: {  	[sflag:s0] =	ssyncset.done $0x0  }
0x1f4: {  	[sflag:s0] =	ssyncadd.s32 $0xFFFF8000  }
0x1f5: {  	v3 =	vld [tilespmem:$0x80];
	_ =	sdelay $0x4  }
0x1f6: {  	v28 =	vshll.u32 v3, $0x2  }
0x1f7: {  	v3 =	vand.u32 $0x7, v3;
	v4 =	vand.u32 $0xFFFFFFE0, v28  }
0x1f8: {  	v3 =	vor.u32 v3, v4  }
0x1f9: {  	v4 =	vperm.xlane v3, v0;
	_ =	sdelay $0x1  }
0x1fa: {  	v4 =	vadd.s32 v1, v4;
	_ =	sdelay $0x1  }
0x1fb: {  	v3 =	vperm.xlane v3, v2;
	_ =	sdelay $0x1  }
0x1fc: {  	v3 =	vadd.s32 v1, v3  }
0x1fd: {  	[hbm4b:s4+s3] =	stream.indirect_vreg.scatter [tilespmem:s15], [sflag:$0x1], $0x80, v4, vm0, $0xb8;
	[tilespmem:$0x8100] =	vst v63  }
0x1fe: {  	_ = 	snop  }
0x1ff: {  	[hbm4b:s6+s3] =	stream.indirect_vreg.scatter [tilespmem:s16], [sflag:$0x1], $0x80, v4, vm0, $0xb8;
	[tilespmem:$0x8100] =	vst v63  }
0x200: {  	_ = 	snop  }
0x201: {  	[hbm4b:s4+s3] =	stream.indirect_vreg.scatter [tilespmem:s17], [sflag:$0x1], $0x80, v3, vm0, $0xb8;
	[tilespmem:$0x8100] =	vst v63  }
0x202: {  	_ = 	snop  }
0x203: {  	[hbm4b:s6+s3] =	stream.indirect_vreg.scatter [tilespmem:s18], [sflag:$0x1], $0x80, v3, vm0, $0xb8;
	[tilespmem:$0x8100] =	vst v63  }
0x204: {  	v3 =	vld [tilespmem:$0x90];
	_ =	sdelay $0x4  }
0x205: {  	v29 =	vshll.u32 v3, $0x2  }
0x206: {  	v3 =	vand.u32 $0x7, v3;
	v4 =	vand.u32 $0xFFFFFFE0, v29  }
0x207: {  	v3 =	vor.u32 v3, v4  }
0x208: {  	v4 =	vperm.xlane v3, v0;
	_ =	sdelay $0x1  }
0x209: {  	v4 =	vadd.s32 v1, v4;
	_ =	sdelay $0x1  }
0x20a: {  	v3 =	vperm.xlane v3, v2;
	_ =	sdelay $0x1  }
0x20b: {  	v3 =	vadd.s32 v1, v3  }
0x20c: {  	[hbm4b:s4+s3] =	stream.indirect_vreg.scatter [tilespmem:s19], [sflag:$0x1], $0x80, v4, vm0, $0xb8;
	[tilespmem:$0x8100] =	vst v63  }
0x20d: {  	_ = 	snop  }
0x20e: {  	[hbm4b:s6+s3] =	stream.indirect_vreg.scatter [tilespmem:s20], [sflag:$0x1], $0x80, v4, vm0, $0xb8;
	[tilespmem:$0x8100] =	vst v63  }
0x20f: {  	_ = 	snop  }
0x210: {  	[hbm4b:s4+s3] =	stream.indirect_vreg.scatter [tilespmem:s21], [sflag:$0x1], $0x80, v3, vm0, $0xb8;
	[tilespmem:$0x8100] =	vst v63  }
0x211: {  	_ = 	snop  }
0x212: {  	[hbm4b:s6+s3] =	stream.indirect_vreg.scatter [tilespmem:s22], [sflag:$0x1], $0x80, v3, vm0, $0xb8;
	[tilespmem:$0x8100] =	vst v63  }
0x213: {  	v3 =	vld [tilespmem:$0xA0];
	_ =	sdelay $0x4  }
0x214: {  	v30 =	vshll.u32 v3, $0x2  }
0x215: {  	v3 =	vand.u32 $0x7, v3;
	v4 =	vand.u32 $0xFFFFFFE0, v30  }
0x216: {  	v3 =	vor.u32 v3, v4  }
0x217: {  	v4 =	vperm.xlane v3, v0;
	_ =	sdelay $0x1  }
0x218: {  	v4 =	vadd.s32 v1, v4;
	_ =	sdelay $0x1  }
0x219: {  	v3 =	vperm.xlane v3, v2;
	_ =	sdelay $0x1  }
0x21a: {  	v3 =	vadd.s32 v1, v3  }
0x21b: {  	[hbm4b:s4+s3] =	stream.indirect_vreg.scatter [tilespmem:s23], [sflag:$0x1], $0x80, v4, vm0, $0xb8;
	[tilespmem:$0x8100] =	vst v63  }
0x21c: {  	_ = 	snop  }
0x21d: {  	[hbm4b:s6+s3] =	stream.indirect_vreg.scatter [tilespmem:s24], [sflag:$0x1], $0x80, v4, vm0, $0xb8;
	[tilespmem:$0x8100] =	vst v63  }
0x21e: {  	_ = 	snop  }
0x21f: {  	[hbm4b:s4+s3] =	stream.indirect_vreg.scatter [tilespmem:s25], [sflag:$0x1], $0x80, v3, vm0, $0xb8;
	[tilespmem:$0x8100] =	vst v63  }
0x220: {  	_ = 	snop  }
0x221: {  	[hbm4b:s6+s3] =	stream.indirect_vreg.scatter [tilespmem:s26], [sflag:$0x1], $0x80, v3, vm0, $0xb8;
	[tilespmem:$0x8100] =	vst v63  }
0x222: {  	v3 =	vld [tilespmem:$0xB0];
	_ =	sdelay $0x4  }
0x223: {  	v31 =	vshll.u32 v3, $0x2  }
0x224: {  	v3 =	vand.u32 $0x7, v3;
	v4 =	vand.u32 $0xFFFFFFE0, v31  }
0x225: {  	v3 =	vor.u32 v3, v4  }
0x226: {  	v4 =	vperm.xlane v3, v0;
	_ =	sdelay $0x1  }
0x227: {  	v4 =	vadd.s32 v1, v4;
	_ =	sdelay $0x1  }
0x228: {  	v3 =	vperm.xlane v3, v2;
	_ =	sdelay $0x1  }
0x229: {  	v3 =	vadd.s32 v1, v3  }
0x22a: {  	[hbm4b:s4+s3] =	stream.indirect_vreg.scatter [tilespmem:s28], [sflag:$0x1], $0x80, v4, vm0, $0xb8;
	[tilespmem:$0x8100] =	vst v63  }
0x22b: {  	_ = 	snop  }
0x22c: {  	[hbm4b:s6+s3] =	stream.indirect_vreg.scatter [tilespmem:s29], [sflag:$0x1], $0x80, v4, vm0, $0xb8;
	[tilespmem:$0x8100] =	vst v63  }
0x22d: {  	_ = 	snop  }
0x22e: {  	[hbm4b:s4+s3] =	stream.indirect_vreg.scatter [tilespmem:s30], [sflag:$0x1], $0x80, v3, vm0, $0xb8;
	[tilespmem:$0x8100] =	vst v63  }
0x22f: {  	_ = 	snop  }
0x230: {  	[hbm4b:s6+s3] =	stream.indirect_vreg.scatter [tilespmem:s31], [sflag:$0x1], $0x80, v3, vm0, $0xb8;
	[tilespmem:$0x8100] =	vst v63  }
0x231: {  	_ =	swait.ge [sflag:s0], $0x8000  }
0x232: {  	[sflag:s0] =	ssyncset.done $0x0  }
0x233: {  	s2 =	rddreg [dreg:$0xc];
	[sflag:s0] =	ssyncadd.s32 $0xFFFF8000  }
0x234: {  	[tilespmem:s3], [sflag:$0x2] =	stream.linear.gather [hbm4b:s2+s3], $0x40, $0x38;
	[tilespmem:$0x8100] =	vst v63  }
0x235: {  	_ =	swait.ge [sflag:s13], $0x40  }
0x236: {  	[sflag:s13] =	ssyncset.done $0x0  }
0x237: {  	s2 =	rddreg [dreg:$0xd];
	[sflag:s13] =	ssyncadd.s32 $0xFFFFFFC0  }
0x238: {  	[tilespmem:s14], [sflag:$0x2] =	stream.linear.gather [hbm4b:s2+s3], $0x40, $0x38;
	[tilespmem:$0x8100] =	vst v63  }
0x239: {  	_ =	swait.ge [sflag:s13], $0x40  }
0x23a: {  	[sflag:s13] =	ssyncset.done $0x0  }
0x23b: {  	[sflag:s13] =	ssyncadd.s32 $0xFFFFFFC0  }
0x23c: {  	v3 =	vld [tilespmem:$0x0];
	_ =	sdelay $0x4  }
0x23d: {  	v32 =	vshll.u32 v3, $0x2  }
0x23e: {  	v3 =	vand.u32 $0x7, v3;
	v4 =	vand.u32 $0xFFFFFFE0, v32  }
0x23f: {  	v3 =	vor.u32 v3, v4  }
0x240: {  	v4 =	vperm.xlane v3, v0;
	_ =	sdelay $0x1  }
0x241: {  	v4 =	vadd.s32 v1, v4;
	_ =	sdelay $0x1  }
0x242: {  	v3 =	vperm.xlane v3, v2;
	_ =	sdelay $0x1  }
0x243: {  	v3 =	vadd.s32 v1, v3  }
0x244: {  	[tilespmem:s15], [sflag:$0x1] =	stream.indirect_vreg.gather [hbm4b:s1+s3], $0x80, v4, vm0, $0xb8;
	[tilespmem:$0x8100] =	vst v63  }
0x245: {  	_ = 	snop  }
0x246: {  	[tilespmem:s16], [sflag:$0x1] =	stream.indirect_vreg.gather [hbm4b:s5+s3], $0x80, v4, vm0, $0xb8;
	[tilespmem:$0x8100] =	vst v63  }
0x247: {  	_ = 	snop  }
0x248: {  	[tilespmem:s17], [sflag:$0x1] =	stream.indirect_vreg.gather [hbm4b:s1+s3], $0x80, v3, vm0, $0xb8;
	[tilespmem:$0x8100] =	vst v63  }
0x249: {  	_ = 	snop  }
0x24a: {  	[tilespmem:s18], [sflag:$0x1] =	stream.indirect_vreg.gather [hbm4b:s5+s3], $0x80, v3, vm0, $0xb8;
	[tilespmem:$0x8100] =	vst v63  }
0x24b: {  	v3 =	vld [tilespmem:$0x10];
	_ =	sdelay $0x4  }
0x24c: {  	v33 =	vshll.u32 v3, $0x2  }
0x24d: {  	v3 =	vand.u32 $0x7, v3;
	v4 =	vand.u32 $0xFFFFFFE0, v33  }
0x24e: {  	v3 =	vor.u32 v3, v4  }
0x24f: {  	v4 =	vperm.xlane v3, v0;
	_ =	sdelay $0x1  }
0x250: {  	v4 =	vadd.s32 v1, v4;
	_ =	sdelay $0x1  }
0x251: {  	v3 =	vperm.xlane v3, v2;
	_ =	sdelay $0x1  }
0x252: {  	v3 =	vadd.s32 v1, v3  }
0x253: {  	[tilespmem:s19], [sflag:$0x1] =	stream.indirect_vreg.gather [hbm4b:s1+s3], $0x80, v4, vm0, $0xb8;
	[tilespmem:$0x8100] =	vst v63  }
0x254: {  	_ = 	snop  }
0x255: {  	[tilespmem:s20], [sflag:$0x1] =	stream.indirect_vreg.gather [hbm4b:s5+s3], $0x80, v4, vm0, $0xb8;
	[tilespmem:$0x8100] =	vst v63  }
0x256: {  	_ = 	snop  }
0x257: {  	[tilespmem:s21], [sflag:$0x1] =	stream.indirect_vreg.gather [hbm4b:s1+s3], $0x80, v3, vm0, $0xb8;
	[tilespmem:$0x8100] =	vst v63  }
0x258: {  	_ = 	snop  }
0x259: {  	[tilespmem:s22], [sflag:$0x1] =	stream.indirect_vreg.gather [hbm4b:s5+s3], $0x80, v3, vm0, $0xb8;
	[tilespmem:$0x8100] =	vst v63  }
0x25a: {  	v3 =	vld [tilespmem:$0x20];
	_ =	sdelay $0x4  }
0x25b: {  	v34 =	vshll.u32 v3, $0x2  }
0x25c: {  	v3 =	vand.u32 $0x7, v3;
	v4 =	vand.u32 $0xFFFFFFE0, v34  }
0x25d: {  	v3 =	vor.u32 v3, v4  }
0x25e: {  	v4 =	vperm.xlane v3, v0;
	_ =	sdelay $0x1  }
0x25f: {  	v4 =	vadd.s32 v1, v4;
	_ =	sdelay $0x1  }
0x260: {  	v3 =	vperm.xlane v3, v2;
	_ =	sdelay $0x1  }
0x261: {  	v3 =	vadd.s32 v1, v3  }
0x262: {  	[tilespmem:s23], [sflag:$0x1] =	stream.indirect_vreg.gather [hbm4b:s1+s3], $0x80, v4, vm0, $0xb8;
	[tilespmem:$0x8100] =	vst v63  }
0x263: {  	_ = 	snop  }
0x264: {  	[tilespmem:s24], [sflag:$0x1] =	stream.indirect_vreg.gather [hbm4b:s5+s3], $0x80, v4, vm0, $0xb8;
	[tilespmem:$0x8100] =	vst v63  }
0x265: {  	_ = 	snop  }
0x266: {  	[tilespmem:s25], [sflag:$0x1] =	stream.indirect_vreg.gather [hbm4b:s1+s3], $0x80, v3, vm0, $0xb8;
	[tilespmem:$0x8100] =	vst v63  }
0x267: {  	_ = 	snop  }
0x268: {  	[tilespmem:s26], [sflag:$0x1] =	stream.indirect_vreg.gather [hbm4b:s5+s3], $0x80, v3, vm0, $0xb8;
	[tilespmem:$0x8100] =	vst v63  }
0x269: {  	v3 =	vld [tilespmem:$0x30];
	_ =	sdelay $0x4  }
0x26a: {  	v35 =	vshll.u32 v3, $0x2  }
0x26b: {  	v3 =	vand.u32 $0x7, v3;
	v4 =	vand.u32 $0xFFFFFFE0, v35  }
0x26c: {  	v3 =	vor.u32 v3, v4  }
0x26d: {  	v4 =	vperm.xlane v3, v0;
	_ =	sdelay $0x1  }
0x26e: {  	v4 =	vadd.s32 v1, v4;
	_ =	sdelay $0x1  }
0x26f: {  	v3 =	vperm.xlane v3, v2;
	_ =	sdelay $0x1  }
0x270: {  	v3 =	vadd.s32 v1, v3  }
0x271: {  	[tilespmem:s28], [sflag:$0x1] =	stream.indirect_vreg.gather [hbm4b:s1+s3], $0x80, v4, vm0, $0xb8;
	[tilespmem:$0x8100] =	vst v63  }
0x272: {  	_ = 	snop  }
0x273: {  	[tilespmem:s29], [sflag:$0x1] =	stream.indirect_vreg.gather [hbm4b:s5+s3], $0x80, v4, vm0, $0xb8;
	[tilespmem:$0x8100] =	vst v63  }
0x274: {  	_ = 	snop  }
0x275: {  	[tilespmem:s30], [sflag:$0x1] =	stream.indirect_vreg.gather [hbm4b:s1+s3], $0x80, v3, vm0, $0xb8;
	[tilespmem:$0x8100] =	vst v63  }
0x276: {  	_ = 	snop  }
0x277: {  	[tilespmem:s31], [sflag:$0x1] =	stream.indirect_vreg.gather [hbm4b:s5+s3], $0x80, v3, vm0, $0xb8;
	[tilespmem:$0x8100] =	vst v63  }
0x278: {  	_ =	swait.ge [sflag:s0], $0x8000  }
0x279: {  	[sflag:s0] =	ssyncset.done $0x0  }
0x27a: {  	[sflag:s0] =	ssyncadd.s32 $0xFFFF8000  }
0x27b: {  	v3 =	vld [tilespmem:$0x80];
	_ =	sdelay $0x4  }
0x27c: {  	v36 =	vshll.u32 v3, $0x2  }
0x27d: {  	v3 =	vand.u32 $0x7, v3;
	v4 =	vand.u32 $0xFFFFFFE0, v36  }
0x27e: {  	v3 =	vor.u32 v3, v4  }
0x27f: {  	v4 =	vperm.xlane v3, v0;
	_ =	sdelay $0x1  }
0x280: {  	v4 =	vadd.s32 v1, v4;
	_ =	sdelay $0x1  }
0x281: {  	v3 =	vperm.xlane v3, v2;
	_ =	sdelay $0x1  }
0x282: {  	v3 =	vadd.s32 v1, v3  }
0x283: {  	[hbm4b:s4+s3] =	stream.indirect_vreg.scatter [tilespmem:s15], [sflag:$0x1], $0x80, v4, vm0, $0xb8;
	[tilespmem:$0x8100] =	vst v63  }
0x284: {  	_ = 	snop  }
0x285: {  	[hbm4b:s6+s3] =	stream.indirect_vreg.scatter [tilespmem:s16], [sflag:$0x1], $0x80, v4, vm0, $0xb8;
	[tilespmem:$0x8100] =	vst v63  }
0x286: {  	_ = 	snop  }
0x287: {  	[hbm4b:s4+s3] =	stream.indirect_vreg.scatter [tilespmem:s17], [sflag:$0x1], $0x80, v3, vm0, $0xb8;
	[tilespmem:$0x8100] =	vst v63  }
0x288: {  	_ = 	snop  }
0x289: {  	[hbm4b:s6+s3] =	stream.indirect_vreg.scatter [tilespmem:s18], [sflag:$0x1], $0x80, v3, vm0, $0xb8;
	[tilespmem:$0x8100] =	vst v63  }
0x28a: {  	v3 =	vld [tilespmem:$0x90];
	_ =	sdelay $0x4  }
0x28b: {  	v37 =	vshll.u32 v3, $0x2  }
0x28c: {  	v3 =	vand.u32 $0x7, v3;
	v4 =	vand.u32 $0xFFFFFFE0, v37  }
0x28d: {  	v3 =	vor.u32 v3, v4  }
0x28e: {  	v4 =	vperm.xlane v3, v0;
	_ =	sdelay $0x1  }
0x28f: {  	v4 =	vadd.s32 v1, v4;
	_ =	sdelay $0x1  }
0x290: {  	v3 =	vperm.xlane v3, v2;
	_ =	sdelay $0x1  }
0x291: {  	v3 =	vadd.s32 v1, v3  }
0x292: {  	[hbm4b:s4+s3] =	stream.indirect_vreg.scatter [tilespmem:s19], [sflag:$0x1], $0x80, v4, vm0, $0xb8;
	[tilespmem:$0x8100] =	vst v63  }
0x293: {  	_ = 	snop  }
0x294: {  	[hbm4b:s6+s3] =	stream.indirect_vreg.scatter [tilespmem:s20], [sflag:$0x1], $0x80, v4, vm0, $0xb8;
	[tilespmem:$0x8100] =	vst v63  }
0x295: {  	_ = 	snop  }
0x296: {  	[hbm4b:s4+s3] =	stream.indirect_vreg.scatter [tilespmem:s21], [sflag:$0x1], $0x80, v3, vm0, $0xb8;
	[tilespmem:$0x8100] =	vst v63  }
0x297: {  	_ = 	snop  }
0x298: {  	[hbm4b:s6+s3] =	stream.indirect_vreg.scatter [tilespmem:s22], [sflag:$0x1], $0x80, v3, vm0, $0xb8;
	[tilespmem:$0x8100] =	vst v63  }
0x299: {  	v3 =	vld [tilespmem:$0xA0];
	_ =	sdelay $0x4  }
0x29a: {  	v38 =	vshll.u32 v3, $0x2  }
0x29b: {  	v3 =	vand.u32 $0x7, v3;
	v4 =	vand.u32 $0xFFFFFFE0, v38  }
0x29c: {  	v3 =	vor.u32 v3, v4  }
0x29d: {  	v4 =	vperm.xlane v3, v0;
	_ =	sdelay $0x1  }
0x29e: {  	v4 =	vadd.s32 v1, v4;
	_ =	sdelay $0x1  }
0x29f: {  	v3 =	vperm.xlane v3, v2;
	_ =	sdelay $0x1  }
0x2a0: {  	v3 =	vadd.s32 v1, v3  }
0x2a1: {  	[hbm4b:s4+s3] =	stream.indirect_vreg.scatter [tilespmem:s23], [sflag:$0x1], $0x80, v4, vm0, $0xb8;
	[tilespmem:$0x8100] =	vst v63  }
0x2a2: {  	_ = 	snop  }
0x2a3: {  	[hbm4b:s6+s3] =	stream.indirect_vreg.scatter [tilespmem:s24], [sflag:$0x1], $0x80, v4, vm0, $0xb8;
	[tilespmem:$0x8100] =	vst v63  }
0x2a4: {  	_ = 	snop  }
0x2a5: {  	[hbm4b:s4+s3] =	stream.indirect_vreg.scatter [tilespmem:s25], [sflag:$0x1], $0x80, v3, vm0, $0xb8;
	[tilespmem:$0x8100] =	vst v63  }
0x2a6: {  	_ = 	snop  }
0x2a7: {  	[hbm4b:s6+s3] =	stream.indirect_vreg.scatter [tilespmem:s26], [sflag:$0x1], $0x80, v3, vm0, $0xb8;
	[tilespmem:$0x8100] =	vst v63  }
0x2a8: {  	v3 =	vld [tilespmem:$0xB0];
	_ =	sdelay $0x4  }
0x2a9: {  	v39 =	vshll.u32 v3, $0x2  }
0x2aa: {  	v3 =	vand.u32 $0x7, v3;
	v4 =	vand.u32 $0xFFFFFFE0, v39  }
0x2ab: {  	v3 =	vor.u32 v3, v4  }
0x2ac: {  	v4 =	vperm.xlane v3, v0;
	_ =	sdelay $0x1  }
0x2ad: {  	v4 =	vadd.s32 v1, v4;
	_ =	sdelay $0x1  }
0x2ae: {  	v3 =	vperm.xlane v3, v2;
	_ =	sdelay $0x1  }
0x2af: {  	v3 =	vadd.s32 v1, v3  }
0x2b0: {  	[hbm4b:s4+s3] =	stream.indirect_vreg.scatter [tilespmem:s28], [sflag:$0x1], $0x80, v4, vm0, $0xb8;
	[tilespmem:$0x8100] =	vst v63  }
0x2b1: {  	_ = 	snop  }
0x2b2: {  	[hbm4b:s6+s3] =	stream.indirect_vreg.scatter [tilespmem:s29], [sflag:$0x1], $0x80, v4, vm0, $0xb8;
	[tilespmem:$0x8100] =	vst v63  }
0x2b3: {  	_ = 	snop  }
0x2b4: {  	[hbm4b:s4+s3] =	stream.indirect_vreg.scatter [tilespmem:s30], [sflag:$0x1], $0x80, v3, vm0, $0xb8;
	[tilespmem:$0x8100] =	vst v63  }
0x2b5: {  	_ = 	snop  }
0x2b6: {  	[hbm4b:s6+s3] =	stream.indirect_vreg.scatter [tilespmem:s31], [sflag:$0x1], $0x80, v3, vm0, $0xb8;
	[tilespmem:$0x8100] =	vst v63  }
0x2b7: {  	_ =	swait.ge [sflag:s0], $0x8000  }
0x2b8: {  	[sflag:s0] =	ssyncset.done $0x0  }
0x2b9: {  	s2 =	rddreg [dreg:$0xe];
	[sflag:s0] =	ssyncadd.s32 $0xFFFF8000  }
0x2ba: {  	[tilespmem:s3], [sflag:$0x2] =	stream.linear.gather [hbm4b:s2+s3], $0x40, $0x38;
	[tilespmem:$0x8100] =	vst v63  }
0x2bb: {  	_ =	swait.ge [sflag:s13], $0x40  }
0x2bc: {  	[sflag:s13] =	ssyncset.done $0x0  }
0x2bd: {  	[sflag:s13] =	ssyncadd.s32 $0xFFFFFFC0  }
0x2be: {  	[tilespmem:s14], [sflag:$0x2] =	stream.linear.gather [hbm4b:s7+s3], $0x40, $0x38;
	[tilespmem:$0x8100] =	vst v63  }
0x2bf: {  	_ =	swait.ge [sflag:s13], $0x40  }
0x2c0: {  	[sflag:s13] =	ssyncset.done $0x0  }
0x2c1: {  	[sflag:s13] =	ssyncadd.s32 $0xFFFFFFC0  }
0x2c2: {  	v3 =	vld [tilespmem:$0x0];
	_ =	sdelay $0x4  }
0x2c3: {  	v40 =	vshll.u32 v3, $0x2  }
0x2c4: {  	v3 =	vand.u32 $0x7, v3;
	v4 =	vand.u32 $0xFFFFFFE0, v40  }
0x2c5: {  	v3 =	vor.u32 v3, v4  }
0x2c6: {  	v4 =	vperm.xlane v3, v0;
	_ =	sdelay $0x1  }
0x2c7: {  	v4 =	vadd.s32 v1, v4;
	_ =	sdelay $0x1  }
0x2c8: {  	v3 =	vperm.xlane v3, v2;
	_ =	sdelay $0x1  }
0x2c9: {  	v3 =	vadd.s32 v1, v3  }
0x2ca: {  	[tilespmem:s15], [sflag:$0x1] =	stream.indirect_vreg.gather [hbm4b:s1+s3], $0x80, v4, vm0, $0xb8;
	[tilespmem:$0x8100] =	vst v63  }
0x2cb: {  	_ = 	snop  }
0x2cc: {  	[tilespmem:s16], [sflag:$0x1] =	stream.indirect_vreg.gather [hbm4b:s5+s3], $0x80, v4, vm0, $0xb8;
	[tilespmem:$0x8100] =	vst v63  }
0x2cd: {  	_ = 	snop  }
0x2ce: {  	[tilespmem:s17], [sflag:$0x1] =	stream.indirect_vreg.gather [hbm4b:s1+s3], $0x80, v3, vm0, $0xb8;
	[tilespmem:$0x8100] =	vst v63  }
0x2cf: {  	_ = 	snop  }
0x2d0: {  	[tilespmem:s18], [sflag:$0x1] =	stream.indirect_vreg.gather [hbm4b:s5+s3], $0x80, v3, vm0, $0xb8;
	[tilespmem:$0x8100] =	vst v63  }
0x2d1: {  	v3 =	vld [tilespmem:$0x10];
	_ =	sdelay $0x4  }
0x2d2: {  	v41 =	vshll.u32 v3, $0x2  }
0x2d3: {  	v3 =	vand.u32 $0x7, v3;
	v4 =	vand.u32 $0xFFFFFFE0, v41  }
0x2d4: {  	v3 =	vor.u32 v3, v4  }
0x2d5: {  	v4 =	vperm.xlane v3, v0;
	_ =	sdelay $0x1  }
0x2d6: {  	v4 =	vadd.s32 v1, v4;
	_ =	sdelay $0x1  }
0x2d7: {  	v3 =	vperm.xlane v3, v2;
	_ =	sdelay $0x1  }
0x2d8: {  	v3 =	vadd.s32 v1, v3  }
0x2d9: {  	[tilespmem:s19], [sflag:$0x1] =	stream.indirect_vreg.gather [hbm4b:s1+s3], $0x80, v4, vm0, $0xb8;
	[tilespmem:$0x8100] =	vst v63  }
0x2da: {  	_ = 	snop  }
0x2db: {  	[tilespmem:s20], [sflag:$0x1] =	stream.indirect_vreg.gather [hbm4b:s5+s3], $0x80, v4, vm0, $0xb8;
	[tilespmem:$0x8100] =	vst v63  }
0x2dc: {  	_ = 	snop  }
0x2dd: {  	[tilespmem:s21], [sflag:$0x1] =	stream.indirect_vreg.gather [hbm4b:s1+s3], $0x80, v3, vm0, $0xb8;
	[tilespmem:$0x8100] =	vst v63  }
0x2de: {  	_ = 	snop  }
0x2df: {  	[tilespmem:s22], [sflag:$0x1] =	stream.indirect_vreg.gather [hbm4b:s5+s3], $0x80, v3, vm0, $0xb8;
	[tilespmem:$0x8100] =	vst v63  }
0x2e0: {  	v3 =	vld [tilespmem:$0x20];
	_ =	sdelay $0x4  }
0x2e1: {  	v42 =	vshll.u32 v3, $0x2  }
0x2e2: {  	v3 =	vand.u32 $0x7, v3;
	v4 =	vand.u32 $0xFFFFFFE0, v42  }
0x2e3: {  	v3 =	vor.u32 v3, v4  }
0x2e4: {  	v4 =	vperm.xlane v3, v0;
	_ =	sdelay $0x1  }
0x2e5: {  	v4 =	vadd.s32 v1, v4;
	_ =	sdelay $0x1  }
0x2e6: {  	v3 =	vperm.xlane v3, v2;
	_ =	sdelay $0x1  }
0x2e7: {  	v3 =	vadd.s32 v1, v3  }
0x2e8: {  	[tilespmem:s23], [sflag:$0x1] =	stream.indirect_vreg.gather [hbm4b:s1+s3], $0x80, v4, vm0, $0xb8;
	[tilespmem:$0x8100] =	vst v63  }
0x2e9: {  	_ = 	snop  }
0x2ea: {  	[tilespmem:s24], [sflag:$0x1] =	stream.indirect_vreg.gather [hbm4b:s5+s3], $0x80, v4, vm0, $0xb8;
	[tilespmem:$0x8100] =	vst v63  }
0x2eb: {  	_ = 	snop  }
0x2ec: {  	[tilespmem:s25], [sflag:$0x1] =	stream.indirect_vreg.gather [hbm4b:s1+s3], $0x80, v3, vm0, $0xb8;
	[tilespmem:$0x8100] =	vst v63  }
0x2ed: {  	_ = 	snop  }
0x2ee: {  	[tilespmem:s26], [sflag:$0x1] =	stream.indirect_vreg.gather [hbm4b:s5+s3], $0x80, v3, vm0, $0xb8;
	[tilespmem:$0x8100] =	vst v63  }
0x2ef: {  	v3 =	vld [tilespmem:$0x30];
	_ =	sdelay $0x4  }
0x2f0: {  	v43 =	vshll.u32 v3, $0x2  }
0x2f1: {  	v3 =	vand.u32 $0x7, v3;
	v4 =	vand.u32 $0xFFFFFFE0, v43  }
0x2f2: {  	v3 =	vor.u32 v3, v4  }
0x2f3: {  	v4 =	vperm.xlane v3, v0;
	_ =	sdelay $0x1  }
0x2f4: {  	v4 =	vadd.s32 v1, v4;
	_ =	sdelay $0x1  }
0x2f5: {  	v3 =	vperm.xlane v3, v2;
	_ =	sdelay $0x1  }
0x2f6: {  	v3 =	vadd.s32 v1, v3  }
0x2f7: {  	[tilespmem:s28], [sflag:$0x1] =	stream.indirect_vreg.gather [hbm4b:s1+s3], $0x80, v4, vm0, $0xb8;
	[tilespmem:$0x8100] =	vst v63  }
0x2f8: {  	_ = 	snop  }
0x2f9: {  	[tilespmem:s29], [sflag:$0x1] =	stream.indirect_vreg.gather [hbm4b:s5+s3], $0x80, v4, vm0, $0xb8;
	[tilespmem:$0x8100] =	vst v63  }
0x2fa: {  	_ = 	snop  }
0x2fb: {  	[tilespmem:s30], [sflag:$0x1] =	stream.indirect_vreg.gather [hbm4b:s1+s3], $0x80, v3, vm0, $0xb8;
	[tilespmem:$0x8100] =	vst v63  }
0x2fc: {  	_ = 	snop  }
0x2fd: {  	[tilespmem:s31], [sflag:$0x1] =	stream.indirect_vreg.gather [hbm4b:s5+s3], $0x80, v3, vm0, $0xb8;
	[tilespmem:$0x8100] =	vst v63  }
0x2fe: {  	_ =	swait.ge [sflag:s0], $0x8000  }
0x2ff: {  	[sflag:s0] =	ssyncset.done $0x0  }
0x300: {  	[sflag:s0] =	ssyncadd.s32 $0xFFFF8000  }
0x301: {  	v3 =	vld [tilespmem:$0x80];
	_ =	sdelay $0x4  }
0x302: {  	v44 =	vshll.u32 v3, $0x2  }
0x303: {  	v3 =	vand.u32 $0x7, v3;
	v4 =	vand.u32 $0xFFFFFFE0, v44  }
0x304: {  	v3 =	vor.u32 v3, v4  }
0x305: {  	v4 =	vperm.xlane v3, v0;
	_ =	sdelay $0x1  }
0x306: {  	v4 =	vadd.s32 v1, v4;
	_ =	sdelay $0x1  }
0x307: {  	v3 =	vperm.xlane v3, v2;
	_ =	sdelay $0x1  }
0x308: {  	v3 =	vadd.s32 v1, v3  }
0x309: {  	[hbm4b:s4+s3] =	stream.indirect_vreg.scatter [tilespmem:s15], [sflag:$0x1], $0x80, v4, vm0, $0xb8;
	[tilespmem:$0x8100] =	vst v63  }
0x30a: {  	_ = 	snop  }
0x30b: {  	[hbm4b:s6+s3] =	stream.indirect_vreg.scatter [tilespmem:s16], [sflag:$0x1], $0x80, v4, vm0, $0xb8;
	[tilespmem:$0x8100] =	vst v63  }
0x30c: {  	_ = 	snop  }
0x30d: {  	[hbm4b:s4+s3] =	stream.indirect_vreg.scatter [tilespmem:s17], [sflag:$0x1], $0x80, v3, vm0, $0xb8;
	[tilespmem:$0x8100] =	vst v63  }
0x30e: {  	_ = 	snop  }
0x30f: {  	[hbm4b:s6+s3] =	stream.indirect_vreg.scatter [tilespmem:s18], [sflag:$0x1], $0x80, v3, vm0, $0xb8;
	[tilespmem:$0x8100] =	vst v63  }
0x310: {  	v3 =	vld [tilespmem:$0x90];
	_ =	sdelay $0x4  }
0x311: {  	v45 =	vshll.u32 v3, $0x2  }
0x312: {  	v3 =	vand.u32 $0x7, v3;
	v4 =	vand.u32 $0xFFFFFFE0, v45  }
0x313: {  	v3 =	vor.u32 v3, v4  }
0x314: {  	v4 =	vperm.xlane v3, v0;
	_ =	sdelay $0x1  }
0x315: {  	v4 =	vadd.s32 v1, v4;
	_ =	sdelay $0x1  }
0x316: {  	v3 =	vperm.xlane v3, v2;
	_ =	sdelay $0x1  }
0x317: {  	v3 =	vadd.s32 v1, v3  }
0x318: {  	[hbm4b:s4+s3] =	stream.indirect_vreg.scatter [tilespmem:s19], [sflag:$0x1], $0x80, v4, vm0, $0xb8;
	[tilespmem:$0x8100] =	vst v63  }
0x319: {  	_ = 	snop  }
0x31a: {  	[hbm4b:s6+s3] =	stream.indirect_vreg.scatter [tilespmem:s20], [sflag:$0x1], $0x80, v4, vm0, $0xb8;
	[tilespmem:$0x8100] =	vst v63  }
0x31b: {  	_ = 	snop  }
0x31c: {  	[hbm4b:s4+s3] =	stream.indirect_vreg.scatter [tilespmem:s21], [sflag:$0x1], $0x80, v3, vm0, $0xb8;
	[tilespmem:$0x8100] =	vst v63  }
0x31d: {  	_ = 	snop  }
0x31e: {  	[hbm4b:s6+s3] =	stream.indirect_vreg.scatter [tilespmem:s22], [sflag:$0x1], $0x80, v3, vm0, $0xb8;
	[tilespmem:$0x8100] =	vst v63  }
0x31f: {  	v3 =	vld [tilespmem:$0xA0];
	_ =	sdelay $0x4  }
0x320: {  	v46 =	vshll.u32 v3, $0x2  }
0x321: {  	v3 =	vand.u32 $0x7, v3;
	v4 =	vand.u32 $0xFFFFFFE0, v46  }
0x322: {  	v3 =	vor.u32 v3, v4  }
0x323: {  	v4 =	vperm.xlane v3, v0;
	_ =	sdelay $0x1  }
0x324: {  	v4 =	vadd.s32 v1, v4;
	_ =	sdelay $0x1  }
0x325: {  	v3 =	vperm.xlane v3, v2;
	_ =	sdelay $0x1  }
0x326: {  	v3 =	vadd.s32 v1, v3  }
0x327: {  	[hbm4b:s4+s3] =	stream.indirect_vreg.scatter [tilespmem:s23], [sflag:$0x1], $0x80, v4, vm0, $0xb8;
	[tilespmem:$0x8100] =	vst v63  }
0x328: {  	_ = 	snop  }
0x329: {  	[hbm4b:s6+s3] =	stream.indirect_vreg.scatter [tilespmem:s24], [sflag:$0x1], $0x80, v4, vm0, $0xb8;
	[tilespmem:$0x8100] =	vst v63  }
0x32a: {  	_ = 	snop  }
0x32b: {  	[hbm4b:s4+s3] =	stream.indirect_vreg.scatter [tilespmem:s25], [sflag:$0x1], $0x80, v3, vm0, $0xb8;
	[tilespmem:$0x8100] =	vst v63  }
0x32c: {  	_ = 	snop  }
0x32d: {  	[hbm4b:s6+s3] =	stream.indirect_vreg.scatter [tilespmem:s26], [sflag:$0x1], $0x80, v3, vm0, $0xb8;
	[tilespmem:$0x8100] =	vst v63  }
0x32e: {  	v3 =	vld [tilespmem:$0xB0];
	_ =	sdelay $0x4  }
0x32f: {  	v47 =	vshll.u32 v3, $0x2  }
0x330: {  	v3 =	vand.u32 $0x7, v3;
	v4 =	vand.u32 $0xFFFFFFE0, v47  }
0x331: {  	v3 =	vor.u32 v3, v4  }
0x332: {  	v4 =	vperm.xlane v3, v0;
	_ =	sdelay $0x1  }
0x333: {  	v4 =	vadd.s32 v1, v4;
	_ =	sdelay $0x1  }
0x334: {  	v3 =	vperm.xlane v3, v2;
	_ =	sdelay $0x1  }
0x335: {  	v3 =	vadd.s32 v1, v3  }
0x336: {  	[hbm4b:s4+s3] =	stream.indirect_vreg.scatter [tilespmem:s28], [sflag:$0x1], $0x80, v4, vm0, $0xb8;
	[tilespmem:$0x8100] =	vst v63  }
0x337: {  	_ = 	snop  }
0x338: {  	[hbm4b:s6+s3] =	stream.indirect_vreg.scatter [tilespmem:s29], [sflag:$0x1], $0x80, v4, vm0, $0xb8;
	[tilespmem:$0x8100] =	vst v63  }
0x339: {  	_ = 	snop  }
0x33a: {  	[hbm4b:s4+s3] =	stream.indirect_vreg.scatter [tilespmem:s30], [sflag:$0x1], $0x80, v3, vm0, $0xb8;
	[tilespmem:$0x8100] =	vst v63  }
0x33b: {  	_ = 	snop  }
0x33c: {  	[hbm4b:s6+s3] =	stream.indirect_vreg.scatter [tilespmem:s31], [sflag:$0x1], $0x80, v3, vm0, $0xb8;
	[tilespmem:$0x8100] =	vst v63  }
0x33d: {  	_ =	swait.ge [sflag:s0], $0x8000  }
0x33e: {  	[sflag:s0] =	ssyncset.done $0x0  }
0x33f: {  	[sflag:s0] =	ssyncadd.s32 $0xFFFF8000  }
0x340: {  	[tilespmem:s3], [sflag:$0x2] =	stream.linear.gather [hbm4b:s8+s3], $0x40, $0x38;
	[tilespmem:$0x8100] =	vst v63  }
0x341: {  	_ =	swait.ge [sflag:s13], $0x40  }
0x342: {  	[sflag:s13] =	ssyncset.done $0x0  }
0x343: {  	[sflag:s13] =	ssyncadd.s32 $0xFFFFFFC0  }
0x344: {  	[tilespmem:s14], [sflag:$0x2] =	stream.linear.gather [hbm4b:s9+s3], $0x40, $0x38;
	[tilespmem:$0x8100] =	vst v63  }
0x345: {  	_ =	swait.ge [sflag:s13], $0x40  }
0x346: {  	[sflag:s13] =	ssyncset.done $0x0  }
0x347: {  	[sflag:s13] =	ssyncadd.s32 $0xFFFFFFC0  }
0x348: {  	v3 =	vld [tilespmem:$0x0];
	_ =	sdelay $0x4  }
0x349: {  	v48 =	vshll.u32 v3, $0x2  }
0x34a: {  	v3 =	vand.u32 $0x7, v3;
	v4 =	vand.u32 $0xFFFFFFE0, v48  }
0x34b: {  	v3 =	vor.u32 v3, v4  }
0x34c: {  	v4 =	vperm.xlane v3, v0;
	_ =	sdelay $0x1  }
0x34d: {  	v4 =	vadd.s32 v1, v4;
	_ =	sdelay $0x1  }
0x34e: {  	v3 =	vperm.xlane v3, v2;
	_ =	sdelay $0x1  }
0x34f: {  	v3 =	vadd.s32 v1, v3  }
0x350: {  	[tilespmem:s15], [sflag:$0x1] =	stream.indirect_vreg.gather [hbm4b:s1+s3], $0x80, v4, vm0, $0xb8;
	[tilespmem:$0x8100] =	vst v63  }
0x351: {  	_ = 	snop  }
0x352: {  	[tilespmem:s16], [sflag:$0x1] =	stream.indirect_vreg.gather [hbm4b:s5+s3], $0x80, v4, vm0, $0xb8;
	[tilespmem:$0x8100] =	vst v63  }
0x353: {  	_ = 	snop  }
0x354: {  	[tilespmem:s17], [sflag:$0x1] =	stream.indirect_vreg.gather [hbm4b:s1+s3], $0x80, v3, vm0, $0xb8;
	[tilespmem:$0x8100] =	vst v63  }
0x355: {  	_ = 	snop  }
0x356: {  	[tilespmem:s18], [sflag:$0x1] =	stream.indirect_vreg.gather [hbm4b:s5+s3], $0x80, v3, vm0, $0xb8;
	[tilespmem:$0x8100] =	vst v63  }
0x357: {  	v3 =	vld [tilespmem:$0x10];
	_ =	sdelay $0x4  }
0x358: {  	v49 =	vshll.u32 v3, $0x2  }
0x359: {  	v3 =	vand.u32 $0x7, v3;
	v4 =	vand.u32 $0xFFFFFFE0, v49  }
0x35a: {  	v3 =	vor.u32 v3, v4  }
0x35b: {  	v4 =	vperm.xlane v3, v0;
	_ =	sdelay $0x1  }
0x35c: {  	v4 =	vadd.s32 v1, v4;
	_ =	sdelay $0x1  }
0x35d: {  	v3 =	vperm.xlane v3, v2;
	_ =	sdelay $0x1  }
0x35e: {  	v3 =	vadd.s32 v1, v3  }
0x35f: {  	[tilespmem:s19], [sflag:$0x1] =	stream.indirect_vreg.gather [hbm4b:s1+s3], $0x80, v4, vm0, $0xb8;
	[tilespmem:$0x8100] =	vst v63  }
0x360: {  	_ = 	snop  }
0x361: {  	[tilespmem:s20], [sflag:$0x1] =	stream.indirect_vreg.gather [hbm4b:s5+s3], $0x80, v4, vm0, $0xb8;
	[tilespmem:$0x8100] =	vst v63  }
0x362: {  	_ = 	snop  }
0x363: {  	[tilespmem:s21], [sflag:$0x1] =	stream.indirect_vreg.gather [hbm4b:s1+s3], $0x80, v3, vm0, $0xb8;
	[tilespmem:$0x8100] =	vst v63  }
0x364: {  	_ = 	snop  }
0x365: {  	[tilespmem:s22], [sflag:$0x1] =	stream.indirect_vreg.gather [hbm4b:s5+s3], $0x80, v3, vm0, $0xb8;
	[tilespmem:$0x8100] =	vst v63  }
0x366: {  	v3 =	vld [tilespmem:$0x20];
	_ =	sdelay $0x4  }
0x367: {  	v50 =	vshll.u32 v3, $0x2  }
0x368: {  	v3 =	vand.u32 $0x7, v3;
	v4 =	vand.u32 $0xFFFFFFE0, v50  }
0x369: {  	v3 =	vor.u32 v3, v4  }
0x36a: {  	v4 =	vperm.xlane v3, v0;
	_ =	sdelay $0x1  }
0x36b: {  	v4 =	vadd.s32 v1, v4;
	_ =	sdelay $0x1  }
0x36c: {  	v3 =	vperm.xlane v3, v2;
	_ =	sdelay $0x1  }
0x36d: {  	v3 =	vadd.s32 v1, v3  }
0x36e: {  	[tilespmem:s23], [sflag:$0x1] =	stream.indirect_vreg.gather [hbm4b:s1+s3], $0x80, v4, vm0, $0xb8;
	[tilespmem:$0x8100] =	vst v63  }
0x36f: {  	_ = 	snop  }
0x370: {  	[tilespmem:s24], [sflag:$0x1] =	stream.indirect_vreg.gather [hbm4b:s5+s3], $0x80, v4, vm0, $0xb8;
	[tilespmem:$0x8100] =	vst v63  }
0x371: {  	_ = 	snop  }
0x372: {  	[tilespmem:s25], [sflag:$0x1] =	stream.indirect_vreg.gather [hbm4b:s1+s3], $0x80, v3, vm0, $0xb8;
	[tilespmem:$0x8100] =	vst v63  }
0x373: {  	_ = 	snop  }
0x374: {  	[tilespmem:s26], [sflag:$0x1] =	stream.indirect_vreg.gather [hbm4b:s5+s3], $0x80, v3, vm0, $0xb8;
	[tilespmem:$0x8100] =	vst v63  }
0x375: {  	v3 =	vld [tilespmem:$0x30];
	_ =	sdelay $0x4  }
0x376: {  	v51 =	vshll.u32 v3, $0x2  }
0x377: {  	v3 =	vand.u32 $0x7, v3;
	v4 =	vand.u32 $0xFFFFFFE0, v51  }
0x378: {  	v3 =	vor.u32 v3, v4  }
0x379: {  	v4 =	vperm.xlane v3, v0;
	_ =	sdelay $0x1  }
0x37a: {  	v4 =	vadd.s32 v1, v4;
	_ =	sdelay $0x1  }
0x37b: {  	v3 =	vperm.xlane v3, v2;
	_ =	sdelay $0x1  }
0x37c: {  	v3 =	vadd.s32 v1, v3  }
0x37d: {  	[tilespmem:s28], [sflag:$0x1] =	stream.indirect_vreg.gather [hbm4b:s1+s3], $0x80, v4, vm0, $0xb8;
	[tilespmem:$0x8100] =	vst v63  }
0x37e: {  	_ = 	snop  }
0x37f: {  	[tilespmem:s29], [sflag:$0x1] =	stream.indirect_vreg.gather [hbm4b:s5+s3], $0x80, v4, vm0, $0xb8;
	[tilespmem:$0x8100] =	vst v63  }
0x380: {  	_ = 	snop  }
0x381: {  	[tilespmem:s30], [sflag:$0x1] =	stream.indirect_vreg.gather [hbm4b:s1+s3], $0x80, v3, vm0, $0xb8;
	[tilespmem:$0x8100] =	vst v63  }
0x382: {  	_ = 	snop  }
0x383: {  	[tilespmem:s31], [sflag:$0x1] =	stream.indirect_vreg.gather [hbm4b:s5+s3], $0x80, v3, vm0, $0xb8;
	[tilespmem:$0x8100] =	vst v63  }
0x384: {  	_ =	swait.ge [sflag:s0], $0x8000  }
0x385: {  	[sflag:s0] =	ssyncset.done $0x0  }
0x386: {  	[sflag:s0] =	ssyncadd.s32 $0xFFFF8000  }
0x387: {  	v3 =	vld [tilespmem:$0x80];
	_ =	sdelay $0x4  }
0x388: {  	v52 =	vshll.u32 v3, $0x2  }
0x389: {  	v3 =	vand.u32 $0x7, v3;
	v4 =	vand.u32 $0xFFFFFFE0, v52  }
0x38a: {  	v3 =	vor.u32 v3, v4  }
0x38b: {  	v4 =	vperm.xlane v3, v0;
	_ =	sdelay $0x1  }
0x38c: {  	v4 =	vadd.s32 v1, v4;
	_ =	sdelay $0x1  }
0x38d: {  	v3 =	vperm.xlane v3, v2;
	_ =	sdelay $0x1  }
0x38e: {  	v3 =	vadd.s32 v1, v3  }
0x38f: {  	[hbm4b:s4+s3] =	stream.indirect_vreg.scatter [tilespmem:s15], [sflag:$0x1], $0x80, v4, vm0, $0xb8;
	[tilespmem:$0x8100] =	vst v63  }
0x390: {  	_ = 	snop  }
0x391: {  	[hbm4b:s6+s3] =	stream.indirect_vreg.scatter [tilespmem:s16], [sflag:$0x1], $0x80, v4, vm0, $0xb8;
	[tilespmem:$0x8100] =	vst v63  }
0x392: {  	_ = 	snop  }
0x393: {  	[hbm4b:s4+s3] =	stream.indirect_vreg.scatter [tilespmem:s17], [sflag:$0x1], $0x80, v3, vm0, $0xb8;
	[tilespmem:$0x8100] =	vst v63  }
0x394: {  	_ = 	snop  }
0x395: {  	[hbm4b:s6+s3] =	stream.indirect_vreg.scatter [tilespmem:s18], [sflag:$0x1], $0x80, v3, vm0, $0xb8;
	[tilespmem:$0x8100] =	vst v63  }
0x396: {  	v3 =	vld [tilespmem:$0x90];
	_ =	sdelay $0x4  }
0x397: {  	v53 =	vshll.u32 v3, $0x2  }
0x398: {  	v3 =	vand.u32 $0x7, v3;
	v4 =	vand.u32 $0xFFFFFFE0, v53  }
0x399: {  	v3 =	vor.u32 v3, v4  }
0x39a: {  	v4 =	vperm.xlane v3, v0;
	_ =	sdelay $0x1  }
0x39b: {  	v4 =	vadd.s32 v1, v4;
	_ =	sdelay $0x1  }
0x39c: {  	v3 =	vperm.xlane v3, v2;
	_ =	sdelay $0x1  }
0x39d: {  	v3 =	vadd.s32 v1, v3  }
0x39e: {  	[hbm4b:s4+s3] =	stream.indirect_vreg.scatter [tilespmem:s19], [sflag:$0x1], $0x80, v4, vm0, $0xb8;
	[tilespmem:$0x8100] =	vst v63  }
0x39f: {  	_ = 	snop  }
0x3a0: {  	[hbm4b:s6+s3] =	stream.indirect_vreg.scatter [tilespmem:s20], [sflag:$0x1], $0x80, v4, vm0, $0xb8;
	[tilespmem:$0x8100] =	vst v63  }
0x3a1: {  	_ = 	snop  }
0x3a2: {  	[hbm4b:s4+s3] =	stream.indirect_vreg.scatter [tilespmem:s21], [sflag:$0x1], $0x80, v3, vm0, $0xb8;
	[tilespmem:$0x8100] =	vst v63  }
0x3a3: {  	_ = 	snop  }
0x3a4: {  	[hbm4b:s6+s3] =	stream.indirect_vreg.scatter [tilespmem:s22], [sflag:$0x1], $0x80, v3, vm0, $0xb8;
	[tilespmem:$0x8100] =	vst v63  }
0x3a5: {  	v3 =	vld [tilespmem:$0xA0];
	_ =	sdelay $0x4  }
0x3a6: {  	v54 =	vshll.u32 v3, $0x2  }
0x3a7: {  	v3 =	vand.u32 $0x7, v3;
	v4 =	vand.u32 $0xFFFFFFE0, v54  }
0x3a8: {  	v3 =	vor.u32 v3, v4  }
0x3a9: {  	v4 =	vperm.xlane v3, v0;
	_ =	sdelay $0x1  }
0x3aa: {  	v4 =	vadd.s32 v1, v4;
	_ =	sdelay $0x1  }
0x3ab: {  	v3 =	vperm.xlane v3, v2;
	_ =	sdelay $0x1  }
0x3ac: {  	v3 =	vadd.s32 v1, v3  }
0x3ad: {  	[hbm4b:s4+s3] =	stream.indirect_vreg.scatter [tilespmem:s23], [sflag:$0x1], $0x80, v4, vm0, $0xb8;
	[tilespmem:$0x8100] =	vst v63  }
0x3ae: {  	_ = 	snop  }
0x3af: {  	[hbm4b:s6+s3] =	stream.indirect_vreg.scatter [tilespmem:s24], [sflag:$0x1], $0x80, v4, vm0, $0xb8;
	[tilespmem:$0x8100] =	vst v63  }
0x3b0: {  	_ = 	snop  }
0x3b1: {  	[hbm4b:s4+s3] =	stream.indirect_vreg.scatter [tilespmem:s25], [sflag:$0x1], $0x80, v3, vm0, $0xb8;
	[tilespmem:$0x8100] =	vst v63  }
0x3b2: {  	_ = 	snop  }
0x3b3: {  	[hbm4b:s6+s3] =	stream.indirect_vreg.scatter [tilespmem:s26], [sflag:$0x1], $0x80, v3, vm0, $0xb8;
	[tilespmem:$0x8100] =	vst v63  }
0x3b4: {  	v3 =	vld [tilespmem:$0xB0];
	_ =	sdelay $0x4  }
0x3b5: {  	v55 =	vshll.u32 v3, $0x2  }
0x3b6: {  	v3 =	vand.u32 $0x7, v3;
	v4 =	vand.u32 $0xFFFFFFE0, v55  }
0x3b7: {  	v3 =	vor.u32 v3, v4  }
0x3b8: {  	v4 =	vperm.xlane v3, v0;
	_ =	sdelay $0x1  }
0x3b9: {  	v4 =	vadd.s32 v1, v4;
	_ =	sdelay $0x1  }
0x3ba: {  	v3 =	vperm.xlane v3, v2;
	_ =	sdelay $0x1  }
0x3bb: {  	v3 =	vadd.s32 v1, v3  }
0x3bc: {  	[hbm4b:s4+s3] =	stream.indirect_vreg.scatter [tilespmem:s28], [sflag:$0x1], $0x80, v4, vm0, $0xb8;
	[tilespmem:$0x8100] =	vst v63  }
0x3bd: {  	_ = 	snop  }
0x3be: {  	[hbm4b:s6+s3] =	stream.indirect_vreg.scatter [tilespmem:s29], [sflag:$0x1], $0x80, v4, vm0, $0xb8;
	[tilespmem:$0x8100] =	vst v63  }
0x3bf: {  	_ = 	snop  }
0x3c0: {  	[hbm4b:s4+s3] =	stream.indirect_vreg.scatter [tilespmem:s30], [sflag:$0x1], $0x80, v3, vm0, $0xb8;
	[tilespmem:$0x8100] =	vst v63  }
0x3c1: {  	_ = 	snop  }
0x3c2: {  	[hbm4b:s6+s3] =	stream.indirect_vreg.scatter [tilespmem:s31], [sflag:$0x1], $0x80, v3, vm0, $0xb8;
	[tilespmem:$0x8100] =	vst v63  }
0x3c3: {  	_ =	swait.ge [sflag:s0], $0x8000  }
0x3c4: {  	[sflag:s0] =	ssyncset.done $0x0  }
0x3c5: {  	[sflag:s0] =	ssyncadd.s32 $0xFFFF8000  }
0x3c6: {  	[tilespmem:s3], [sflag:$0x2] =	stream.linear.gather [hbm4b:s10+s3], $0x40, $0x38;
	[tilespmem:$0x8100] =	vst v63  }
0x3c7: {  	_ =	swait.ge [sflag:s13], $0x40  }
0x3c8: {  	[sflag:s13] =	ssyncset.done $0x0  }
0x3c9: {  	[sflag:s13] =	ssyncadd.s32 $0xFFFFFFC0  }
0x3ca: {  	[tilespmem:s14], [sflag:$0x2] =	stream.linear.gather [hbm4b:s11+s3], $0x40, $0x38;
	[tilespmem:$0x8100] =	vst v63  }
0x3cb: {  	_ =	swait.ge [sflag:s13], $0x40  }
0x3cc: {  	[sflag:s13] =	ssyncset.done $0x0  }
0x3cd: {  	[sflag:s13] =	ssyncadd.s32 $0xFFFFFFC0  }
0x3ce: {  	v3 =	vld [tilespmem:$0x0];
	_ =	sdelay $0x4  }
0x3cf: {  	v56 =	vshll.u32 v3, $0x2  }
0x3d0: {  	v3 =	vand.u32 $0x7, v3;
	v4 =	vand.u32 $0xFFFFFFE0, v56  }
0x3d1: {  	v3 =	vor.u32 v3, v4  }
0x3d2: {  	v4 =	vperm.xlane v3, v0;
	_ =	sdelay $0x1  }
0x3d3: {  	v4 =	vadd.s32 v1, v4;
	_ =	sdelay $0x1  }
0x3d4: {  	v3 =	vperm.xlane v3, v2;
	_ =	sdelay $0x1  }
0x3d5: {  	v3 =	vadd.s32 v1, v3  }
0x3d6: {  	[tilespmem:s15], [sflag:$0x1] =	stream.indirect_vreg.gather [hbm4b:s1+s3], $0x80, v4, vm0, $0xb8;
	[tilespmem:$0x8100] =	vst v63  }
0x3d7: {  	_ = 	snop  }
0x3d8: {  	[tilespmem:s16], [sflag:$0x1] =	stream.indirect_vreg.gather [hbm4b:s5+s3], $0x80, v4, vm0, $0xb8;
	[tilespmem:$0x8100] =	vst v63  }
0x3d9: {  	_ = 	snop  }
0x3da: {  	[tilespmem:s17], [sflag:$0x1] =	stream.indirect_vreg.gather [hbm4b:s1+s3], $0x80, v3, vm0, $0xb8;
	[tilespmem:$0x8100] =	vst v63  }
0x3db: {  	_ = 	snop  }
0x3dc: {  	[tilespmem:s18], [sflag:$0x1] =	stream.indirect_vreg.gather [hbm4b:s5+s3], $0x80, v3, vm0, $0xb8;
	[tilespmem:$0x8100] =	vst v63  }
0x3dd: {  	v3 =	vld [tilespmem:$0x10];
	_ =	sdelay $0x4  }
0x3de: {  	v57 =	vshll.u32 v3, $0x2  }
0x3df: {  	v3 =	vand.u32 $0x7, v3;
	v4 =	vand.u32 $0xFFFFFFE0, v57  }
0x3e0: {  	v3 =	vor.u32 v3, v4  }
0x3e1: {  	v4 =	vperm.xlane v3, v0;
	_ =	sdelay $0x1  }
0x3e2: {  	v4 =	vadd.s32 v1, v4;
	_ =	sdelay $0x1  }
0x3e3: {  	v3 =	vperm.xlane v3, v2;
	_ =	sdelay $0x1  }
0x3e4: {  	v3 =	vadd.s32 v1, v3  }
0x3e5: {  	[tilespmem:s19], [sflag:$0x1] =	stream.indirect_vreg.gather [hbm4b:s1+s3], $0x80, v4, vm0, $0xb8;
	[tilespmem:$0x8100] =	vst v63  }
0x3e6: {  	_ = 	snop  }
0x3e7: {  	[tilespmem:s20], [sflag:$0x1] =	stream.indirect_vreg.gather [hbm4b:s5+s3], $0x80, v4, vm0, $0xb8;
	[tilespmem:$0x8100] =	vst v63  }
0x3e8: {  	_ = 	snop  }
0x3e9: {  	[tilespmem:s21], [sflag:$0x1] =	stream.indirect_vreg.gather [hbm4b:s1+s3], $0x80, v3, vm0, $0xb8;
	[tilespmem:$0x8100] =	vst v63  }
0x3ea: {  	_ = 	snop  }
0x3eb: {  	[tilespmem:s22], [sflag:$0x1] =	stream.indirect_vreg.gather [hbm4b:s5+s3], $0x80, v3, vm0, $0xb8;
	[tilespmem:$0x8100] =	vst v63  }
0x3ec: {  	v3 =	vld [tilespmem:$0x20];
	_ =	sdelay $0x4  }
0x3ed: {  	v58 =	vshll.u32 v3, $0x2  }
0x3ee: {  	v3 =	vand.u32 $0x7, v3;
	v4 =	vand.u32 $0xFFFFFFE0, v58  }
0x3ef: {  	v3 =	vor.u32 v3, v4  }
0x3f0: {  	v4 =	vperm.xlane v3, v0;
	_ =	sdelay $0x1  }
0x3f1: {  	v4 =	vadd.s32 v1, v4;
	_ =	sdelay $0x1  }
0x3f2: {  	v3 =	vperm.xlane v3, v2;
	_ =	sdelay $0x1  }
0x3f3: {  	v3 =	vadd.s32 v1, v3  }
0x3f4: {  	[tilespmem:s23], [sflag:$0x1] =	stream.indirect_vreg.gather [hbm4b:s1+s3], $0x80, v4, vm0, $0xb8;
	[tilespmem:$0x8100] =	vst v63  }
0x3f5: {  	_ = 	snop  }
0x3f6: {  	[tilespmem:s24], [sflag:$0x1] =	stream.indirect_vreg.gather [hbm4b:s5+s3], $0x80, v4, vm0, $0xb8;
	[tilespmem:$0x8100] =	vst v63  }
0x3f7: {  	_ = 	snop  }
0x3f8: {  	[tilespmem:s25], [sflag:$0x1] =	stream.indirect_vreg.gather [hbm4b:s1+s3], $0x80, v3, vm0, $0xb8;
	[tilespmem:$0x8100] =	vst v63  }
0x3f9: {  	_ = 	snop  }
0x3fa: {  	[tilespmem:s26], [sflag:$0x1] =	stream.indirect_vreg.gather [hbm4b:s5+s3], $0x80, v3, vm0, $0xb8;
	[tilespmem:$0x8100] =	vst v63  }
0x3fb: {  	v3 =	vld [tilespmem:$0x30];
	_ =	sdelay $0x4  }
0x3fc: {  	v59 =	vshll.u32 v3, $0x2  }
0x3fd: {  	v3 =	vand.u32 $0x7, v3;
	v4 =	vand.u32 $0xFFFFFFE0, v59  }
0x3fe: {  	v3 =	vor.u32 v3, v4  }
0x3ff: {  	v4 =	vperm.xlane v3, v0;
	_ =	sdelay $0x1  }
0x400: {  	v4 =	vadd.s32 v1, v4;
	_ =	sdelay $0x1  }
0x401: {  	v3 =	vperm.xlane v3, v2;
	_ =	sdelay $0x1  }
0x402: {  	v3 =	vadd.s32 v1, v3  }
0x403: {  	[tilespmem:s28], [sflag:$0x1] =	stream.indirect_vreg.gather [hbm4b:s1+s3], $0x80, v4, vm0, $0xb8;
	[tilespmem:$0x8100] =	vst v63  }
0x404: {  	_ = 	snop  }
0x405: {  	[tilespmem:s29], [sflag:$0x1] =	stream.indirect_vreg.gather [hbm4b:s5+s3], $0x80, v4, vm0, $0xb8;
	[tilespmem:$0x8100] =	vst v63  }
0x406: {  	_ = 	snop  }
0x407: {  	[tilespmem:s30], [sflag:$0x1] =	stream.indirect_vreg.gather [hbm4b:s1+s3], $0x80, v3, vm0, $0xb8;
	[tilespmem:$0x8100] =	vst v63  }
0x408: {  	_ = 	snop  }
0x409: {  	[tilespmem:s31], [sflag:$0x1] =	stream.indirect_vreg.gather [hbm4b:s5+s3], $0x80, v3, vm0, $0xb8;
	[tilespmem:$0x8100] =	vst v63  }
0x40a: {  	_ =	swait.ge [sflag:s0], $0x8000  }
0x40b: {  	[sflag:s0] =	ssyncset.done $0x0  }
0x40c: {  	[sflag:s0] =	ssyncadd.s32 $0xFFFF8000  }
0x40d: {  	v3 =	vld [tilespmem:$0x80];
	_ =	sdelay $0x4  }
0x40e: {  	v60 =	vshll.u32 v3, $0x2  }
0x40f: {  	v3 =	vand.u32 $0x7, v3;
	v4 =	vand.u32 $0xFFFFFFE0, v60  }
0x410: {  	v3 =	vor.u32 v3, v4  }
0x411: {  	v4 =	vperm.xlane v3, v0;
	_ =	sdelay $0x1  }
0x412: {  	v4 =	vadd.s32 v1, v4;
	_ =	sdelay $0x1  }
0x413: {  	v3 =	vperm.xlane v3, v2;
	_ =	sdelay $0x1  }
0x414: {  	v3 =	vadd.s32 v1, v3  }
0x415: {  	[hbm4b:s4+s3] =	stream.indirect_vreg.scatter [tilespmem:s15], [sflag:$0x1], $0x80, v4, vm0, $0xb8;
	[tilespmem:$0x8100] =	vst v63  }
0x416: {  	_ = 	snop  }
0x417: {  	[hbm4b:s6+s3] =	stream.indirect_vreg.scatter [tilespmem:s16], [sflag:$0x1], $0x80, v4, vm0, $0xb8;
	[tilespmem:$0x8100] =	vst v63  }
0x418: {  	_ = 	snop  }
0x419: {  	[hbm4b:s4+s3] =	stream.indirect_vreg.scatter [tilespmem:s17], [sflag:$0x1], $0x80, v3, vm0, $0xb8;
	[tilespmem:$0x8100] =	vst v63  }
0x41a: {  	_ = 	snop  }
0x41b: {  	[hbm4b:s6+s3] =	stream.indirect_vreg.scatter [tilespmem:s18], [sflag:$0x1], $0x80, v3, vm0, $0xb8;
	[tilespmem:$0x8100] =	vst v63  }
0x41c: {  	v3 =	vld [tilespmem:$0x90];
	_ =	sdelay $0x4  }
0x41d: {  	v61 =	vshll.u32 v3, $0x2  }
0x41e: {  	v3 =	vand.u32 $0x7, v3;
	v4 =	vand.u32 $0xFFFFFFE0, v61  }
0x41f: {  	v3 =	vor.u32 v3, v4  }
0x420: {  	v4 =	vperm.xlane v3, v0;
	_ =	sdelay $0x1  }
0x421: {  	v4 =	vadd.s32 v1, v4;
	_ =	sdelay $0x1  }
0x422: {  	v3 =	vperm.xlane v3, v2;
	_ =	sdelay $0x1  }
0x423: {  	v3 =	vadd.s32 v1, v3  }
0x424: {  	[hbm4b:s4+s3] =	stream.indirect_vreg.scatter [tilespmem:s19], [sflag:$0x1], $0x80, v4, vm0, $0xb8;
	[tilespmem:$0x8100] =	vst v63  }
0x425: {  	_ = 	snop  }
0x426: {  	[hbm4b:s6+s3] =	stream.indirect_vreg.scatter [tilespmem:s20], [sflag:$0x1], $0x80, v4, vm0, $0xb8;
	[tilespmem:$0x8100] =	vst v63  }
0x427: {  	_ = 	snop  }
0x428: {  	[hbm4b:s4+s3] =	stream.indirect_vreg.scatter [tilespmem:s21], [sflag:$0x1], $0x80, v3, vm0, $0xb8;
	[tilespmem:$0x8100] =	vst v63  }
0x429: {  	_ = 	snop  }
0x42a: {  	[hbm4b:s6+s3] =	stream.indirect_vreg.scatter [tilespmem:s22], [sflag:$0x1], $0x80, v3, vm0, $0xb8;
	[tilespmem:$0x8100] =	vst v63  }
0x42b: {  	v3 =	vld [tilespmem:$0xA0];
	_ =	sdelay $0x4  }
0x42c: {  	v62 =	vshll.u32 v3, $0x2  }
0x42d: {  	v3 =	vand.u32 $0x7, v3;
	v4 =	vand.u32 $0xFFFFFFE0, v62  }
0x42e: {  	v3 =	vor.u32 v3, v4  }
0x42f: {  	v4 =	vperm.xlane v3, v0;
	_ =	sdelay $0x1  }
0x430: {  	v4 =	vadd.s32 v1, v4;
	_ =	sdelay $0x1  }
0x431: {  	v3 =	vperm.xlane v3, v2;
	_ =	sdelay $0x1  }
0x432: {  	v3 =	vadd.s32 v1, v3  }
0x433: {  	[hbm4b:s4+s3] =	stream.indirect_vreg.scatter [tilespmem:s23], [sflag:$0x1], $0x80, v4, vm0, $0xb8;
	[tilespmem:$0x8100] =	vst v63  }
0x434: {  	_ = 	snop  }
0x435: {  	[hbm4b:s6+s3] =	stream.indirect_vreg.scatter [tilespmem:s24], [sflag:$0x1], $0x80, v4, vm0, $0xb8;
	[tilespmem:$0x8100] =	vst v63  }
0x436: {  	_ = 	snop  }
0x437: {  	[hbm4b:s4+s3] =	stream.indirect_vreg.scatter [tilespmem:s25], [sflag:$0x1], $0x80, v3, vm0, $0xb8;
	[tilespmem:$0x8100] =	vst v63  }
0x438: {  	_ = 	snop  }
0x439: {  	[hbm4b:s6+s3] =	stream.indirect_vreg.scatter [tilespmem:s26], [sflag:$0x1], $0x80, v3, vm0, $0xb8;
	[tilespmem:$0x8100] =	vst v63  }
0x43a: {  	v3 =	vld [tilespmem:$0xB0];
	_ =	sdelay $0x4  }
0x43b: {  	v63 =	vshll.u32 v3, $0x2  }
0x43c: {  	v3 =	vand.u32 $0x7, v3;
	v4 =	vand.u32 $0xFFFFFFE0, v63  }
0x43d: {  	v3 =	vor.u32 v3, v4  }
0x43e: {  	v4 =	vperm.xlane v3, v0;
	_ =	sdelay $0x1  }
0x43f: {  	v4 =	vadd.s32 v1, v4;
	_ =	sdelay $0x1  }
0x440: {  	v3 =	vperm.xlane v3, v2;
	_ =	sdelay $0x1  }
0x441: {  	v3 =	vadd.s32 v1, v3  }
0x442: {  	[hbm4b:s4+s3] =	stream.indirect_vreg.scatter [tilespmem:s28], [sflag:$0x1], $0x80, v4, vm0, $0xb8;
	[tilespmem:$0x8100] =	vst v63  }
0x443: {  	_ = 	snop  }
0x444: {  	[hbm4b:s6+s3] =	stream.indirect_vreg.scatter [tilespmem:s29], [sflag:$0x1], $0x80, v4, vm0, $0xb8;
	[tilespmem:$0x8100] =	vst v63  }
0x445: {  	p0 =	sne.s32 s12, $0x1  }
0x446: {  	[hbm4b:s4+s3] =	stream.indirect_vreg.scatter [tilespmem:s30], [sflag:$0x1], $0x80, v3, vm0, $0xb8;
	[tilespmem:$0x8100] =	vst v63  }
.Ltmp0:
0x447: {  	_ = 	snop;
	(pc) =	sbr.rel @p0 .LBB2_1-.Ltmp0, $4  }
0x448: {  	[hbm4b:s6+s3] =	stream.indirect_vreg.scatter [tilespmem:s31], [sflag:$0x1], $0x80, v3, vm0, $0xb8;
	[tilespmem:$0x8100] =	vst v63  }
0x449: {  	_ =	swait.ge [sflag:s0], $0x8000  }
0x44a: {  	[sflag:s0] =	ssyncset.done $0x0  }
0x44b: {  	s12 =	sadd.s32 $0xFFFFFFFF, s12;
	[sflag:s0] =	ssyncadd.s32 $0xFFFF8000  }
0x44c: {  	_ =	sfence.sel $0x180000  }
0x44d: {  	[bflag:$0x0] =	sbarrier.arrive $0xFFFF  }
0x44e: {  	_ =	strace $0x90000047  }
0x44f: {  	s0 =	stileid.u32;
	[bflag:$0x2] =	sbarrier.arrive $0xFFFF  }
0x450: {  	p0 =	sne.s32 s0, $0x0;
	s0 =	rddreg [dreg:$0x3]  }
0x451: {  	s0 =	sadd.s32 @!p0 $0x100000, s0  }
0x452: {  	[sflag:s0] =	ssyncadd.tile.s32 @!p0 $0x1;
	_ =	shalt  }
.Lfunc_end2:
_tile_overlayer_lowered:
.L_overlay_start_2:
0x453: {  	(tag) =	ssettag $0x2  }
0x454: {  	s0 =	rddreg [dreg:$0x0];
	s2 =	stileid.u32  }
0x455: {  	s1 =	rddreg [dreg:$0x1];
	p0 =	sne.s32 s2, $0x0  }
0x456: {  	s3 =	rddreg [dreg:$0x2];
	[bflag:$0x3] =	sbarrier.arrive $0xFFFF;
	s2 =	simm.s32 @!p0 $0x1C02  }
0x457: {  	[timem:s3], [sflag:s2] =	dma.local @!p0 [hbm:s0], s1  }
0x458: {  	s0 =	simm.s32 @!p0 $0x2  }
0x459: {  	_ =	swait.ge @!p0 [sflag:s0], s1  }
0x45a: {  	s1 =	ssub.s32 @!p0 $0x0, s1;
	[sflag:s0] =	ssyncset.done @!p0 $0x0  }
0x45b: {  	[sflag:s0] =	ssyncadd.s32 @!p0 s1  }
0x45c: {  	[bflag:$0x3] =	sbarrier.arrive $0xFFFF  }
0x45d: {  	_ =	shalt  }

</sc_bundles>
